<compile_context>
chip_gen: v7x
topology: tpu7x:2x2x1
jax: 0.10.2.dev20260603
libtpu: 0.0.44.dev20260713+nightly
codegen_flags: <defaults>
</compile_context>

<pallas_src>
import functools

import jax
import jax.numpy as jnp
from jax import lax
from jax.experimental import pallas as pl
from jax.experimental.pallas import tpu as pltpu
from jax.experimental.pallas import tpu_sc as plsc

NC = 2
NS = 16
NW = NC * NS


def _sc_gather_scatter_add(n_rows, row_w, n_chunks, chunk, nbuf):
    rps = n_rows // NS
    mesh = plsc.VectorSubcoreMesh(core_axis_name="core",
                                  subcore_axis_name="subcore")

    @functools.partial(
        pl.kernel,
        out_type=jax.ShapeDtypeStruct((NC, n_rows, row_w), jnp.float32),
        mesh=mesh,
        compiler_params=pltpu.CompilerParams(use_tc_tiling_on_sc=False),
        scratch_types=[
            pltpu.VMEM((n_chunks, chunk), jnp.int32),
            pltpu.VMEM((n_chunks, chunk), jnp.int32),
            pltpu.VMEM((nbuf * chunk, row_w), jnp.float32),
            pltpu.VMEM_SHARED((n_rows, row_w), jnp.float32),
            [pltpu.SemaphoreType.DMA for _ in range(nbuf)],
        ],
    )
    def body(table_hbm, idx_hbm, dst_hbm, zero_hbm, out_hbm,
             idx_v, dst_v, buf_all, acc_sh, sems):
        bufs = [buf_all.at[pl.ds(b * chunk, chunk)] for b in range(nbuf)]
        cid = lax.axis_index("core")
        sid = lax.axis_index("subcore")
        wid = sid * NC + cid
        pltpu.sync_copy(zero_hbm.at[pl.ds(sid * rps, rps)],
                        acc_sh.at[pl.ds(sid * rps, rps)])
        pltpu.sync_copy(idx_hbm.at[wid], idx_v)
        pltpu.sync_copy(dst_hbm.at[wid], dst_v)
        plsc.subcore_barrier()

        @pl.loop(0, n_chunks, step=nbuf)
        def _(i):
            for b in range(nbuf):
                pltpu.async_copy(table_hbm.at[idx_v.at[i + b]],
                                 bufs[b], sems[b])
            for b in range(nbuf):
                pltpu.make_async_copy(table_hbm.at[idx_v.at[i + b]],
                                      bufs[b], sems[b]).wait()
                pltpu.sync_copy(bufs[b], acc_sh.at[dst_v.at[i + b]],
                                add=True)

        plsc.subcore_barrier()
        pltpu.sync_copy(acc_sh.at[pl.ds(sid * rps, rps)],
                        out_hbm.at[cid].at[pl.ds(sid * rps, rps)])

    return body


def _dense_stage(n_nodes, hidden, n_rel, n_cls, bn):

    def body(hp_ref, root1_ref, b1_ref, w2t_ref, root2_ref, b2_ref,
             p_ref, oroot_ref):
        h = hp_ref[0] + hp_ref[1] + root1_ref[...] + b1_ref[...]
        h = jnp.maximum(h, 0.0)
        oroot_ref[...] = (
            jnp.dot(h, root2_ref[...], preferred_element_type=jnp.float32)
            + b2_ref[...])
        p_ref[...] = jnp.dot(h, w2t_ref[...],
                             preferred_element_type=jnp.float32)

    return pl.pallas_call(
        body,
        grid=(n_nodes // bn,),
        in_specs=[
            pl.BlockSpec((2, bn, hidden), lambda i: (0, i, 0)),
            pl.BlockSpec((bn, hidden), lambda i: (i, 0)),
            pl.BlockSpec((1, hidden), lambda i: (0, 0)),
            pl.BlockSpec((hidden, n_rel * n_cls), lambda i: (0, 0)),
            pl.BlockSpec((hidden, n_cls), lambda i: (0, 0)),
            pl.BlockSpec((1, n_cls), lambda i: (0, 0)),
        ],
        out_specs=[
            pl.BlockSpec((bn, n_rel * n_cls), lambda i: (i, 0)),
            pl.BlockSpec((bn, n_cls), lambda i: (i, 0)),
        ],
        out_shape=[
            jax.ShapeDtypeStruct((n_nodes, n_rel * n_cls), jnp.float32),
            jax.ShapeDtypeStruct((n_nodes, n_cls), jnp.float32),
        ],
    )


def _final_stage(n_nodes, n_cls, bn):

    def body(o2_ref, oroot_ref, out_ref):
        x = o2_ref[0] + o2_ref[1] + oroot_ref[...]
        m = jnp.max(x, axis=1, keepdims=True)
        e = jnp.exp(x - m)
        lse = jnp.log(jnp.sum(e, axis=1, keepdims=True))
        out_ref[...] = x - m - lse

    return pl.pallas_call(
        body,
        grid=(n_nodes // bn,),
        in_specs=[
            pl.BlockSpec((2, bn, n_cls), lambda i: (0, i, 0)),
            pl.BlockSpec((bn, n_cls), lambda i: (i, 0)),
        ],
        out_specs=pl.BlockSpec((bn, n_cls), lambda i: (i, 0)),
        out_shape=jax.ShapeDtypeStruct((n_nodes, n_cls), jnp.float32),
    )


def kernel(edge_index, edge_type, W1, root1, b1, W2, root2, b2):
    n_rel, n_nodes, hidden = W1.shape
    n_cls = root2.shape[1]
    n_edges = edge_type.shape[0]

    chunk1, nbuf1 = 80, 1
    chunk2, nbuf2 = 80, 25
    epw = n_edges // NW

    src = edge_index[0]
    dst = edge_index[1]
    n_pad = ((n_nodes + 8 * NS - 1) // (8 * NS)) * (8 * NS)

    def _shard(x, fill, chunk, nbuf):
        n_chunks = -(-(-(-epw // chunk)) // nbuf) * nbuf
        pad = n_chunks * chunk - epw
        if fill is None:
            fill_vec = n_nodes + jnp.arange(pad, dtype=jnp.int32) % (
                n_pad - n_nodes)
            pad_blk = jnp.broadcast_to(fill_vec, (NW, pad))
            x = jnp.concatenate([x.reshape(NW, epw), pad_blk], axis=1)
        else:
            x = jnp.pad(x.reshape(NW, epw), ((0, 0), (0, pad)),
                        constant_values=fill)
        return x.reshape(NW, n_chunks, chunk), n_chunks

    idx1, nch1 = _shard(edge_type * n_nodes + src, 0, chunk1, nbuf1)
    idx2, nch2 = _shard(src * n_rel + edge_type, 0, chunk2, nbuf2)
    dstr1, _ = _shard(dst, None, chunk1, nbuf1)
    dstr2 = dstr1.reshape(NW, nch2, chunk2) if nch2 * chunk2 == nch1 * chunk1         else _shard(dst, None, chunk2, nbuf2)[0]
    zeros_h = jnp.zeros((n_pad, hidden), jnp.float32)
    zeros_c = jnp.zeros((n_pad, n_cls), jnp.float32)

    l1 = _sc_gather_scatter_add(n_pad, hidden, nch1, chunk1, nbuf1)
    hp = l1(W1.reshape(n_rel * n_nodes, hidden), idx1, dstr1, zeros_h)

    w2t = W2.transpose(1, 0, 2).reshape(hidden, n_rel * n_cls)
    p, oroot = _dense_stage(n_nodes, hidden, n_rel, n_cls, 2000)(
        hp, root1, b1.reshape(1, hidden), w2t, root2, b2.reshape(1, n_cls))

    l2 = _sc_gather_scatter_add(n_pad, n_cls, nch2, chunk2, nbuf2)
    out2 = l2(p.reshape(n_nodes * n_rel, n_cls), idx2, dstr2, zeros_c)

    return _final_stage(n_nodes, n_cls, 2000)(out2, oroot)

# --- scband reference (transcript-rebuilt; emitter-appended) ---
"""Pipeline reference for scband-net-43679817401125 (READ-ONLY COPY).

The authoritative reference and input builder live on the scoring server;
editing this copy changes nothing except your own understanding.
"""

import jax, jax.numpy as jnp
import numpy as np

N_NODES = 10000
HIDDEN = 128
N_REL = 8
N_CLASSES = 8
N_EDGES = 320000


def setup_inputs(seed: int = 0) -> dict:
    key = jax.random.key(seed)
    ks = jax.random.split(key, 8)
    edge_index = jax.random.randint(ks[0], (2, N_EDGES), 0, N_NODES, dtype=jnp.int64 if jax.config.jax_enable_x64 else jnp.int32).astype(jnp.int32)
    edge_type = jnp.sort(jax.random.randint(ks[1], (N_EDGES,), 0, N_REL).astype(jnp.int32))
    # RGCNConv layer 1: x=None -> in_channels = num_nodes (featureless / one-hot inputs)
    W1 = jax.random.normal(ks[2], (N_REL, N_NODES, HIDDEN), dtype=jnp.float32) * 0.02
    root1 = jax.random.normal(ks[3], (N_NODES, HIDDEN), dtype=jnp.float32) * 0.02
    b1 = jnp.zeros((HIDDEN,), dtype=jnp.float32)
    # RGCNConv layer 2: hidden -> num_classes
    W2 = jax.random.normal(ks[4], (N_REL, HIDDEN, N_CLASSES), dtype=jnp.float32) * 0.02
    root2 = jax.random.normal(ks[5], (HIDDEN, N_CLASSES), dtype=jnp.float32) * 0.02
    b2 = jnp.zeros((N_CLASSES,), dtype=jnp.float32)
    return {"edge_index": edge_index, "edge_type": edge_type,
            "W1": W1, "root1": root1, "b1": b1,
            "W2": W2, "root2": root2, "b2": b2}


def reference(edge_index, edge_type, W1, root1, b1, W2, root2, b2):
    src = edge_index[0]
    dst = edge_index[1]
    n_nodes = root1.shape[0]
    hidden = root1.shape[1]
    n_classes = root2.shape[1]

    # ---- RGCNConv layer 1 (x = None, featureless): message = W1[edge_type, src] ----
    msgs1 = W1[edge_type, src]  # [E, H] gather (embedding-style lookup into per-relation tables)
    h = jnp.zeros((n_nodes, hidden), dtype=jnp.float32).at[dst].add(msgs1)  # aggr='add'
    # root transform for featureless input is row lookup of root1 by node id == root1 itself
    h = h + root1 + b1
    h = jax.nn.relu(h)

    # ---- RGCNConv layer 2: message = h[src] @ W2[edge_type] ----
    xe = h[src]  # [E, H] gather
    all_msgs = jnp.einsum('eh,rhc->erc', xe, W2)  # [E, R, C]
    msgs2 = jnp.take_along_axis(all_msgs, edge_type[:, None, None], axis=1)[:, 0, :]  # [E, C]
    out = jnp.zeros((n_nodes, n_classes), dtype=jnp.float32).at[dst].add(msgs2)  # aggr='add'
    out = out + h @ root2 + b2

    return jax.nn.log_softmax(out, axis=1)

if __name__ == "__main__":
    import jax
    _d = setup_inputs()
    print(jax.jit(kernel)(*tuple(_d.values())))

</pallas_src>

<mosaic_0001>
#map = affine_map<(d0, d1) -> (0, 0)>
#map1 = affine_map<(d0, d1) -> (0, 0, 0)>
module attributes {stable_mosaic.version = 14 : i64} {
  func.func @body(%arg0: i32, %arg1: i32, %arg2: memref<80000x8xf32, #tpu.memory_space<hbm>>, %arg3: memref<32x125x80xi32, #tpu.memory_space<hbm>>, %arg4: memref<32x125x80xi32, #tpu.memory_space<hbm>>, %arg5: memref<10112x8xf32, #tpu.memory_space<hbm>>, %arg6: memref<2x10112x8xf32, #tpu.memory_space<hbm>>, %arg7: memref<125x80xi32, #tpu.memory_space<vmem>>, %arg8: memref<125x80xi32, #tpu.memory_space<vmem>>, %arg9: memref<2000x8xf32, #tpu.memory_space<vmem>>, %arg10: memref<10112x8xf32, #tpu.memory_space<vmem_shared>>, %arg11: memref<!tpu.dma_semaphore, #tpu.memory_space<semaphore_mem>>, %arg12: memref<!tpu.dma_semaphore, #tpu.memory_space<semaphore_mem>>, %arg13: memref<!tpu.dma_semaphore, #tpu.memory_space<semaphore_mem>>, %arg14: memref<!tpu.dma_semaphore, #tpu.memory_space<semaphore_mem>>, %arg15: memref<!tpu.dma_semaphore, #tpu.memory_space<semaphore_mem>>, %arg16: memref<!tpu.dma_semaphore, #tpu.memory_space<semaphore_mem>>, %arg17: memref<!tpu.dma_semaphore, #tpu.memory_space<semaphore_mem>>, %arg18: memref<!tpu.dma_semaphore, #tpu.memory_space<semaphore_mem>>, %arg19: memref<!tpu.dma_semaphore, #tpu.memory_space<semaphore_mem>>, %arg20: memref<!tpu.dma_semaphore, #tpu.memory_space<semaphore_mem>>, %arg21: memref<!tpu.dma_semaphore, #tpu.memory_space<semaphore_mem>>, %arg22: memref<!tpu.dma_semaphore, #tpu.memory_space<semaphore_mem>>, %arg23: memref<!tpu.dma_semaphore, #tpu.memory_space<semaphore_mem>>, %arg24: memref<!tpu.dma_semaphore, #tpu.memory_space<semaphore_mem>>, %arg25: memref<!tpu.dma_semaphore, #tpu.memory_space<semaphore_mem>>, %arg26: memref<!tpu.dma_semaphore, #tpu.memory_space<semaphore_mem>>, %arg27: memref<!tpu.dma_semaphore, #tpu.memory_space<semaphore_mem>>, %arg28: memref<!tpu.dma_semaphore, #tpu.memory_space<semaphore_mem>>, %arg29: memref<!tpu.dma_semaphore, #tpu.memory_space<semaphore_mem>>, %arg30: memref<!tpu.dma_semaphore, #tpu.memory_space<semaphore_mem>>, %arg31: memref<!tpu.dma_semaphore, #tpu.memory_space<semaphore_mem>>, %arg32: memref<!tpu.dma_semaphore, #tpu.memory_space<semaphore_mem>>, %arg33: memref<!tpu.dma_semaphore, #tpu.memory_space<semaphore_mem>>, %arg34: memref<!tpu.dma_semaphore, #tpu.memory_space<semaphore_mem>>, %arg35: memref<!tpu.dma_semaphore, #tpu.memory_space<semaphore_mem>>) attributes {dimension_semantics = [#tpu.dimension_semantics<core_parallel>, #tpu.dimension_semantics<subcore_parallel>], iteration_bounds = array<i64: 2, 16>, scalar_prefetch = 0 : i64, scratch_operands = 29 : i64, tpu.core_type = #tpu.core_type<sc_vector_subcore>, window_params = [{transform_indices = #map}, {transform_indices = #map1}, {transform_indices = #map1}, {transform_indices = #map}, {transform_indices = #map1}]} {
    %mul3A = arith.constant 2 : i32
    %mul3A_0 = arith.muli %arg1, %mul3A : i32
    %add3A = arith.addi %mul3A_0, %arg0 : i32
    %mul3A_1 = arith.constant 632 : i32
    %mul3A_2 = arith.muli %arg1, %mul3A_1 : i32
    %mul3A_3 = arith.constant 632 : i32
    %mul3A_4 = arith.muli %arg1, %mul3A_3 : i32
    "tpu.region"() ({
      %run_scoped3A = tpu.sem_alloc : memref<!tpu.dma_semaphore, #tpu.memory_space<semaphore_mem>>
      %dma_start3A = arith.constant 0 : i32
      %dma_start3A_14 = tpu.memref_slice %arg10[%mul3A_4, %dma_start3A] : memref<10112x8xf32, #tpu.memory_space<vmem_shared>> -> memref<632x8xf32, #tpu.memory_space<vmem_shared>>
      %dma_start3A_15 = arith.constant 0 : i32
      %dma_start3A_16 = tpu.memref_slice %arg5[%mul3A_2, %dma_start3A_15] : memref<10112x8xf32, #tpu.memory_space<hbm>> -> memref<632x8xf32, #tpu.memory_space<hbm>>
      tpu.enqueue_dma source(%dma_start3A_16 : memref<632x8xf32, #tpu.memory_space<hbm>>) target(%dma_start3A_14 : memref<632x8xf32, #tpu.memory_space<vmem_shared>>) target_semaphore(%run_scoped3A : memref<!tpu.dma_semaphore, #tpu.memory_space<semaphore_mem>>)
      %dma_wait3A = arith.constant 0 : i32
      %dma_wait3A_17 = tpu.memref_slice %arg10[%mul3A_4, %dma_wait3A] : memref<10112x8xf32, #tpu.memory_space<vmem_shared>> -> memref<632x8xf32, #tpu.memory_space<vmem_shared>>
      %dma_wait3A_18 = arith.constant 0 : i32
      %dma_wait3A_19 = tpu.memref_slice %arg5[%mul3A_2, %dma_wait3A_18] : memref<10112x8xf32, #tpu.memory_space<hbm>> -> memref<632x8xf32, #tpu.memory_space<hbm>>
      tpu.wait_dma2 semaphore(%run_scoped3A : memref<!tpu.dma_semaphore, #tpu.memory_space<semaphore_mem>>) src(%dma_wait3A_19 : memref<632x8xf32, #tpu.memory_space<hbm>>) dst(%dma_wait3A_17 : memref<632x8xf32, #tpu.memory_space<vmem_shared>>)
      tpu.yield
    }) : () -> ()
    "tpu.region"() ({
      %run_scoped3A = tpu.sem_alloc : memref<!tpu.dma_semaphore, #tpu.memory_space<semaphore_mem>>
      %dma_start3A = arith.constant 0 : i32
      %dma_start3A_14 = arith.constant 0 : i32
      %dma_start3A_15 = tpu.memref_slice %arg3[%add3A, %dma_start3A, %dma_start3A_14] : memref<32x125x80xi32, #tpu.memory_space<hbm>> -> memref<1x125x80xi32, #tpu.memory_space<hbm>>
      %dma_start3A_16 = tpu.memref_squeeze %dma_start3A_15 : memref<1x125x80xi32, #tpu.memory_space<hbm>> -> memref<125x80xi32, #tpu.memory_space<hbm>>
      %dma_start3A_17 = arith.constant 0 : i32
      %dma_start3A_18 = arith.constant 0 : i32
      %dma_start3A_19 = tpu.memref_slice %arg3[%add3A, %dma_start3A_17, %dma_start3A_18] : memref<32x125x80xi32, #tpu.memory_space<hbm>> -> memref<1x125x80xi32, #tpu.memory_space<hbm>>
      %dma_start3A_20 = tpu.memref_squeeze %dma_start3A_19 : memref<1x125x80xi32, #tpu.memory_space<hbm>> -> memref<125x80xi32, #tpu.memory_space<hbm>>
      tpu.enqueue_dma source(%dma_start3A_20 : memref<125x80xi32, #tpu.memory_space<hbm>>) target(%arg7 : memref<125x80xi32, #tpu.memory_space<vmem>>) target_semaphore(%run_scoped3A : memref<!tpu.dma_semaphore, #tpu.memory_space<semaphore_mem>>)
      %dma_wait3A = arith.constant 0 : i32
      %dma_wait3A_21 = arith.constant 0 : i32
      %dma_wait3A_22 = tpu.memref_slice %arg3[%add3A, %dma_wait3A, %dma_wait3A_21] : memref<32x125x80xi32, #tpu.memory_space<hbm>> -> memref<1x125x80xi32, #tpu.memory_space<hbm>>
      %dma_wait3A_23 = tpu.memref_squeeze %dma_wait3A_22 : memref<1x125x80xi32, #tpu.memory_space<hbm>> -> memref<125x80xi32, #tpu.memory_space<hbm>>
      %dma_wait3A_24 = arith.constant 0 : i32
      %dma_wait3A_25 = arith.constant 0 : i32
      %dma_wait3A_26 = tpu.memref_slice %arg3[%add3A, %dma_wait3A_24, %dma_wait3A_25] : memref<32x125x80xi32, #tpu.memory_space<hbm>> -> memref<1x125x80xi32, #tpu.memory_space<hbm>>
      %dma_wait3A_27 = tpu.memref_squeeze %dma_wait3A_26 : memref<1x125x80xi32, #tpu.memory_space<hbm>> -> memref<125x80xi32, #tpu.memory_space<hbm>>
      tpu.wait_dma2 semaphore(%run_scoped3A : memref<!tpu.dma_semaphore, #tpu.memory_space<semaphore_mem>>) src(%dma_wait3A_27 : memref<125x80xi32, #tpu.memory_space<hbm>>) dst(%arg7 : memref<125x80xi32, #tpu.memory_space<vmem>>)
      tpu.yield
    }) : () -> ()
    "tpu.region"() ({
      %run_scoped3A = tpu.sem_alloc : memref<!tpu.dma_semaphore, #tpu.memory_space<semaphore_mem>>
      %dma_start3A = arith.constant 0 : i32
      %dma_start3A_14 = arith.constant 0 : i32
      %dma_start3A_15 = tpu.memref_slice %arg4[%add3A, %dma_start3A, %dma_start3A_14] : memref<32x125x80xi32, #tpu.memory_space<hbm>> -> memref<1x125x80xi32, #tpu.memory_space<hbm>>
      %dma_start3A_16 = tpu.memref_squeeze %dma_start3A_15 : memref<1x125x80xi32, #tpu.memory_space<hbm>> -> memref<125x80xi32, #tpu.memory_space<hbm>>
      %dma_start3A_17 = arith.constant 0 : i32
      %dma_start3A_18 = arith.constant 0 : i32
      %dma_start3A_19 = tpu.memref_slice %arg4[%add3A, %dma_start3A_17, %dma_start3A_18] : memref<32x125x80xi32, #tpu.memory_space<hbm>> -> memref<1x125x80xi32, #tpu.memory_space<hbm>>
      %dma_start3A_20 = tpu.memref_squeeze %dma_start3A_19 : memref<1x125x80xi32, #tpu.memory_space<hbm>> -> memref<125x80xi32, #tpu.memory_space<hbm>>
      tpu.enqueue_dma source(%dma_start3A_20 : memref<125x80xi32, #tpu.memory_space<hbm>>) target(%arg8 : memref<125x80xi32, #tpu.memory_space<vmem>>) target_semaphore(%run_scoped3A : memref<!tpu.dma_semaphore, #tpu.memory_space<semaphore_mem>>)
      %dma_wait3A = arith.constant 0 : i32
      %dma_wait3A_21 = arith.constant 0 : i32
      %dma_wait3A_22 = tpu.memref_slice %arg4[%add3A, %dma_wait3A, %dma_wait3A_21] : memref<32x125x80xi32, #tpu.memory_space<hbm>> -> memref<1x125x80xi32, #tpu.memory_space<hbm>>
      %dma_wait3A_23 = tpu.memref_squeeze %dma_wait3A_22 : memref<1x125x80xi32, #tpu.memory_space<hbm>> -> memref<125x80xi32, #tpu.memory_space<hbm>>
      %dma_wait3A_24 = arith.constant 0 : i32
      %dma_wait3A_25 = arith.constant 0 : i32
      %dma_wait3A_26 = tpu.memref_slice %arg4[%add3A, %dma_wait3A_24, %dma_wait3A_25] : memref<32x125x80xi32, #tpu.memory_space<hbm>> -> memref<1x125x80xi32, #tpu.memory_space<hbm>>
      %dma_wait3A_27 = tpu.memref_squeeze %dma_wait3A_26 : memref<1x125x80xi32, #tpu.memory_space<hbm>> -> memref<125x80xi32, #tpu.memory_space<hbm>>
      tpu.wait_dma2 semaphore(%run_scoped3A : memref<!tpu.dma_semaphore, #tpu.memory_space<semaphore_mem>>) src(%dma_wait3A_27 : memref<125x80xi32, #tpu.memory_space<hbm>>) dst(%arg8 : memref<125x80xi32, #tpu.memory_space<vmem>>)
      tpu.yield
    }) : () -> ()
    %barrier3A = arith.constant 0 : index
    tpu.barrier barrier_id(%barrier3A)
    %scan3A = arith.constant 0 : i32
    %scan3A_5 = arith.constant 5 : i32
    %scan3A_6 = arith.addi %scan3A, %scan3A_5 : i32
    %scan3A_7 = arith.constant 1 : i32
    scf.for %scan3A_14 = %scan3A to %scan3A_6 step %scan3A_7  : i32 {
      %mul3A_15 = arith.constant 25 : i32
      %mul3A_16 = arith.muli %scan3A_14, %mul3A_15 : i32
      %add3A_17 = arith.constant 0 : i32
      %add3A_18 = arith.addi %add3A_17, %mul3A_16 : i32
      %add3A_19 = arith.constant 0 : i32
      %add3A_20 = arith.addi %add3A_18, %add3A_19 : i32
      %dma_start3A = arith.constant 0 : i32
      %dma_start3A_21 = arith.constant 0 : i32
      %dma_start3A_22 = tpu.memref_slice %arg9[%dma_start3A, %dma_start3A_21] : memref<2000x8xf32, #tpu.memory_space<vmem>> -> memref<80x8xf32, #tpu.memory_space<vmem>>
      %dma_start3A_23 = arith.constant 0 : i32
      %dma_start3A_24 = tpu.memref_slice %arg7[%add3A_20, %dma_start3A_23] : memref<125x80xi32, #tpu.memory_space<vmem>> -> memref<1x80xi32, #tpu.memory_space<vmem>>
      %dma_start3A_25 = tpu.memref_squeeze %dma_start3A_24 : memref<1x80xi32, #tpu.memory_space<vmem>> -> memref<80xi32, #tpu.memory_space<vmem>>
      %dma_start3A_26 = arith.constant 0 : i32
      %dma_start3A_27 = arith.constant 0 : i32
      %dma_start3A_28 = tpu.memref_slice %arg2[%dma_start3A_26, %dma_start3A_27] : memref<80000x8xf32, #tpu.memory_space<hbm>> -> memref<80000x8xf32, #tpu.memory_space<hbm>>
      tpu.enqueue_indirect_dma source(%dma_start3A_28 : memref<80000x8xf32, #tpu.memory_space<hbm>>) target(%dma_start3A_22 : memref<80x8xf32, #tpu.memory_space<vmem>>) offsets(%dma_start3A_25 : memref<80xi32, #tpu.memory_space<vmem>>) semaphore(%arg11 : memref<!tpu.dma_semaphore, #tpu.memory_space<semaphore_mem>>)
      %add3A_29 = arith.constant 1 : i32
      %add3A_30 = arith.addi %add3A_18, %add3A_29 : i32
      %dma_start3A_31 = arith.constant 80 : i32
      %dma_start3A_32 = arith.constant 0 : i32
      %dma_start3A_33 = tpu.memref_slice %arg9[%dma_start3A_31, %dma_start3A_32] : memref<2000x8xf32, #tpu.memory_space<vmem>> -> memref<80x8xf32, #tpu.memory_space<vmem>>
      %dma_start3A_34 = arith.constant 0 : i32
      %dma_start3A_35 = tpu.memref_slice %arg7[%add3A_30, %dma_start3A_34] : memref<125x80xi32, #tpu.memory_space<vmem>> -> memref<1x80xi32, #tpu.memory_space<vmem>>
      %dma_start3A_36 = tpu.memref_squeeze %dma_start3A_35 : memref<1x80xi32, #tpu.memory_space<vmem>> -> memref<80xi32, #tpu.memory_space<vmem>>
      %dma_start3A_37 = arith.constant 0 : i32
      %dma_start3A_38 = arith.constant 0 : i32
      %dma_start3A_39 = tpu.memref_slice %arg2[%dma_start3A_37, %dma_start3A_38] : memref<80000x8xf32, #tpu.memory_space<hbm>> -> memref<80000x8xf32, #tpu.memory_space<hbm>>
      tpu.enqueue_indirect_dma source(%dma_start3A_39 : memref<80000x8xf32, #tpu.memory_space<hbm>>) target(%dma_start3A_33 : memref<80x8xf32, #tpu.memory_space<vmem>>) offsets(%dma_start3A_36 : memref<80xi32, #tpu.memory_space<vmem>>) semaphore(%arg12 : memref<!tpu.dma_semaphore, #tpu.memory_space<semaphore_mem>>)
      %add3A_40 = arith.constant 2 : i32
      %add3A_41 = arith.addi %add3A_18, %add3A_40 : i32
      %dma_start3A_42 = arith.constant 160 : i32
      %dma_start3A_43 = arith.constant 0 : i32
      %dma_start3A_44 = tpu.memref_slice %arg9[%dma_start3A_42, %dma_start3A_43] : memref<2000x8xf32, #tpu.memory_space<vmem>> -> memref<80x8xf32, #tpu.memory_space<vmem>>
      %dma_start3A_45 = arith.constant 0 : i32
      %dma_start3A_46 = tpu.memref_slice %arg7[%add3A_41, %dma_start3A_45] : memref<125x80xi32, #tpu.memory_space<vmem>> -> memref<1x80xi32, #tpu.memory_space<vmem>>
      %dma_start3A_47 = tpu.memref_squeeze %dma_start3A_46 : memref<1x80xi32, #tpu.memory_space<vmem>> -> memref<80xi32, #tpu.memory_space<vmem>>
      %dma_start3A_48 = arith.constant 0 : i32
      %dma_start3A_49 = arith.constant 0 : i32
      %dma_start3A_50 = tpu.memref_slice %arg2[%dma_start3A_48, %dma_start3A_49] : memref<80000x8xf32, #tpu.memory_space<hbm>> -> memref<80000x8xf32, #tpu.memory_space<hbm>>
      tpu.enqueue_indirect_dma source(%dma_start3A_50 : memref<80000x8xf32, #tpu.memory_space<hbm>>) target(%dma_start3A_44 : memref<80x8xf32, #tpu.memory_space<vmem>>) offsets(%dma_start3A_47 : memref<80xi32, #tpu.memory_space<vmem>>) semaphore(%arg13 : memref<!tpu.dma_semaphore, #tpu.memory_space<semaphore_mem>>)
      %add3A_51 = arith.constant 3 : i32
      %add3A_52 = arith.addi %add3A_18, %add3A_51 : i32
      %dma_start3A_53 = arith.constant 240 : i32
      %dma_start3A_54 = arith.constant 0 : i32
      %dma_start3A_55 = tpu.memref_slice %arg9[%dma_start3A_53, %dma_start3A_54] : memref<2000x8xf32, #tpu.memory_space<vmem>> -> memref<80x8xf32, #tpu.memory_space<vmem>>
      %dma_start3A_56 = arith.constant 0 : i32
      %dma_start3A_57 = tpu.memref_slice %arg7[%add3A_52, %dma_start3A_56] : memref<125x80xi32, #tpu.memory_space<vmem>> -> memref<1x80xi32, #tpu.memory_space<vmem>>
      %dma_start3A_58 = tpu.memref_squeeze %dma_start3A_57 : memref<1x80xi32, #tpu.memory_space<vmem>> -> memref<80xi32, #tpu.memory_space<vmem>>
      %dma_start3A_59 = arith.constant 0 : i32
      %dma_start3A_60 = arith.constant 0 : i32
      %dma_start3A_61 = tpu.memref_slice %arg2[%dma_start3A_59, %dma_start3A_60] : memref<80000x8xf32, #tpu.memory_space<hbm>> -> memref<80000x8xf32, #tpu.memory_space<hbm>>
      tpu.enqueue_indirect_dma source(%dma_start3A_61 : memref<80000x8xf32, #tpu.memory_space<hbm>>) target(%dma_start3A_55 : memref<80x8xf32, #tpu.memory_space<vmem>>) offsets(%dma_start3A_58 : memref<80xi32, #tpu.memory_space<vmem>>) semaphore(%arg14 : memref<!tpu.dma_semaphore, #tpu.memory_space<semaphore_mem>>)
      %add3A_62 = arith.constant 4 : i32
      %add3A_63 = arith.addi %add3A_18, %add3A_62 : i32
      %dma_start3A_64 = arith.constant 320 : i32
      %dma_start3A_65 = arith.constant 0 : i32
      %dma_start3A_66 = tpu.memref_slice %arg9[%dma_start3A_64, %dma_start3A_65] : memref<2000x8xf32, #tpu.memory_space<vmem>> -> memref<80x8xf32, #tpu.memory_space<vmem>>
      %dma_start3A_67 = arith.constant 0 : i32
      %dma_start3A_68 = tpu.memref_slice %arg7[%add3A_63, %dma_start3A_67] : memref<125x80xi32, #tpu.memory_space<vmem>> -> memref<1x80xi32, #tpu.memory_space<vmem>>
      %dma_start3A_69 = tpu.memref_squeeze %dma_start3A_68 : memref<1x80xi32, #tpu.memory_space<vmem>> -> memref<80xi32, #tpu.memory_space<vmem>>
      %dma_start3A_70 = arith.constant 0 : i32
      %dma_start3A_71 = arith.constant 0 : i32
      %dma_start3A_72 = tpu.memref_slice %arg2[%dma_start3A_70, %dma_start3A_71] : memref<80000x8xf32, #tpu.memory_space<hbm>> -> memref<80000x8xf32, #tpu.memory_space<hbm>>
      tpu.enqueue_indirect_dma source(%dma_start3A_72 : memref<80000x8xf32, #tpu.memory_space<hbm>>) target(%dma_start3A_66 : memref<80x8xf32, #tpu.memory_space<vmem>>) offsets(%dma_start3A_69 : memref<80xi32, #tpu.memory_space<vmem>>) semaphore(%arg15 : memref<!tpu.dma_semaphore, #tpu.memory_space<semaphore_mem>>)
      %add3A_73 = arith.constant 5 : i32
      %add3A_74 = arith.addi %add3A_18, %add3A_73 : i32
      %dma_start3A_75 = arith.constant 400 : i32
      %dma_start3A_76 = arith.constant 0 : i32
      %dma_start3A_77 = tpu.memref_slice %arg9[%dma_start3A_75, %dma_start3A_76] : memref<2000x8xf32, #tpu.memory_space<vmem>> -> memref<80x8xf32, #tpu.memory_space<vmem>>
      %dma_start3A_78 = arith.constant 0 : i32
      %dma_start3A_79 = tpu.memref_slice %arg7[%add3A_74, %dma_start3A_78] : memref<125x80xi32, #tpu.memory_space<vmem>> -> memref<1x80xi32, #tpu.memory_space<vmem>>
      %dma_start3A_80 = tpu.memref_squeeze %dma_start3A_79 : memref<1x80xi32, #tpu.memory_space<vmem>> -> memref<80xi32, #tpu.memory_space<vmem>>
      %dma_start3A_81 = arith.constant 0 : i32
      %dma_start3A_82 = arith.constant 0 : i32
      %dma_start3A_83 = tpu.memref_slice %arg2[%dma_start3A_81, %dma_start3A_82] : memref<80000x8xf32, #tpu.memory_space<hbm>> -> memref<80000x8xf32, #tpu.memory_space<hbm>>
      tpu.enqueue_indirect_dma source(%dma_start3A_83 : memref<80000x8xf32, #tpu.memory_space<hbm>>) target(%dma_start3A_77 : memref<80x8xf32, #tpu.memory_space<vmem>>) offsets(%dma_start3A_80 : memref<80xi32, #tpu.memory_space<vmem>>) semaphore(%arg16 : memref<!tpu.dma_semaphore, #tpu.memory_space<semaphore_mem>>)
      %add3A_84 = arith.constant 6 : i32
      %add3A_85 = arith.addi %add3A_18, %add3A_84 : i32
      %dma_start3A_86 = arith.constant 480 : i32
      %dma_start3A_87 = arith.constant 0 : i32
      %dma_start3A_88 = tpu.memref_slice %arg9[%dma_start3A_86, %dma_start3A_87] : memref<2000x8xf32, #tpu.memory_space<vmem>> -> memref<80x8xf32, #tpu.memory_space<vmem>>
      %dma_start3A_89 = arith.constant 0 : i32
      %dma_start3A_90 = tpu.memref_slice %arg7[%add3A_85, %dma_start3A_89] : memref<125x80xi32, #tpu.memory_space<vmem>> -> memref<1x80xi32, #tpu.memory_space<vmem>>
      %dma_start3A_91 = tpu.memref_squeeze %dma_start3A_90 : memref<1x80xi32, #tpu.memory_space<vmem>> -> memref<80xi32, #tpu.memory_space<vmem>>
      %dma_start3A_92 = arith.constant 0 : i32
      %dma_start3A_93 = arith.constant 0 : i32
      %dma_start3A_94 = tpu.memref_slice %arg2[%dma_start3A_92, %dma_start3A_93] : memref<80000x8xf32, #tpu.memory_space<hbm>> -> memref<80000x8xf32, #tpu.memory_space<hbm>>
      tpu.enqueue_indirect_dma source(%dma_start3A_94 : memref<80000x8xf32, #tpu.memory_space<hbm>>) target(%dma_start3A_88 : memref<80x8xf32, #tpu.memory_space<vmem>>) offsets(%dma_start3A_91 : memref<80xi32, #tpu.memory_space<vmem>>) semaphore(%arg17 : memref<!tpu.dma_semaphore, #tpu.memory_space<semaphore_mem>>)
      %add3A_95 = arith.constant 7 : i32
      %add3A_96 = arith.addi %add3A_18, %add3A_95 : i32
      %dma_start3A_97 = arith.constant 560 : i32
      %dma_start3A_98 = arith.constant 0 : i32
      %dma_start3A_99 = tpu.memref_slice %arg9[%dma_start3A_97, %dma_start3A_98] : memref<2000x8xf32, #tpu.memory_space<vmem>> -> memref<80x8xf32, #tpu.memory_space<vmem>>
      %dma_start3A_100 = arith.constant 0 : i32
      %dma_start3A_101 = tpu.memref_slice %arg7[%add3A_96, %dma_start3A_100] : memref<125x80xi32, #tpu.memory_space<vmem>> -> memref<1x80xi32, #tpu.memory_space<vmem>>
      %dma_start3A_102 = tpu.memref_squeeze %dma_start3A_101 : memref<1x80xi32, #tpu.memory_space<vmem>> -> memref<80xi32, #tpu.memory_space<vmem>>
      %dma_start3A_103 = arith.constant 0 : i32
      %dma_start3A_104 = arith.constant 0 : i32
      %dma_start3A_105 = tpu.memref_slice %arg2[%dma_start3A_103, %dma_start3A_104] : memref<80000x8xf32, #tpu.memory_space<hbm>> -> memref<80000x8xf32, #tpu.memory_space<hbm>>
      tpu.enqueue_indirect_dma source(%dma_start3A_105 : memref<80000x8xf32, #tpu.memory_space<hbm>>) target(%dma_start3A_99 : memref<80x8xf32, #tpu.memory_space<vmem>>) offsets(%dma_start3A_102 : memref<80xi32, #tpu.memory_space<vmem>>) semaphore(%arg18 : memref<!tpu.dma_semaphore, #tpu.memory_space<semaphore_mem>>)
      %add3A_106 = arith.constant 8 : i32
      %add3A_107 = arith.addi %add3A_18, %add3A_106 : i32
      %dma_start3A_108 = arith.constant 640 : i32
      %dma_start3A_109 = arith.constant 0 : i32
      %dma_start3A_110 = tpu.memref_slice %arg9[%dma_start3A_108, %dma_start3A_109] : memref<2000x8xf32, #tpu.memory_space<vmem>> -> memref<80x8xf32, #tpu.memory_space<vmem>>
      %dma_start3A_111 = arith.constant 0 : i32
      %dma_start3A_112 = tpu.memref_slice %arg7[%add3A_107, %dma_start3A_111] : memref<125x80xi32, #tpu.memory_space<vmem>> -> memref<1x80xi32, #tpu.memory_space<vmem>>
      %dma_start3A_113 = tpu.memref_squeeze %dma_start3A_112 : memref<1x80xi32, #tpu.memory_space<vmem>> -> memref<80xi32, #tpu.memory_space<vmem>>
      %dma_start3A_114 = arith.constant 0 : i32
      %dma_start3A_115 = arith.constant 0 : i32
      %dma_start3A_116 = tpu.memref_slice %arg2[%dma_start3A_114, %dma_start3A_115] : memref<80000x8xf32, #tpu.memory_space<hbm>> -> memref<80000x8xf32, #tpu.memory_space<hbm>>
      tpu.enqueue_indirect_dma source(%dma_start3A_116 : memref<80000x8xf32, #tpu.memory_space<hbm>>) target(%dma_start3A_110 : memref<80x8xf32, #tpu.memory_space<vmem>>) offsets(%dma_start3A_113 : memref<80xi32, #tpu.memory_space<vmem>>) semaphore(%arg19 : memref<!tpu.dma_semaphore, #tpu.memory_space<semaphore_mem>>)
      %add3A_117 = arith.constant 9 : i32
      %add3A_118 = arith.addi %add3A_18, %add3A_117 : i32
      %dma_start3A_119 = arith.constant 720 : i32
      %dma_start3A_120 = arith.constant 0 : i32
      %dma_start3A_121 = tpu.memref_slice %arg9[%dma_start3A_119, %dma_start3A_120] : memref<2000x8xf32, #tpu.memory_space<vmem>> -> memref<80x8xf32, #tpu.memory_space<vmem>>
      %dma_start3A_122 = arith.constant 0 : i32
      %dma_start3A_123 = tpu.memref_slice %arg7[%add3A_118, %dma_start3A_122] : memref<125x80xi32, #tpu.memory_space<vmem>> -> memref<1x80xi32, #tpu.memory_space<vmem>>
      %dma_start3A_124 = tpu.memref_squeeze %dma_start3A_123 : memref<1x80xi32, #tpu.memory_space<vmem>> -> memref<80xi32, #tpu.memory_space<vmem>>
      %dma_start3A_125 = arith.constant 0 : i32
      %dma_start3A_126 = arith.constant 0 : i32
      %dma_start3A_127 = tpu.memref_slice %arg2[%dma_start3A_125, %dma_start3A_126] : memref<80000x8xf32, #tpu.memory_space<hbm>> -> memref<80000x8xf32, #tpu.memory_space<hbm>>
      tpu.enqueue_indirect_dma source(%dma_start3A_127 : memref<80000x8xf32, #tpu.memory_space<hbm>>) target(%dma_start3A_121 : memref<80x8xf32, #tpu.memory_space<vmem>>) offsets(%dma_start3A_124 : memref<80xi32, #tpu.memory_space<vmem>>) semaphore(%arg20 : memref<!tpu.dma_semaphore, #tpu.memory_space<semaphore_mem>>)
      %add3A_128 = arith.constant 10 : i32
      %add3A_129 = arith.addi %add3A_18, %add3A_128 : i32
      %dma_start3A_130 = arith.constant 800 : i32
      %dma_start3A_131 = arith.constant 0 : i32
      %dma_start3A_132 = tpu.memref_slice %arg9[%dma_start3A_130, %dma_start3A_131] : memref<2000x8xf32, #tpu.memory_space<vmem>> -> memref<80x8xf32, #tpu.memory_space<vmem>>
      %dma_start3A_133 = arith.constant 0 : i32
      %dma_start3A_134 = tpu.memref_slice %arg7[%add3A_129, %dma_start3A_133] : memref<125x80xi32, #tpu.memory_space<vmem>> -> memref<1x80xi32, #tpu.memory_space<vmem>>
      %dma_start3A_135 = tpu.memref_squeeze %dma_start3A_134 : memref<1x80xi32, #tpu.memory_space<vmem>> -> memref<80xi32, #tpu.memory_space<vmem>>
      %dma_start3A_136 = arith.constant 0 : i32
      %dma_start3A_137 = arith.constant 0 : i32
      %dma_start3A_138 = tpu.memref_slice %arg2[%dma_start3A_136, %dma_start3A_137] : memref<80000x8xf32, #tpu.memory_space<hbm>> -> memref<80000x8xf32, #tpu.memory_space<hbm>>
      tpu.enqueue_indirect_dma source(%dma_start3A_138 : memref<80000x8xf32, #tpu.memory_space<hbm>>) target(%dma_start3A_132 : memref<80x8xf32, #tpu.memory_space<vmem>>) offsets(%dma_start3A_135 : memref<80xi32, #tpu.memory_space<vmem>>) semaphore(%arg21 : memref<!tpu.dma_semaphore, #tpu.memory_space<semaphore_mem>>)
      %add3A_139 = arith.constant 11 : i32
      %add3A_140 = arith.addi %add3A_18, %add3A_139 : i32
      %dma_start3A_141 = arith.constant 880 : i32
      %dma_start3A_142 = arith.constant 0 : i32
      %dma_start3A_143 = tpu.memref_slice %arg9[%dma_start3A_141, %dma_start3A_142] : memref<2000x8xf32, #tpu.memory_space<vmem>> -> memref<80x8xf32, #tpu.memory_space<vmem>>
      %dma_start3A_144 = arith.constant 0 : i32
      %dma_start3A_145 = tpu.memref_slice %arg7[%add3A_140, %dma_start3A_144] : memref<125x80xi32, #tpu.memory_space<vmem>> -> memref<1x80xi32, #tpu.memory_space<vmem>>
      %dma_start3A_146 = tpu.memref_squeeze %dma_start3A_145 : memref<1x80xi32, #tpu.memory_space<vmem>> -> memref<80xi32, #tpu.memory_space<vmem>>
      %dma_start3A_147 = arith.constant 0 : i32
      %dma_start3A_148 = arith.constant 0 : i32
      %dma_start3A_149 = tpu.memref_slice %arg2[%dma_start3A_147, %dma_start3A_148] : memref<80000x8xf32, #tpu.memory_space<hbm>> -> memref<80000x8xf32, #tpu.memory_space<hbm>>
      tpu.enqueue_indirect_dma source(%dma_start3A_149 : memref<80000x8xf32, #tpu.memory_space<hbm>>) target(%dma_start3A_143 : memref<80x8xf32, #tpu.memory_space<vmem>>) offsets(%dma_start3A_146 : memref<80xi32, #tpu.memory_space<vmem>>) semaphore(%arg22 : memref<!tpu.dma_semaphore, #tpu.memory_space<semaphore_mem>>)
      %add3A_150 = arith.constant 12 : i32
      %add3A_151 = arith.addi %add3A_18, %add3A_150 : i32
      %dma_start3A_152 = arith.constant 960 : i32
      %dma_start3A_153 = arith.constant 0 : i32
      %dma_start3A_154 = tpu.memref_slice %arg9[%dma_start3A_152, %dma_start3A_153] : memref<2000x8xf32, #tpu.memory_space<vmem>> -> memref<80x8xf32, #tpu.memory_space<vmem>>
      %dma_start3A_155 = arith.constant 0 : i32
      %dma_start3A_156 = tpu.memref_slice %arg7[%add3A_151, %dma_start3A_155] : memref<125x80xi32, #tpu.memory_space<vmem>> -> memref<1x80xi32, #tpu.memory_space<vmem>>
      %dma_start3A_157 = tpu.memref_squeeze %dma_start3A_156 : memref<1x80xi32, #tpu.memory_space<vmem>> -> memref<80xi32, #tpu.memory_space<vmem>>
      %dma_start3A_158 = arith.constant 0 : i32
      %dma_start3A_159 = arith.constant 0 : i32
      %dma_start3A_160 = tpu.memref_slice %arg2[%dma_start3A_158, %dma_start3A_159] : memref<80000x8xf32, #tpu.memory_space<hbm>> -> memref<80000x8xf32, #tpu.memory_space<hbm>>
      tpu.enqueue_indirect_dma source(%dma_start3A_160 : memref<80000x8xf32, #tpu.memory_space<hbm>>) target(%dma_start3A_154 : memref<80x8xf32, #tpu.memory_space<vmem>>) offsets(%dma_start3A_157 : memref<80xi32, #tpu.memory_space<vmem>>) semaphore(%arg23 : memref<!tpu.dma_semaphore, #tpu.memory_space<semaphore_mem>>)
      %add3A_161 = arith.constant 13 : i32
      %add3A_162 = arith.addi %add3A_18, %add3A_161 : i32
      %dma_start3A_163 = arith.constant 1040 : i32
      %dma_start3A_164 = arith.constant 0 : i32
      %dma_start3A_165 = tpu.memref_slice %arg9[%dma_start3A_163, %dma_start3A_164] : memref<2000x8xf32, #tpu.memory_space<vmem>> -> memref<80x8xf32, #tpu.memory_space<vmem>>
      %dma_start3A_166 = arith.constant 0 : i32
      %dma_start3A_167 = tpu.memref_slice %arg7[%add3A_162, %dma_start3A_166] : memref<125x80xi32, #tpu.memory_space<vmem>> -> memref<1x80xi32, #tpu.memory_space<vmem>>
      %dma_start3A_168 = tpu.memref_squeeze %dma_start3A_167 : memref<1x80xi32, #tpu.memory_space<vmem>> -> memref<80xi32, #tpu.memory_space<vmem>>
      %dma_start3A_169 = arith.constant 0 : i32
      %dma_start3A_170 = arith.constant 0 : i32
      %dma_start3A_171 = tpu.memref_slice %arg2[%dma_start3A_169, %dma_start3A_170] : memref<80000x8xf32, #tpu.memory_space<hbm>> -> memref<80000x8xf32, #tpu.memory_space<hbm>>
      tpu.enqueue_indirect_dma source(%dma_start3A_171 : memref<80000x8xf32, #tpu.memory_space<hbm>>) target(%dma_start3A_165 : memref<80x8xf32, #tpu.memory_space<vmem>>) offsets(%dma_start3A_168 : memref<80xi32, #tpu.memory_space<vmem>>) semaphore(%arg24 : memref<!tpu.dma_semaphore, #tpu.memory_space<semaphore_mem>>)
      %add3A_172 = arith.constant 14 : i32
      %add3A_173 = arith.addi %add3A_18, %add3A_172 : i32
      %dma_start3A_174 = arith.constant 1120 : i32
      %dma_start3A_175 = arith.constant 0 : i32
      %dma_start3A_176 = tpu.memref_slice %arg9[%dma_start3A_174, %dma_start3A_175] : memref<2000x8xf32, #tpu.memory_space<vmem>> -> memref<80x8xf32, #tpu.memory_space<vmem>>
      %dma_start3A_177 = arith.constant 0 : i32
      %dma_start3A_178 = tpu.memref_slice %arg7[%add3A_173, %dma_start3A_177] : memref<125x80xi32, #tpu.memory_space<vmem>> -> memref<1x80xi32, #tpu.memory_space<vmem>>
      %dma_start3A_179 = tpu.memref_squeeze %dma_start3A_178 : memref<1x80xi32, #tpu.memory_space<vmem>> -> memref<80xi32, #tpu.memory_space<vmem>>
      %dma_start3A_180 = arith.constant 0 : i32
      %dma_start3A_181 = arith.constant 0 : i32
      %dma_start3A_182 = tpu.memref_slice %arg2[%dma_start3A_180, %dma_start3A_181] : memref<80000x8xf32, #tpu.memory_space<hbm>> -> memref<80000x8xf32, #tpu.memory_space<hbm>>
      tpu.enqueue_indirect_dma source(%dma_start3A_182 : memref<80000x8xf32, #tpu.memory_space<hbm>>) target(%dma_start3A_176 : memref<80x8xf32, #tpu.memory_space<vmem>>) offsets(%dma_start3A_179 : memref<80xi32, #tpu.memory_space<vmem>>) semaphore(%arg25 : memref<!tpu.dma_semaphore, #tpu.memory_space<semaphore_mem>>)
      %add3A_183 = arith.constant 15 : i32
      %add3A_184 = arith.addi %add3A_18, %add3A_183 : i32
      %dma_start3A_185 = arith.constant 1200 : i32
      %dma_start3A_186 = arith.constant 0 : i32
      %dma_start3A_187 = tpu.memref_slice %arg9[%dma_start3A_185, %dma_start3A_186] : memref<2000x8xf32, #tpu.memory_space<vmem>> -> memref<80x8xf32, #tpu.memory_space<vmem>>
      %dma_start3A_188 = arith.constant 0 : i32
      %dma_start3A_189 = tpu.memref_slice %arg7[%add3A_184, %dma_start3A_188] : memref<125x80xi32, #tpu.memory_space<vmem>> -> memref<1x80xi32, #tpu.memory_space<vmem>>
      %dma_start3A_190 = tpu.memref_squeeze %dma_start3A_189 : memref<1x80xi32, #tpu.memory_space<vmem>> -> memref<80xi32, #tpu.memory_space<vmem>>
      %dma_start3A_191 = arith.constant 0 : i32
      %dma_start3A_192 = arith.constant 0 : i32
      %dma_start3A_193 = tpu.memref_slice %arg2[%dma_start3A_191, %dma_start3A_192] : memref<80000x8xf32, #tpu.memory_space<hbm>> -> memref<80000x8xf32, #tpu.memory_space<hbm>>
      tpu.enqueue_indirect_dma source(%dma_start3A_193 : memref<80000x8xf32, #tpu.memory_space<hbm>>) target(%dma_start3A_187 : memref<80x8xf32, #tpu.memory_space<vmem>>) offsets(%dma_start3A_190 : memref<80xi32, #tpu.memory_space<vmem>>) semaphore(%arg26 : memref<!tpu.dma_semaphore, #tpu.memory_space<semaphore_mem>>)
      %add3A_194 = arith.constant 16 : i32
      %add3A_195 = arith.addi %add3A_18, %add3A_194 : i32
      %dma_start3A_196 = arith.constant 1280 : i32
      %dma_start3A_197 = arith.constant 0 : i32
      %dma_start3A_198 = tpu.memref_slice %arg9[%dma_start3A_196, %dma_start3A_197] : memref<2000x8xf32, #tpu.memory_space<vmem>> -> memref<80x8xf32, #tpu.memory_space<vmem>>
      %dma_start3A_199 = arith.constant 0 : i32
      %dma_start3A_200 = tpu.memref_slice %arg7[%add3A_195, %dma_start3A_199] : memref<125x80xi32, #tpu.memory_space<vmem>> -> memref<1x80xi32, #tpu.memory_space<vmem>>
      %dma_start3A_201 = tpu.memref_squeeze %dma_start3A_200 : memref<1x80xi32, #tpu.memory_space<vmem>> -> memref<80xi32, #tpu.memory_space<vmem>>
      %dma_start3A_202 = arith.constant 0 : i32
      %dma_start3A_203 = arith.constant 0 : i32
      %dma_start3A_204 = tpu.memref_slice %arg2[%dma_start3A_202, %dma_start3A_203] : memref<80000x8xf32, #tpu.memory_space<hbm>> -> memref<80000x8xf32, #tpu.memory_space<hbm>>
      tpu.enqueue_indirect_dma source(%dma_start3A_204 : memref<80000x8xf32, #tpu.memory_space<hbm>>) target(%dma_start3A_198 : memref<80x8xf32, #tpu.memory_space<vmem>>) offsets(%dma_start3A_201 : memref<80xi32, #tpu.memory_space<vmem>>) semaphore(%arg27 : memref<!tpu.dma_semaphore, #tpu.memory_space<semaphore_mem>>)
      %add3A_205 = arith.constant 17 : i32
      %add3A_206 = arith.addi %add3A_18, %add3A_205 : i32
      %dma_start3A_207 = arith.constant 1360 : i32
      %dma_start3A_208 = arith.constant 0 : i32
      %dma_start3A_209 = tpu.memref_slice %arg9[%dma_start3A_207, %dma_start3A_208] : memref<2000x8xf32, #tpu.memory_space<vmem>> -> memref<80x8xf32, #tpu.memory_space<vmem>>
      %dma_start3A_210 = arith.constant 0 : i32
      %dma_start3A_211 = tpu.memref_slice %arg7[%add3A_206, %dma_start3A_210] : memref<125x80xi32, #tpu.memory_space<vmem>> -> memref<1x80xi32, #tpu.memory_space<vmem>>
      %dma_start3A_212 = tpu.memref_squeeze %dma_start3A_211 : memref<1x80xi32, #tpu.memory_space<vmem>> -> memref<80xi32, #tpu.memory_space<vmem>>
      %dma_start3A_213 = arith.constant 0 : i32
      %dma_start3A_214 = arith.constant 0 : i32
      %dma_start3A_215 = tpu.memref_slice %arg2[%dma_start3A_213, %dma_start3A_214] : memref<80000x8xf32, #tpu.memory_space<hbm>> -> memref<80000x8xf32, #tpu.memory_space<hbm>>
      tpu.enqueue_indirect_dma source(%dma_start3A_215 : memref<80000x8xf32, #tpu.memory_space<hbm>>) target(%dma_start3A_209 : memref<80x8xf32, #tpu.memory_space<vmem>>) offsets(%dma_start3A_212 : memref<80xi32, #tpu.memory_space<vmem>>) semaphore(%arg28 : memref<!tpu.dma_semaphore, #tpu.memory_space<semaphore_mem>>)
      %add3A_216 = arith.constant 18 : i32
      %add3A_217 = arith.addi %add3A_18, %add3A_216 : i32
      %dma_start3A_218 = arith.constant 1440 : i32
      %dma_start3A_219 = arith.constant 0 : i32
      %dma_start3A_220 = tpu.memref_slice %arg9[%dma_start3A_218, %dma_start3A_219] : memref<2000x8xf32, #tpu.memory_space<vmem>> -> memref<80x8xf32, #tpu.memory_space<vmem>>
      %dma_start3A_221 = arith.constant 0 : i32
      %dma_start3A_222 = tpu.memref_slice %arg7[%add3A_217, %dma_start3A_221] : memref<125x80xi32, #tpu.memory_space<vmem>> -> memref<1x80xi32, #tpu.memory_space<vmem>>
      %dma_start3A_223 = tpu.memref_squeeze %dma_start3A_222 : memref<1x80xi32, #tpu.memory_space<vmem>> -> memref<80xi32, #tpu.memory_space<vmem>>
      %dma_start3A_224 = arith.constant 0 : i32
      %dma_start3A_225 = arith.constant 0 : i32
      %dma_start3A_226 = tpu.memref_slice %arg2[%dma_start3A_224, %dma_start3A_225] : memref<80000x8xf32, #tpu.memory_space<hbm>> -> memref<80000x8xf32, #tpu.memory_space<hbm>>
      tpu.enqueue_indirect_dma source(%dma_start3A_226 : memref<80000x8xf32, #tpu.memory_space<hbm>>) target(%dma_start3A_220 : memref<80x8xf32, #tpu.memory_space<vmem>>) offsets(%dma_start3A_223 : memref<80xi32, #tpu.memory_space<vmem>>) semaphore(%arg29 : memref<!tpu.dma_semaphore, #tpu.memory_space<semaphore_mem>>)
      %add3A_227 = arith.constant 19 : i32
      %add3A_228 = arith.addi %add3A_18, %add3A_227 : i32
      %dma_start3A_229 = arith.constant 1520 : i32
      %dma_start3A_230 = arith.constant 0 : i32
      %dma_start3A_231 = tpu.memref_slice %arg9[%dma_start3A_229, %dma_start3A_230] : memref<2000x8xf32, #tpu.memory_space<vmem>> -> memref<80x8xf32, #tpu.memory_space<vmem>>
      %dma_start3A_232 = arith.constant 0 : i32
      %dma_start3A_233 = tpu.memref_slice %arg7[%add3A_228, %dma_start3A_232] : memref<125x80xi32, #tpu.memory_space<vmem>> -> memref<1x80xi32, #tpu.memory_space<vmem>>
      %dma_start3A_234 = tpu.memref_squeeze %dma_start3A_233 : memref<1x80xi32, #tpu.memory_space<vmem>> -> memref<80xi32, #tpu.memory_space<vmem>>
      %dma_start3A_235 = arith.constant 0 : i32
      %dma_start3A_236 = arith.constant 0 : i32
      %dma_start3A_237 = tpu.memref_slice %arg2[%dma_start3A_235, %dma_start3A_236] : memref<80000x8xf32, #tpu.memory_space<hbm>> -> memref<80000x8xf32, #tpu.memory_space<hbm>>
      tpu.enqueue_indirect_dma source(%dma_start3A_237 : memref<80000x8xf32, #tpu.memory_space<hbm>>) target(%dma_start3A_231 : memref<80x8xf32, #tpu.memory_space<vmem>>) offsets(%dma_start3A_234 : memref<80xi32, #tpu.memory_space<vmem>>) semaphore(%arg30 : memref<!tpu.dma_semaphore, #tpu.memory_space<semaphore_mem>>)
      %add3A_238 = arith.constant 20 : i32
      %add3A_239 = arith.addi %add3A_18, %add3A_238 : i32
      %dma_start3A_240 = arith.constant 1600 : i32
      %dma_start3A_241 = arith.constant 0 : i32
      %dma_start3A_242 = tpu.memref_slice %arg9[%dma_start3A_240, %dma_start3A_241] : memref<2000x8xf32, #tpu.memory_space<vmem>> -> memref<80x8xf32, #tpu.memory_space<vmem>>
      %dma_start3A_243 = arith.constant 0 : i32
      %dma_start3A_244 = tpu.memref_slice %arg7[%add3A_239, %dma_start3A_243] : memref<125x80xi32, #tpu.memory_space<vmem>> -> memref<1x80xi32, #tpu.memory_space<vmem>>
      %dma_start3A_245 = tpu.memref_squeeze %dma_start3A_244 : memref<1x80xi32, #tpu.memory_space<vmem>> -> memref<80xi32, #tpu.memory_space<vmem>>
      %dma_start3A_246 = arith.constant 0 : i32
      %dma_start3A_247 = arith.constant 0 : i32
      %dma_start3A_248 = tpu.memref_slice %arg2[%dma_start3A_246, %dma_start3A_247] : memref<80000x8xf32, #tpu.memory_space<hbm>> -> memref<80000x8xf32, #tpu.memory_space<hbm>>
      tpu.enqueue_indirect_dma source(%dma_start3A_248 : memref<80000x8xf32, #tpu.memory_space<hbm>>) target(%dma_start3A_242 : memref<80x8xf32, #tpu.memory_space<vmem>>) offsets(%dma_start3A_245 : memref<80xi32, #tpu.memory_space<vmem>>) semaphore(%arg31 : memref<!tpu.dma_semaphore, #tpu.memory_space<semaphore_mem>>)
      %add3A_249 = arith.constant 21 : i32
      %add3A_250 = arith.addi %add3A_18, %add3A_249 : i32
      %dma_start3A_251 = arith.constant 1680 : i32
      %dma_start3A_252 = arith.constant 0 : i32
      %dma_start3A_253 = tpu.memref_slice %arg9[%dma_start3A_251, %dma_start3A_252] : memref<2000x8xf32, #tpu.memory_space<vmem>> -> memref<80x8xf32, #tpu.memory_space<vmem>>
      %dma_start3A_254 = arith.constant 0 : i32
      %dma_start3A_255 = tpu.memref_slice %arg7[%add3A_250, %dma_start3A_254] : memref<125x80xi32, #tpu.memory_space<vmem>> -> memref<1x80xi32, #tpu.memory_space<vmem>>
      %dma_start3A_256 = tpu.memref_squeeze %dma_start3A_255 : memref<1x80xi32, #tpu.memory_space<vmem>> -> memref<80xi32, #tpu.memory_space<vmem>>
      %dma_start3A_257 = arith.constant 0 : i32
      %dma_start3A_258 = arith.constant 0 : i32
      %dma_start3A_259 = tpu.memref_slice %arg2[%dma_start3A_257, %dma_start3A_258] : memref<80000x8xf32, #tpu.memory_space<hbm>> -> memref<80000x8xf32, #tpu.memory_space<hbm>>
      tpu.enqueue_indirect_dma source(%dma_start3A_259 : memref<80000x8xf32, #tpu.memory_space<hbm>>) target(%dma_start3A_253 : memref<80x8xf32, #tpu.memory_space<vmem>>) offsets(%dma_start3A_256 : memref<80xi32, #tpu.memory_space<vmem>>) semaphore(%arg32 : memref<!tpu.dma_semaphore, #tpu.memory_space<semaphore_mem>>)
      %add3A_260 = arith.constant 22 : i32
      %add3A_261 = arith.addi %add3A_18, %add3A_260 : i32
      %dma_start3A_262 = arith.constant 1760 : i32
      %dma_start3A_263 = arith.constant 0 : i32
      %dma_start3A_264 = tpu.memref_slice %arg9[%dma_start3A_262, %dma_start3A_263] : memref<2000x8xf32, #tpu.memory_space<vmem>> -> memref<80x8xf32, #tpu.memory_space<vmem>>
      %dma_start3A_265 = arith.constant 0 : i32
      %dma_start3A_266 = tpu.memref_slice %arg7[%add3A_261, %dma_start3A_265] : memref<125x80xi32, #tpu.memory_space<vmem>> -> memref<1x80xi32, #tpu.memory_space<vmem>>
      %dma_start3A_267 = tpu.memref_squeeze %dma_start3A_266 : memref<1x80xi32, #tpu.memory_space<vmem>> -> memref<80xi32, #tpu.memory_space<vmem>>
      %dma_start3A_268 = arith.constant 0 : i32
      %dma_start3A_269 = arith.constant 0 : i32
      %dma_start3A_270 = tpu.memref_slice %arg2[%dma_start3A_268, %dma_start3A_269] : memref<80000x8xf32, #tpu.memory_space<hbm>> -> memref<80000x8xf32, #tpu.memory_space<hbm>>
      tpu.enqueue_indirect_dma source(%dma_start3A_270 : memref<80000x8xf32, #tpu.memory_space<hbm>>) target(%dma_start3A_264 : memref<80x8xf32, #tpu.memory_space<vmem>>) offsets(%dma_start3A_267 : memref<80xi32, #tpu.memory_space<vmem>>) semaphore(%arg33 : memref<!tpu.dma_semaphore, #tpu.memory_space<semaphore_mem>>)
      %add3A_271 = arith.constant 23 : i32
      %add3A_272 = arith.addi %add3A_18, %add3A_271 : i32
      %dma_start3A_273 = arith.constant 1840 : i32
      %dma_start3A_274 = arith.constant 0 : i32
      %dma_start3A_275 = tpu.memref_slice %arg9[%dma_start3A_273, %dma_start3A_274] : memref<2000x8xf32, #tpu.memory_space<vmem>> -> memref<80x8xf32, #tpu.memory_space<vmem>>
      %dma_start3A_276 = arith.constant 0 : i32
      %dma_start3A_277 = tpu.memref_slice %arg7[%add3A_272, %dma_start3A_276] : memref<125x80xi32, #tpu.memory_space<vmem>> -> memref<1x80xi32, #tpu.memory_space<vmem>>
      %dma_start3A_278 = tpu.memref_squeeze %dma_start3A_277 : memref<1x80xi32, #tpu.memory_space<vmem>> -> memref<80xi32, #tpu.memory_space<vmem>>
      %dma_start3A_279 = arith.constant 0 : i32
      %dma_start3A_280 = arith.constant 0 : i32
      %dma_start3A_281 = tpu.memref_slice %arg2[%dma_start3A_279, %dma_start3A_280] : memref<80000x8xf32, #tpu.memory_space<hbm>> -> memref<80000x8xf32, #tpu.memory_space<hbm>>
      tpu.enqueue_indirect_dma source(%dma_start3A_281 : memref<80000x8xf32, #tpu.memory_space<hbm>>) target(%dma_start3A_275 : memref<80x8xf32, #tpu.memory_space<vmem>>) offsets(%dma_start3A_278 : memref<80xi32, #tpu.memory_space<vmem>>) semaphore(%arg34 : memref<!tpu.dma_semaphore, #tpu.memory_space<semaphore_mem>>)
      %add3A_282 = arith.constant 24 : i32
      %add3A_283 = arith.addi %add3A_18, %add3A_282 : i32
      %dma_start3A_284 = arith.constant 1920 : i32
      %dma_start3A_285 = arith.constant 0 : i32
      %dma_start3A_286 = tpu.memref_slice %arg9[%dma_start3A_284, %dma_start3A_285] : memref<2000x8xf32, #tpu.memory_space<vmem>> -> memref<80x8xf32, #tpu.memory_space<vmem>>
      %dma_start3A_287 = arith.constant 0 : i32
      %dma_start3A_288 = tpu.memref_slice %arg7[%add3A_283, %dma_start3A_287] : memref<125x80xi32, #tpu.memory_space<vmem>> -> memref<1x80xi32, #tpu.memory_space<vmem>>
      %dma_start3A_289 = tpu.memref_squeeze %dma_start3A_288 : memref<1x80xi32, #tpu.memory_space<vmem>> -> memref<80xi32, #tpu.memory_space<vmem>>
      %dma_start3A_290 = arith.constant 0 : i32
      %dma_start3A_291 = arith.constant 0 : i32
      %dma_start3A_292 = tpu.memref_slice %arg2[%dma_start3A_290, %dma_start3A_291] : memref<80000x8xf32, #tpu.memory_space<hbm>> -> memref<80000x8xf32, #tpu.memory_space<hbm>>
      tpu.enqueue_indirect_dma source(%dma_start3A_292 : memref<80000x8xf32, #tpu.memory_space<hbm>>) target(%dma_start3A_286 : memref<80x8xf32, #tpu.memory_space<vmem>>) offsets(%dma_start3A_289 : memref<80xi32, #tpu.memory_space<vmem>>) semaphore(%arg35 : memref<!tpu.dma_semaphore, #tpu.memory_space<semaphore_mem>>)
      %add3A_293 = arith.constant 0 : i32
      %add3A_294 = arith.addi %add3A_18, %add3A_293 : i32
      %dma_wait3A = arith.constant 0 : i32
      %dma_wait3A_295 = arith.constant 0 : i32
      %dma_wait3A_296 = tpu.memref_slice %arg9[%dma_wait3A, %dma_wait3A_295] : memref<2000x8xf32, #tpu.memory_space<vmem>> -> memref<80x8xf32, #tpu.memory_space<vmem>>
      %dma_wait3A_297 = arith.constant 0 : i32
      %dma_wait3A_298 = tpu.memref_slice %arg7[%add3A_294, %dma_wait3A_297] : memref<125x80xi32, #tpu.memory_space<vmem>> -> memref<1x80xi32, #tpu.memory_space<vmem>>
      %dma_wait3A_299 = tpu.memref_squeeze %dma_wait3A_298 : memref<1x80xi32, #tpu.memory_space<vmem>> -> memref<80xi32, #tpu.memory_space<vmem>>
      %dma_wait3A_300 = arith.constant 0 : i32
      %dma_wait3A_301 = arith.constant 0 : i32
      %dma_wait3A_302 = tpu.memref_slice %arg2[%dma_wait3A_300, %dma_wait3A_301] : memref<80000x8xf32, #tpu.memory_space<hbm>> -> memref<80000x8xf32, #tpu.memory_space<hbm>>
      tpu.wait_indirect_dma semaphore(%arg11 : memref<!tpu.dma_semaphore, #tpu.memory_space<semaphore_mem>>) src(%dma_wait3A_302 : memref<80000x8xf32, #tpu.memory_space<hbm>>) dst(%dma_wait3A_296 : memref<80x8xf32, #tpu.memory_space<vmem>>)
      %add3A_303 = arith.constant 0 : i32
      %add3A_304 = arith.addi %add3A_18, %add3A_303 : i32
      "tpu.region"() ({
        %run_scoped3A = tpu.sem_alloc : memref<!tpu.dma_semaphore, #tpu.memory_space<semaphore_mem>>
        %dma_start3A_617 = arith.constant 0 : i32
        %dma_start3A_618 = arith.constant 0 : i32
        %dma_start3A_619 = tpu.memref_slice %arg9[%dma_start3A_617, %dma_start3A_618] : memref<2000x8xf32, #tpu.memory_space<vmem>> -> memref<80x8xf32, #tpu.memory_space<vmem>>
        %dma_start3A_620 = arith.constant 0 : i32
        %dma_start3A_621 = tpu.memref_slice %arg8[%add3A_304, %dma_start3A_620] : memref<125x80xi32, #tpu.memory_space<vmem>> -> memref<1x80xi32, #tpu.memory_space<vmem>>
        %dma_start3A_622 = tpu.memref_squeeze %dma_start3A_621 : memref<1x80xi32, #tpu.memory_space<vmem>> -> memref<80xi32, #tpu.memory_space<vmem>>
        %dma_start3A_623 = arith.constant 0 : i32
        %dma_start3A_624 = arith.constant 0 : i32
        %dma_start3A_625 = tpu.memref_slice %arg10[%dma_start3A_623, %dma_start3A_624] : memref<10112x8xf32, #tpu.memory_space<vmem_shared>> -> memref<10112x8xf32, #tpu.memory_space<vmem_shared>>
        tpu.enqueue_indirect_dma source(%dma_start3A_619 : memref<80x8xf32, #tpu.memory_space<vmem>>) target(%dma_start3A_625 : memref<10112x8xf32, #tpu.memory_space<vmem_shared>>) offsets(%dma_start3A_622 : memref<80xi32, #tpu.memory_space<vmem>>) semaphore(%run_scoped3A : memref<!tpu.dma_semaphore, #tpu.memory_space<semaphore_mem>>) {add = true}
        %dma_wait3A_626 = arith.constant 0 : i32
        %dma_wait3A_627 = arith.constant 0 : i32
        %dma_wait3A_628 = tpu.memref_slice %arg9[%dma_wait3A_626, %dma_wait3A_627] : memref<2000x8xf32, #tpu.memory_space<vmem>> -> memref<80x8xf32, #tpu.memory_space<vmem>>
        %dma_wait3A_629 = arith.constant 0 : i32
        %dma_wait3A_630 = tpu.memref_slice %arg8[%add3A_304, %dma_wait3A_629] : memref<125x80xi32, #tpu.memory_space<vmem>> -> memref<1x80xi32, #tpu.memory_space<vmem>>
        %dma_wait3A_631 = tpu.memref_squeeze %dma_wait3A_630 : memref<1x80xi32, #tpu.memory_space<vmem>> -> memref<80xi32, #tpu.memory_space<vmem>>
        %dma_wait3A_632 = arith.constant 0 : i32
        %dma_wait3A_633 = arith.constant 0 : i32
        %dma_wait3A_634 = tpu.memref_slice %arg10[%dma_wait3A_632, %dma_wait3A_633] : memref<10112x8xf32, #tpu.memory_space<vmem_shared>> -> memref<10112x8xf32, #tpu.memory_space<vmem_shared>>
        tpu.wait_indirect_dma semaphore(%run_scoped3A : memref<!tpu.dma_semaphore, #tpu.memory_space<semaphore_mem>>) src(%dma_wait3A_628 : memref<80x8xf32, #tpu.memory_space<vmem>>) dst(%dma_wait3A_634 : memref<10112x8xf32, #tpu.memory_space<vmem_shared>>)
        tpu.yield
      }) : () -> ()
      %add3A_305 = arith.constant 1 : i32
      %add3A_306 = arith.addi %add3A_18, %add3A_305 : i32
      %dma_wait3A_307 = arith.constant 80 : i32
      %dma_wait3A_308 = arith.constant 0 : i32
      %dma_wait3A_309 = tpu.memref_slice %arg9[%dma_wait3A_307, %dma_wait3A_308] : memref<2000x8xf32, #tpu.memory_space<vmem>> -> memref<80x8xf32, #tpu.memory_space<vmem>>
      %dma_wait3A_310 = arith.constant 0 : i32
      %dma_wait3A_311 = tpu.memref_slice %arg7[%add3A_306, %dma_wait3A_310] : memref<125x80xi32, #tpu.memory_space<vmem>> -> memref<1x80xi32, #tpu.memory_space<vmem>>
      %dma_wait3A_312 = tpu.memref_squeeze %dma_wait3A_311 : memref<1x80xi32, #tpu.memory_space<vmem>> -> memref<80xi32, #tpu.memory_space<vmem>>
      %dma_wait3A_313 = arith.constant 0 : i32
      %dma_wait3A_314 = arith.constant 0 : i32
      %dma_wait3A_315 = tpu.memref_slice %arg2[%dma_wait3A_313, %dma_wait3A_314] : memref<80000x8xf32, #tpu.memory_space<hbm>> -> memref<80000x8xf32, #tpu.memory_space<hbm>>
      tpu.wait_indirect_dma semaphore(%arg12 : memref<!tpu.dma_semaphore, #tpu.memory_space<semaphore_mem>>) src(%dma_wait3A_315 : memref<80000x8xf32, #tpu.memory_space<hbm>>) dst(%dma_wait3A_309 : memref<80x8xf32, #tpu.memory_space<vmem>>)
      %add3A_316 = arith.constant 1 : i32
      %add3A_317 = arith.addi %add3A_18, %add3A_316 : i32
      "tpu.region"() ({
        %run_scoped3A = tpu.sem_alloc : memref<!tpu.dma_semaphore, #tpu.memory_space<semaphore_mem>>
        %dma_start3A_617 = arith.constant 80 : i32
        %dma_start3A_618 = arith.constant 0 : i32
        %dma_start3A_619 = tpu.memref_slice %arg9[%dma_start3A_617, %dma_start3A_618] : memref<2000x8xf32, #tpu.memory_space<vmem>> -> memref<80x8xf32, #tpu.memory_space<vmem>>
        %dma_start3A_620 = arith.constant 0 : i32
        %dma_start3A_621 = tpu.memref_slice %arg8[%add3A_317, %dma_start3A_620] : memref<125x80xi32, #tpu.memory_space<vmem>> -> memref<1x80xi32, #tpu.memory_space<vmem>>
        %dma_start3A_622 = tpu.memref_squeeze %dma_start3A_621 : memref<1x80xi32, #tpu.memory_space<vmem>> -> memref<80xi32, #tpu.memory_space<vmem>>
        %dma_start3A_623 = arith.constant 0 : i32
        %dma_start3A_624 = arith.constant 0 : i32
        %dma_start3A_625 = tpu.memref_slice %arg10[%dma_start3A_623, %dma_start3A_624] : memref<10112x8xf32, #tpu.memory_space<vmem_shared>> -> memref<10112x8xf32, #tpu.memory_space<vmem_shared>>
        tpu.enqueue_indirect_dma source(%dma_start3A_619 : memref<80x8xf32, #tpu.memory_space<vmem>>) target(%dma_start3A_625 : memref<10112x8xf32, #tpu.memory_space<vmem_shared>>) offsets(%dma_start3A_622 : memref<80xi32, #tpu.memory_space<vmem>>) semaphore(%run_scoped3A : memref<!tpu.dma_semaphore, #tpu.memory_space<semaphore_mem>>) {add = true}
        %dma_wait3A_626 = arith.constant 80 : i32
        %dma_wait3A_627 = arith.constant 0 : i32
        %dma_wait3A_628 = tpu.memref_slice %arg9[%dma_wait3A_626, %dma_wait3A_627] : memref<2000x8xf32, #tpu.memory_space<vmem>> -> memref<80x8xf32, #tpu.memory_space<vmem>>
        %dma_wait3A_629 = arith.constant 0 : i32
        %dma_wait3A_630 = tpu.memref_slice %arg8[%add3A_317, %dma_wait3A_629] : memref<125x80xi32, #tpu.memory_space<vmem>> -> memref<1x80xi32, #tpu.memory_space<vmem>>
        %dma_wait3A_631 = tpu.memref_squeeze %dma_wait3A_630 : memref<1x80xi32, #tpu.memory_space<vmem>> -> memref<80xi32, #tpu.memory_space<vmem>>
        %dma_wait3A_632 = arith.constant 0 : i32
        %dma_wait3A_633 = arith.constant 0 : i32
        %dma_wait3A_634 = tpu.memref_slice %arg10[%dma_wait3A_632, %dma_wait3A_633] : memref<10112x8xf32, #tpu.memory_space<vmem_shared>> -> memref<10112x8xf32, #tpu.memory_space<vmem_shared>>
        tpu.wait_indirect_dma semaphore(%run_scoped3A : memref<!tpu.dma_semaphore, #tpu.memory_space<semaphore_mem>>) src(%dma_wait3A_628 : memref<80x8xf32, #tpu.memory_space<vmem>>) dst(%dma_wait3A_634 : memref<10112x8xf32, #tpu.memory_space<vmem_shared>>)
        tpu.yield
      }) : () -> ()
      %add3A_318 = arith.constant 2 : i32
      %add3A_319 = arith.addi %add3A_18, %add3A_318 : i32
      %dma_wait3A_320 = arith.constant 160 : i32
      %dma_wait3A_321 = arith.constant 0 : i32
      %dma_wait3A_322 = tpu.memref_slice %arg9[%dma_wait3A_320, %dma_wait3A_321] : memref<2000x8xf32, #tpu.memory_space<vmem>> -> memref<80x8xf32, #tpu.memory_space<vmem>>
      %dma_wait3A_323 = arith.constant 0 : i32
      %dma_wait3A_324 = tpu.memref_slice %arg7[%add3A_319, %dma_wait3A_323] : memref<125x80xi32, #tpu.memory_space<vmem>> -> memref<1x80xi32, #tpu.memory_space<vmem>>
      %dma_wait3A_325 = tpu.memref_squeeze %dma_wait3A_324 : memref<1x80xi32, #tpu.memory_space<vmem>> -> memref<80xi32, #tpu.memory_space<vmem>>
      %dma_wait3A_326 = arith.constant 0 : i32
      %dma_wait3A_327 = arith.constant 0 : i32
      %dma_wait3A_328 = tpu.memref_slice %arg2[%dma_wait3A_326, %dma_wait3A_327] : memref<80000x8xf32, #tpu.memory_space<hbm>> -> memref<80000x8xf32, #tpu.memory_space<hbm>>
      tpu.wait_indirect_dma semaphore(%arg13 : memref<!tpu.dma_semaphore, #tpu.memory_space<semaphore_mem>>) src(%dma_wait3A_328 : memref<80000x8xf32, #tpu.memory_space<hbm>>) dst(%dma_wait3A_322 : memref<80x8xf32, #tpu.memory_space<vmem>>)
      %add3A_329 = arith.constant 2 : i32
      %add3A_330 = arith.addi %add3A_18, %add3A_329 : i32
      "tpu.region"() ({
        %run_scoped3A = tpu.sem_alloc : memref<!tpu.dma_semaphore, #tpu.memory_space<semaphore_mem>>
        %dma_start3A_617 = arith.constant 160 : i32
        %dma_start3A_618 = arith.constant 0 : i32
        %dma_start3A_619 = tpu.memref_slice %arg9[%dma_start3A_617, %dma_start3A_618] : memref<2000x8xf32, #tpu.memory_space<vmem>> -> memref<80x8xf32, #tpu.memory_space<vmem>>
        %dma_start3A_620 = arith.constant 0 : i32
        %dma_start3A_621 = tpu.memref_slice %arg8[%add3A_330, %dma_start3A_620] : memref<125x80xi32, #tpu.memory_space<vmem>> -> memref<1x80xi32, #tpu.memory_space<vmem>>
        %dma_start3A_622 = tpu.memref_squeeze %dma_start3A_621 : memref<1x80xi32, #tpu.memory_space<vmem>> -> memref<80xi32, #tpu.memory_space<vmem>>
        %dma_start3A_623 = arith.constant 0 : i32
        %dma_start3A_624 = arith.constant 0 : i32
        %dma_start3A_625 = tpu.memref_slice %arg10[%dma_start3A_623, %dma_start3A_624] : memref<10112x8xf32, #tpu.memory_space<vmem_shared>> -> memref<10112x8xf32, #tpu.memory_space<vmem_shared>>
        tpu.enqueue_indirect_dma source(%dma_start3A_619 : memref<80x8xf32, #tpu.memory_space<vmem>>) target(%dma_start3A_625 : memref<10112x8xf32, #tpu.memory_space<vmem_shared>>) offsets(%dma_start3A_622 : memref<80xi32, #tpu.memory_space<vmem>>) semaphore(%run_scoped3A : memref<!tpu.dma_semaphore, #tpu.memory_space<semaphore_mem>>) {add = true}
        %dma_wait3A_626 = arith.constant 160 : i32
        %dma_wait3A_627 = arith.constant 0 : i32
        %dma_wait3A_628 = tpu.memref_slice %arg9[%dma_wait3A_626, %dma_wait3A_627] : memref<2000x8xf32, #tpu.memory_space<vmem>> -> memref<80x8xf32, #tpu.memory_space<vmem>>
        %dma_wait3A_629 = arith.constant 0 : i32
        %dma_wait3A_630 = tpu.memref_slice %arg8[%add3A_330, %dma_wait3A_629] : memref<125x80xi32, #tpu.memory_space<vmem>> -> memref<1x80xi32, #tpu.memory_space<vmem>>
        %dma_wait3A_631 = tpu.memref_squeeze %dma_wait3A_630 : memref<1x80xi32, #tpu.memory_space<vmem>> -> memref<80xi32, #tpu.memory_space<vmem>>
        %dma_wait3A_632 = arith.constant 0 : i32
        %dma_wait3A_633 = arith.constant 0 : i32
        %dma_wait3A_634 = tpu.memref_slice %arg10[%dma_wait3A_632, %dma_wait3A_633] : memref<10112x8xf32, #tpu.memory_space<vmem_shared>> -> memref<10112x8xf32, #tpu.memory_space<vmem_shared>>
        tpu.wait_indirect_dma semaphore(%run_scoped3A : memref<!tpu.dma_semaphore, #tpu.memory_space<semaphore_mem>>) src(%dma_wait3A_628 : memref<80x8xf32, #tpu.memory_space<vmem>>) dst(%dma_wait3A_634 : memref<10112x8xf32, #tpu.memory_space<vmem_shared>>)
        tpu.yield
      }) : () -> ()
      %add3A_331 = arith.constant 3 : i32
      %add3A_332 = arith.addi %add3A_18, %add3A_331 : i32
      %dma_wait3A_333 = arith.constant 240 : i32
      %dma_wait3A_334 = arith.constant 0 : i32
      %dma_wait3A_335 = tpu.memref_slice %arg9[%dma_wait3A_333, %dma_wait3A_334] : memref<2000x8xf32, #tpu.memory_space<vmem>> -> memref<80x8xf32, #tpu.memory_space<vmem>>
      %dma_wait3A_336 = arith.constant 0 : i32
      %dma_wait3A_337 = tpu.memref_slice %arg7[%add3A_332, %dma_wait3A_336] : memref<125x80xi32, #tpu.memory_space<vmem>> -> memref<1x80xi32, #tpu.memory_space<vmem>>
      %dma_wait3A_338 = tpu.memref_squeeze %dma_wait3A_337 : memref<1x80xi32, #tpu.memory_space<vmem>> -> memref<80xi32, #tpu.memory_space<vmem>>
      %dma_wait3A_339 = arith.constant 0 : i32
      %dma_wait3A_340 = arith.constant 0 : i32
      %dma_wait3A_341 = tpu.memref_slice %arg2[%dma_wait3A_339, %dma_wait3A_340] : memref<80000x8xf32, #tpu.memory_space<hbm>> -> memref<80000x8xf32, #tpu.memory_space<hbm>>
      tpu.wait_indirect_dma semaphore(%arg14 : memref<!tpu.dma_semaphore, #tpu.memory_space<semaphore_mem>>) src(%dma_wait3A_341 : memref<80000x8xf32, #tpu.memory_space<hbm>>) dst(%dma_wait3A_335 : memref<80x8xf32, #tpu.memory_space<vmem>>)
      %add3A_342 = arith.constant 3 : i32
      %add3A_343 = arith.addi %add3A_18, %add3A_342 : i32
      "tpu.region"() ({
        %run_scoped3A = tpu.sem_alloc : memref<!tpu.dma_semaphore, #tpu.memory_space<semaphore_mem>>
        %dma_start3A_617 = arith.constant 240 : i32
        %dma_start3A_618 = arith.constant 0 : i32
        %dma_start3A_619 = tpu.memref_slice %arg9[%dma_start3A_617, %dma_start3A_618] : memref<2000x8xf32, #tpu.memory_space<vmem>> -> memref<80x8xf32, #tpu.memory_space<vmem>>
        %dma_start3A_620 = arith.constant 0 : i32
        %dma_start3A_621 = tpu.memref_slice %arg8[%add3A_343, %dma_start3A_620] : memref<125x80xi32, #tpu.memory_space<vmem>> -> memref<1x80xi32, #tpu.memory_space<vmem>>
        %dma_start3A_622 = tpu.memref_squeeze %dma_start3A_621 : memref<1x80xi32, #tpu.memory_space<vmem>> -> memref<80xi32, #tpu.memory_space<vmem>>
        %dma_start3A_623 = arith.constant 0 : i32
        %dma_start3A_624 = arith.constant 0 : i32
        %dma_start3A_625 = tpu.memref_slice %arg10[%dma_start3A_623, %dma_start3A_624] : memref<10112x8xf32, #tpu.memory_space<vmem_shared>> -> memref<10112x8xf32, #tpu.memory_space<vmem_shared>>
        tpu.enqueue_indirect_dma source(%dma_start3A_619 : memref<80x8xf32, #tpu.memory_space<vmem>>) target(%dma_start3A_625 : memref<10112x8xf32, #tpu.memory_space<vmem_shared>>) offsets(%dma_start3A_622 : memref<80xi32, #tpu.memory_space<vmem>>) semaphore(%run_scoped3A : memref<!tpu.dma_semaphore, #tpu.memory_space<semaphore_mem>>) {add = true}
        %dma_wait3A_626 = arith.constant 240 : i32
        %dma_wait3A_627 = arith.constant 0 : i32
        %dma_wait3A_628 = tpu.memref_slice %arg9[%dma_wait3A_626, %dma_wait3A_627] : memref<2000x8xf32, #tpu.memory_space<vmem>> -> memref<80x8xf32, #tpu.memory_space<vmem>>
        %dma_wait3A_629 = arith.constant 0 : i32
        %dma_wait3A_630 = tpu.memref_slice %arg8[%add3A_343, %dma_wait3A_629] : memref<125x80xi32, #tpu.memory_space<vmem>> -> memref<1x80xi32, #tpu.memory_space<vmem>>
        %dma_wait3A_631 = tpu.memref_squeeze %dma_wait3A_630 : memref<1x80xi32, #tpu.memory_space<vmem>> -> memref<80xi32, #tpu.memory_space<vmem>>
        %dma_wait3A_632 = arith.constant 0 : i32
        %dma_wait3A_633 = arith.constant 0 : i32
        %dma_wait3A_634 = tpu.memref_slice %arg10[%dma_wait3A_632, %dma_wait3A_633] : memref<10112x8xf32, #tpu.memory_space<vmem_shared>> -> memref<10112x8xf32, #tpu.memory_space<vmem_shared>>
        tpu.wait_indirect_dma semaphore(%run_scoped3A : memref<!tpu.dma_semaphore, #tpu.memory_space<semaphore_mem>>) src(%dma_wait3A_628 : memref<80x8xf32, #tpu.memory_space<vmem>>) dst(%dma_wait3A_634 : memref<10112x8xf32, #tpu.memory_space<vmem_shared>>)
        tpu.yield
      }) : () -> ()
      %add3A_344 = arith.constant 4 : i32
      %add3A_345 = arith.addi %add3A_18, %add3A_344 : i32
      %dma_wait3A_346 = arith.constant 320 : i32
      %dma_wait3A_347 = arith.constant 0 : i32
      %dma_wait3A_348 = tpu.memref_slice %arg9[%dma_wait3A_346, %dma_wait3A_347] : memref<2000x8xf32, #tpu.memory_space<vmem>> -> memref<80x8xf32, #tpu.memory_space<vmem>>
      %dma_wait3A_349 = arith.constant 0 : i32
      %dma_wait3A_350 = tpu.memref_slice %arg7[%add3A_345, %dma_wait3A_349] : memref<125x80xi32, #tpu.memory_space<vmem>> -> memref<1x80xi32, #tpu.memory_space<vmem>>
      %dma_wait3A_351 = tpu.memref_squeeze %dma_wait3A_350 : memref<1x80xi32, #tpu.memory_space<vmem>> -> memref<80xi32, #tpu.memory_space<vmem>>
      %dma_wait3A_352 = arith.constant 0 : i32
      %dma_wait3A_353 = arith.constant 0 : i32
      %dma_wait3A_354 = tpu.memref_slice %arg2[%dma_wait3A_352, %dma_wait3A_353] : memref<80000x8xf32, #tpu.memory_space<hbm>> -> memref<80000x8xf32, #tpu.memory_space<hbm>>
      tpu.wait_indirect_dma semaphore(%arg15 : memref<!tpu.dma_semaphore, #tpu.memory_space<semaphore_mem>>) src(%dma_wait3A_354 : memref<80000x8xf32, #tpu.memory_space<hbm>>) dst(%dma_wait3A_348 : memref<80x8xf32, #tpu.memory_space<vmem>>)
      %add3A_355 = arith.constant 4 : i32
      %add3A_356 = arith.addi %add3A_18, %add3A_355 : i32
      "tpu.region"() ({
        %run_scoped3A = tpu.sem_alloc : memref<!tpu.dma_semaphore, #tpu.memory_space<semaphore_mem>>
        %dma_start3A_617 = arith.constant 320 : i32
        %dma_start3A_618 = arith.constant 0 : i32
        %dma_start3A_619 = tpu.memref_slice %arg9[%dma_start3A_617, %dma_start3A_618] : memref<2000x8xf32, #tpu.memory_space<vmem>> -> memref<80x8xf32, #tpu.memory_space<vmem>>
        %dma_start3A_620 = arith.constant 0 : i32
        %dma_start3A_621 = tpu.memref_slice %arg8[%add3A_356, %dma_start3A_620] : memref<125x80xi32, #tpu.memory_space<vmem>> -> memref<1x80xi32, #tpu.memory_space<vmem>>
        %dma_start3A_622 = tpu.memref_squeeze %dma_start3A_621 : memref<1x80xi32, #tpu.memory_space<vmem>> -> memref<80xi32, #tpu.memory_space<vmem>>
        %dma_start3A_623 = arith.constant 0 : i32
        %dma_start3A_624 = arith.constant 0 : i32
        %dma_start3A_625 = tpu.memref_slice %arg10[%dma_start3A_623, %dma_start3A_624] : memref<10112x8xf32, #tpu.memory_space<vmem_shared>> -> memref<10112x8xf32, #tpu.memory_space<vmem_shared>>
        tpu.enqueue_indirect_dma source(%dma_start3A_619 : memref<80x8xf32, #tpu.memory_space<vmem>>) target(%dma_start3A_625 : memref<10112x8xf32, #tpu.memory_space<vmem_shared>>) offsets(%dma_start3A_622 : memref<80xi32, #tpu.memory_space<vmem>>) semaphore(%run_scoped3A : memref<!tpu.dma_semaphore, #tpu.memory_space<semaphore_mem>>) {add = true}
        %dma_wait3A_626 = arith.constant 320 : i32
        %dma_wait3A_627 = arith.constant 0 : i32
        %dma_wait3A_628 = tpu.memref_slice %arg9[%dma_wait3A_626, %dma_wait3A_627] : memref<2000x8xf32, #tpu.memory_space<vmem>> -> memref<80x8xf32, #tpu.memory_space<vmem>>
        %dma_wait3A_629 = arith.constant 0 : i32
        %dma_wait3A_630 = tpu.memref_slice %arg8[%add3A_356, %dma_wait3A_629] : memref<125x80xi32, #tpu.memory_space<vmem>> -> memref<1x80xi32, #tpu.memory_space<vmem>>
        %dma_wait3A_631 = tpu.memref_squeeze %dma_wait3A_630 : memref<1x80xi32, #tpu.memory_space<vmem>> -> memref<80xi32, #tpu.memory_space<vmem>>
        %dma_wait3A_632 = arith.constant 0 : i32
        %dma_wait3A_633 = arith.constant 0 : i32
        %dma_wait3A_634 = tpu.memref_slice %arg10[%dma_wait3A_632, %dma_wait3A_633] : memref<10112x8xf32, #tpu.memory_space<vmem_shared>> -> memref<10112x8xf32, #tpu.memory_space<vmem_shared>>
        tpu.wait_indirect_dma semaphore(%run_scoped3A : memref<!tpu.dma_semaphore, #tpu.memory_space<semaphore_mem>>) src(%dma_wait3A_628 : memref<80x8xf32, #tpu.memory_space<vmem>>) dst(%dma_wait3A_634 : memref<10112x8xf32, #tpu.memory_space<vmem_shared>>)
        tpu.yield
      }) : () -> ()
      %add3A_357 = arith.constant 5 : i32
      %add3A_358 = arith.addi %add3A_18, %add3A_357 : i32
      %dma_wait3A_359 = arith.constant 400 : i32
      %dma_wait3A_360 = arith.constant 0 : i32
      %dma_wait3A_361 = tpu.memref_slice %arg9[%dma_wait3A_359, %dma_wait3A_360] : memref<2000x8xf32, #tpu.memory_space<vmem>> -> memref<80x8xf32, #tpu.memory_space<vmem>>
      %dma_wait3A_362 = arith.constant 0 : i32
      %dma_wait3A_363 = tpu.memref_slice %arg7[%add3A_358, %dma_wait3A_362] : memref<125x80xi32, #tpu.memory_space<vmem>> -> memref<1x80xi32, #tpu.memory_space<vmem>>
      %dma_wait3A_364 = tpu.memref_squeeze %dma_wait3A_363 : memref<1x80xi32, #tpu.memory_space<vmem>> -> memref<80xi32, #tpu.memory_space<vmem>>
      %dma_wait3A_365 = arith.constant 0 : i32
      %dma_wait3A_366 = arith.constant 0 : i32
      %dma_wait3A_367 = tpu.memref_slice %arg2[%dma_wait3A_365, %dma_wait3A_366] : memref<80000x8xf32, #tpu.memory_space<hbm>> -> memref<80000x8xf32, #tpu.memory_space<hbm>>
      tpu.wait_indirect_dma semaphore(%arg16 : memref<!tpu.dma_semaphore, #tpu.memory_space<semaphore_mem>>) src(%dma_wait3A_367 : memref<80000x8xf32, #tpu.memory_space<hbm>>) dst(%dma_wait3A_361 : memref<80x8xf32, #tpu.memory_space<vmem>>)
      %add3A_368 = arith.constant 5 : i32
      %add3A_369 = arith.addi %add3A_18, %add3A_368 : i32
      "tpu.region"() ({
        %run_scoped3A = tpu.sem_alloc : memref<!tpu.dma_semaphore, #tpu.memory_space<semaphore_mem>>
        %dma_start3A_617 = arith.constant 400 : i32
        %dma_start3A_618 = arith.constant 0 : i32
        %dma_start3A_619 = tpu.memref_slice %arg9[%dma_start3A_617, %dma_start3A_618] : memref<2000x8xf32, #tpu.memory_space<vmem>> -> memref<80x8xf32, #tpu.memory_space<vmem>>
        %dma_start3A_620 = arith.constant 0 : i32
        %dma_start3A_621 = tpu.memref_slice %arg8[%add3A_369, %dma_start3A_620] : memref<125x80xi32, #tpu.memory_space<vmem>> -> memref<1x80xi32, #tpu.memory_space<vmem>>
        %dma_start3A_622 = tpu.memref_squeeze %dma_start3A_621 : memref<1x80xi32, #tpu.memory_space<vmem>> -> memref<80xi32, #tpu.memory_space<vmem>>
        %dma_start3A_623 = arith.constant 0 : i32
        %dma_start3A_624 = arith.constant 0 : i32
        %dma_start3A_625 = tpu.memref_slice %arg10[%dma_start3A_623, %dma_start3A_624] : memref<10112x8xf32, #tpu.memory_space<vmem_shared>> -> memref<10112x8xf32, #tpu.memory_space<vmem_shared>>
        tpu.enqueue_indirect_dma source(%dma_start3A_619 : memref<80x8xf32, #tpu.memory_space<vmem>>) target(%dma_start3A_625 : memref<10112x8xf32, #tpu.memory_space<vmem_shared>>) offsets(%dma_start3A_622 : memref<80xi32, #tpu.memory_space<vmem>>) semaphore(%run_scoped3A : memref<!tpu.dma_semaphore, #tpu.memory_space<semaphore_mem>>) {add = true}
        %dma_wait3A_626 = arith.constant 400 : i32
        %dma_wait3A_627 = arith.constant 0 : i32
        %dma_wait3A_628 = tpu.memref_slice %arg9[%dma_wait3A_626, %dma_wait3A_627] : memref<2000x8xf32, #tpu.memory_space<vmem>> -> memref<80x8xf32, #tpu.memory_space<vmem>>
        %dma_wait3A_629 = arith.constant 0 : i32
        %dma_wait3A_630 = tpu.memref_slice %arg8[%add3A_369, %dma_wait3A_629] : memref<125x80xi32, #tpu.memory_space<vmem>> -> memref<1x80xi32, #tpu.memory_space<vmem>>
        %dma_wait3A_631 = tpu.memref_squeeze %dma_wait3A_630 : memref<1x80xi32, #tpu.memory_space<vmem>> -> memref<80xi32, #tpu.memory_space<vmem>>
        %dma_wait3A_632 = arith.constant 0 : i32
        %dma_wait3A_633 = arith.constant 0 : i32
        %dma_wait3A_634 = tpu.memref_slice %arg10[%dma_wait3A_632, %dma_wait3A_633] : memref<10112x8xf32, #tpu.memory_space<vmem_shared>> -> memref<10112x8xf32, #tpu.memory_space<vmem_shared>>
        tpu.wait_indirect_dma semaphore(%run_scoped3A : memref<!tpu.dma_semaphore, #tpu.memory_space<semaphore_mem>>) src(%dma_wait3A_628 : memref<80x8xf32, #tpu.memory_space<vmem>>) dst(%dma_wait3A_634 : memref<10112x8xf32, #tpu.memory_space<vmem_shared>>)
        tpu.yield
      }) : () -> ()
      %add3A_370 = arith.constant 6 : i32
      %add3A_371 = arith.addi %add3A_18, %add3A_370 : i32
      %dma_wait3A_372 = arith.constant 480 : i32
      %dma_wait3A_373 = arith.constant 0 : i32
      %dma_wait3A_374 = tpu.memref_slice %arg9[%dma_wait3A_372, %dma_wait3A_373] : memref<2000x8xf32, #tpu.memory_space<vmem>> -> memref<80x8xf32, #tpu.memory_space<vmem>>
      %dma_wait3A_375 = arith.constant 0 : i32
      %dma_wait3A_376 = tpu.memref_slice %arg7[%add3A_371, %dma_wait3A_375] : memref<125x80xi32, #tpu.memory_space<vmem>> -> memref<1x80xi32, #tpu.memory_space<vmem>>
      %dma_wait3A_377 = tpu.memref_squeeze %dma_wait3A_376 : memref<1x80xi32, #tpu.memory_space<vmem>> -> memref<80xi32, #tpu.memory_space<vmem>>
      %dma_wait3A_378 = arith.constant 0 : i32
      %dma_wait3A_379 = arith.constant 0 : i32
      %dma_wait3A_380 = tpu.memref_slice %arg2[%dma_wait3A_378, %dma_wait3A_379] : memref<80000x8xf32, #tpu.memory_space<hbm>> -> memref<80000x8xf32, #tpu.memory_space<hbm>>
      tpu.wait_indirect_dma semaphore(%arg17 : memref<!tpu.dma_semaphore, #tpu.memory_space<semaphore_mem>>) src(%dma_wait3A_380 : memref<80000x8xf32, #tpu.memory_space<hbm>>) dst(%dma_wait3A_374 : memref<80x8xf32, #tpu.memory_space<vmem>>)
      %add3A_381 = arith.constant 6 : i32
      %add3A_382 = arith.addi %add3A_18, %add3A_381 : i32
      "tpu.region"() ({
        %run_scoped3A = tpu.sem_alloc : memref<!tpu.dma_semaphore, #tpu.memory_space<semaphore_mem>>
        %dma_start3A_617 = arith.constant 480 : i32
        %dma_start3A_618 = arith.constant 0 : i32
        %dma_start3A_619 = tpu.memref_slice %arg9[%dma_start3A_617, %dma_start3A_618] : memref<2000x8xf32, #tpu.memory_space<vmem>> -> memref<80x8xf32, #tpu.memory_space<vmem>>
        %dma_start3A_620 = arith.constant 0 : i32
        %dma_start3A_621 = tpu.memref_slice %arg8[%add3A_382, %dma_start3A_620] : memref<125x80xi32, #tpu.memory_space<vmem>> -> memref<1x80xi32, #tpu.memory_space<vmem>>
        %dma_start3A_622 = tpu.memref_squeeze %dma_start3A_621 : memref<1x80xi32, #tpu.memory_space<vmem>> -> memref<80xi32, #tpu.memory_space<vmem>>
        %dma_start3A_623 = arith.constant 0 : i32
        %dma_start3A_624 = arith.constant 0 : i32
        %dma_start3A_625 = tpu.memref_slice %arg10[%dma_start3A_623, %dma_start3A_624] : memref<10112x8xf32, #tpu.memory_space<vmem_shared>> -> memref<10112x8xf32, #tpu.memory_space<vmem_shared>>
        tpu.enqueue_indirect_dma source(%dma_start3A_619 : memref<80x8xf32, #tpu.memory_space<vmem>>) target(%dma_start3A_625 : memref<10112x8xf32, #tpu.memory_space<vmem_shared>>) offsets(%dma_start3A_622 : memref<80xi32, #tpu.memory_space<vmem>>) semaphore(%run_scoped3A : memref<!tpu.dma_semaphore, #tpu.memory_space<semaphore_mem>>) {add = true}
        %dma_wait3A_626 = arith.constant 480 : i32
        %dma_wait3A_627 = arith.constant 0 : i32
        %dma_wait3A_628 = tpu.memref_slice %arg9[%dma_wait3A_626, %dma_wait3A_627] : memref<2000x8xf32, #tpu.memory_space<vmem>> -> memref<80x8xf32, #tpu.memory_space<vmem>>
        %dma_wait3A_629 = arith.constant 0 : i32
        %dma_wait3A_630 = tpu.memref_slice %arg8[%add3A_382, %dma_wait3A_629] : memref<125x80xi32, #tpu.memory_space<vmem>> -> memref<1x80xi32, #tpu.memory_space<vmem>>
        %dma_wait3A_631 = tpu.memref_squeeze %dma_wait3A_630 : memref<1x80xi32, #tpu.memory_space<vmem>> -> memref<80xi32, #tpu.memory_space<vmem>>
        %dma_wait3A_632 = arith.constant 0 : i32
        %dma_wait3A_633 = arith.constant 0 : i32
        %dma_wait3A_634 = tpu.memref_slice %arg10[%dma_wait3A_632, %dma_wait3A_633] : memref<10112x8xf32, #tpu.memory_space<vmem_shared>> -> memref<10112x8xf32, #tpu.memory_space<vmem_shared>>
        tpu.wait_indirect_dma semaphore(%run_scoped3A : memref<!tpu.dma_semaphore, #tpu.memory_space<semaphore_mem>>) src(%dma_wait3A_628 : memref<80x8xf32, #tpu.memory_space<vmem>>) dst(%dma_wait3A_634 : memref<10112x8xf32, #tpu.memory_space<vmem_shared>>)
        tpu.yield
      }) : () -> ()
      %add3A_383 = arith.constant 7 : i32
      %add3A_384 = arith.addi %add3A_18, %add3A_383 : i32
      %dma_wait3A_385 = arith.constant 560 : i32
      %dma_wait3A_386 = arith.constant 0 : i32
      %dma_wait3A_387 = tpu.memref_slice %arg9[%dma_wait3A_385, %dma_wait3A_386] : memref<2000x8xf32, #tpu.memory_space<vmem>> -> memref<80x8xf32, #tpu.memory_space<vmem>>
      %dma_wait3A_388 = arith.constant 0 : i32
      %dma_wait3A_389 = tpu.memref_slice %arg7[%add3A_384, %dma_wait3A_388] : memref<125x80xi32, #tpu.memory_space<vmem>> -> memref<1x80xi32, #tpu.memory_space<vmem>>
      %dma_wait3A_390 = tpu.memref_squeeze %dma_wait3A_389 : memref<1x80xi32, #tpu.memory_space<vmem>> -> memref<80xi32, #tpu.memory_space<vmem>>
      %dma_wait3A_391 = arith.constant 0 : i32
      %dma_wait3A_392 = arith.constant 0 : i32
      %dma_wait3A_393 = tpu.memref_slice %arg2[%dma_wait3A_391, %dma_wait3A_392] : memref<80000x8xf32, #tpu.memory_space<hbm>> -> memref<80000x8xf32, #tpu.memory_space<hbm>>
      tpu.wait_indirect_dma semaphore(%arg18 : memref<!tpu.dma_semaphore, #tpu.memory_space<semaphore_mem>>) src(%dma_wait3A_393 : memref<80000x8xf32, #tpu.memory_space<hbm>>) dst(%dma_wait3A_387 : memref<80x8xf32, #tpu.memory_space<vmem>>)
      %add3A_394 = arith.constant 7 : i32
      %add3A_395 = arith.addi %add3A_18, %add3A_394 : i32
      "tpu.region"() ({
        %run_scoped3A = tpu.sem_alloc : memref<!tpu.dma_semaphore, #tpu.memory_space<semaphore_mem>>
        %dma_start3A_617 = arith.constant 560 : i32
        %dma_start3A_618 = arith.constant 0 : i32
        %dma_start3A_619 = tpu.memref_slice %arg9[%dma_start3A_617, %dma_start3A_618] : memref<2000x8xf32, #tpu.memory_space<vmem>> -> memref<80x8xf32, #tpu.memory_space<vmem>>
        %dma_start3A_620 = arith.constant 0 : i32
        %dma_start3A_621 = tpu.memref_slice %arg8[%add3A_395, %dma_start3A_620] : memref<125x80xi32, #tpu.memory_space<vmem>> -> memref<1x80xi32, #tpu.memory_space<vmem>>
        %dma_start3A_622 = tpu.memref_squeeze %dma_start3A_621 : memref<1x80xi32, #tpu.memory_space<vmem>> -> memref<80xi32, #tpu.memory_space<vmem>>
        %dma_start3A_623 = arith.constant 0 : i32
        %dma_start3A_624 = arith.constant 0 : i32
        %dma_start3A_625 = tpu.memref_slice %arg10[%dma_start3A_623, %dma_start3A_624] : memref<10112x8xf32, #tpu.memory_space<vmem_shared>> -> memref<10112x8xf32, #tpu.memory_space<vmem_shared>>
        tpu.enqueue_indirect_dma source(%dma_start3A_619 : memref<80x8xf32, #tpu.memory_space<vmem>>) target(%dma_start3A_625 : memref<10112x8xf32, #tpu.memory_space<vmem_shared>>) offsets(%dma_start3A_622 : memref<80xi32, #tpu.memory_space<vmem>>) semaphore(%run_scoped3A : memref<!tpu.dma_semaphore, #tpu.memory_space<semaphore_mem>>) {add = true}
        %dma_wait3A_626 = arith.constant 560 : i32
        %dma_wait3A_627 = arith.constant 0 : i32
        %dma_wait3A_628 = tpu.memref_slice %arg9[%dma_wait3A_626, %dma_wait3A_627] : memref<2000x8xf32, #tpu.memory_space<vmem>> -> memref<80x8xf32, #tpu.memory_space<vmem>>
        %dma_wait3A_629 = arith.constant 0 : i32
        %dma_wait3A_630 = tpu.memref_slice %arg8[%add3A_395, %dma_wait3A_629] : memref<125x80xi32, #tpu.memory_space<vmem>> -> memref<1x80xi32, #tpu.memory_space<vmem>>
        %dma_wait3A_631 = tpu.memref_squeeze %dma_wait3A_630 : memref<1x80xi32, #tpu.memory_space<vmem>> -> memref<80xi32, #tpu.memory_space<vmem>>
        %dma_wait3A_632 = arith.constant 0 : i32
        %dma_wait3A_633 = arith.constant 0 : i32
        %dma_wait3A_634 = tpu.memref_slice %arg10[%dma_wait3A_632, %dma_wait3A_633] : memref<10112x8xf32, #tpu.memory_space<vmem_shared>> -> memref<10112x8xf32, #tpu.memory_space<vmem_shared>>
        tpu.wait_indirect_dma semaphore(%run_scoped3A : memref<!tpu.dma_semaphore, #tpu.memory_space<semaphore_mem>>) src(%dma_wait3A_628 : memref<80x8xf32, #tpu.memory_space<vmem>>) dst(%dma_wait3A_634 : memref<10112x8xf32, #tpu.memory_space<vmem_shared>>)
        tpu.yield
      }) : () -> ()
      %add3A_396 = arith.constant 8 : i32
      %add3A_397 = arith.addi %add3A_18, %add3A_396 : i32
      %dma_wait3A_398 = arith.constant 640 : i32
      %dma_wait3A_399 = arith.constant 0 : i32
      %dma_wait3A_400 = tpu.memref_slice %arg9[%dma_wait3A_398, %dma_wait3A_399] : memref<2000x8xf32, #tpu.memory_space<vmem>> -> memref<80x8xf32, #tpu.memory_space<vmem>>
      %dma_wait3A_401 = arith.constant 0 : i32
      %dma_wait3A_402 = tpu.memref_slice %arg7[%add3A_397, %dma_wait3A_401] : memref<125x80xi32, #tpu.memory_space<vmem>> -> memref<1x80xi32, #tpu.memory_space<vmem>>
      %dma_wait3A_403 = tpu.memref_squeeze %dma_wait3A_402 : memref<1x80xi32, #tpu.memory_space<vmem>> -> memref<80xi32, #tpu.memory_space<vmem>>
      %dma_wait3A_404 = arith.constant 0 : i32
      %dma_wait3A_405 = arith.constant 0 : i32
      %dma_wait3A_406 = tpu.memref_slice %arg2[%dma_wait3A_404, %dma_wait3A_405] : memref<80000x8xf32, #tpu.memory_space<hbm>> -> memref<80000x8xf32, #tpu.memory_space<hbm>>
      tpu.wait_indirect_dma semaphore(%arg19 : memref<!tpu.dma_semaphore, #tpu.memory_space<semaphore_mem>>) src(%dma_wait3A_406 : memref<80000x8xf32, #tpu.memory_space<hbm>>) dst(%dma_wait3A_400 : memref<80x8xf32, #tpu.memory_space<vmem>>)
      %add3A_407 = arith.constant 8 : i32
      %add3A_408 = arith.addi %add3A_18, %add3A_407 : i32
      "tpu.region"() ({
        %run_scoped3A = tpu.sem_alloc : memref<!tpu.dma_semaphore, #tpu.memory_space<semaphore_mem>>
        %dma_start3A_617 = arith.constant 640 : i32
        %dma_start3A_618 = arith.constant 0 : i32
        %dma_start3A_619 = tpu.memref_slice %arg9[%dma_start3A_617, %dma_start3A_618] : memref<2000x8xf32, #tpu.memory_space<vmem>> -> memref<80x8xf32, #tpu.memory_space<vmem>>
        %dma_start3A_620 = arith.constant 0 : i32
        %dma_start3A_621 = tpu.memref_slice %arg8[%add3A_408, %dma_start3A_620] : memref<125x80xi32, #tpu.memory_space<vmem>> -> memref<1x80xi32, #tpu.memory_space<vmem>>
        %dma_start3A_622 = tpu.memref_squeeze %dma_start3A_621 : memref<1x80xi32, #tpu.memory_space<vmem>> -> memref<80xi32, #tpu.memory_space<vmem>>
        %dma_start3A_623 = arith.constant 0 : i32
        %dma_start3A_624 = arith.constant 0 : i32
        %dma_start3A_625 = tpu.memref_slice %arg10[%dma_start3A_623, %dma_start3A_624] : memref<10112x8xf32, #tpu.memory_space<vmem_shared>> -> memref<10112x8xf32, #tpu.memory_space<vmem_shared>>
        tpu.enqueue_indirect_dma source(%dma_start3A_619 : memref<80x8xf32, #tpu.memory_space<vmem>>) target(%dma_start3A_625 : memref<10112x8xf32, #tpu.memory_space<vmem_shared>>) offsets(%dma_start3A_622 : memref<80xi32, #tpu.memory_space<vmem>>) semaphore(%run_scoped3A : memref<!tpu.dma_semaphore, #tpu.memory_space<semaphore_mem>>) {add = true}
        %dma_wait3A_626 = arith.constant 640 : i32
        %dma_wait3A_627 = arith.constant 0 : i32
        %dma_wait3A_628 = tpu.memref_slice %arg9[%dma_wait3A_626, %dma_wait3A_627] : memref<2000x8xf32, #tpu.memory_space<vmem>> -> memref<80x8xf32, #tpu.memory_space<vmem>>
        %dma_wait3A_629 = arith.constant 0 : i32
        %dma_wait3A_630 = tpu.memref_slice %arg8[%add3A_408, %dma_wait3A_629] : memref<125x80xi32, #tpu.memory_space<vmem>> -> memref<1x80xi32, #tpu.memory_space<vmem>>
        %dma_wait3A_631 = tpu.memref_squeeze %dma_wait3A_630 : memref<1x80xi32, #tpu.memory_space<vmem>> -> memref<80xi32, #tpu.memory_space<vmem>>
        %dma_wait3A_632 = arith.constant 0 : i32
        %dma_wait3A_633 = arith.constant 0 : i32
        %dma_wait3A_634 = tpu.memref_slice %arg10[%dma_wait3A_632, %dma_wait3A_633] : memref<10112x8xf32, #tpu.memory_space<vmem_shared>> -> memref<10112x8xf32, #tpu.memory_space<vmem_shared>>
        tpu.wait_indirect_dma semaphore(%run_scoped3A : memref<!tpu.dma_semaphore, #tpu.memory_space<semaphore_mem>>) src(%dma_wait3A_628 : memref<80x8xf32, #tpu.memory_space<vmem>>) dst(%dma_wait3A_634 : memref<10112x8xf32, #tpu.memory_space<vmem_shared>>)
        tpu.yield
      }) : () -> ()
      %add3A_409 = arith.constant 9 : i32
      %add3A_410 = arith.addi %add3A_18, %add3A_409 : i32
      %dma_wait3A_411 = arith.constant 720 : i32
      %dma_wait3A_412 = arith.constant 0 : i32
      %dma_wait3A_413 = tpu.memref_slice %arg9[%dma_wait3A_411, %dma_wait3A_412] : memref<2000x8xf32, #tpu.memory_space<vmem>> -> memref<80x8xf32, #tpu.memory_space<vmem>>
      %dma_wait3A_414 = arith.constant 0 : i32
      %dma_wait3A_415 = tpu.memref_slice %arg7[%add3A_410, %dma_wait3A_414] : memref<125x80xi32, #tpu.memory_space<vmem>> -> memref<1x80xi32, #tpu.memory_space<vmem>>
      %dma_wait3A_416 = tpu.memref_squeeze %dma_wait3A_415 : memref<1x80xi32, #tpu.memory_space<vmem>> -> memref<80xi32, #tpu.memory_space<vmem>>
      %dma_wait3A_417 = arith.constant 0 : i32
      %dma_wait3A_418 = arith.constant 0 : i32
      %dma_wait3A_419 = tpu.memref_slice %arg2[%dma_wait3A_417, %dma_wait3A_418] : memref<80000x8xf32, #tpu.memory_space<hbm>> -> memref<80000x8xf32, #tpu.memory_space<hbm>>
      tpu.wait_indirect_dma semaphore(%arg20 : memref<!tpu.dma_semaphore, #tpu.memory_space<semaphore_mem>>) src(%dma_wait3A_419 : memref<80000x8xf32, #tpu.memory_space<hbm>>) dst(%dma_wait3A_413 : memref<80x8xf32, #tpu.memory_space<vmem>>)
      %add3A_420 = arith.constant 9 : i32
      %add3A_421 = arith.addi %add3A_18, %add3A_420 : i32
      "tpu.region"() ({
        %run_scoped3A = tpu.sem_alloc : memref<!tpu.dma_semaphore, #tpu.memory_space<semaphore_mem>>
        %dma_start3A_617 = arith.constant 720 : i32
        %dma_start3A_618 = arith.constant 0 : i32
        %dma_start3A_619 = tpu.memref_slice %arg9[%dma_start3A_617, %dma_start3A_618] : memref<2000x8xf32, #tpu.memory_space<vmem>> -> memref<80x8xf32, #tpu.memory_space<vmem>>
        %dma_start3A_620 = arith.constant 0 : i32
        %dma_start3A_621 = tpu.memref_slice %arg8[%add3A_421, %dma_start3A_620] : memref<125x80xi32, #tpu.memory_space<vmem>> -> memref<1x80xi32, #tpu.memory_space<vmem>>
        %dma_start3A_622 = tpu.memref_squeeze %dma_start3A_621 : memref<1x80xi32, #tpu.memory_space<vmem>> -> memref<80xi32, #tpu.memory_space<vmem>>
        %dma_start3A_623 = arith.constant 0 : i32
        %dma_start3A_624 = arith.constant 0 : i32
        %dma_start3A_625 = tpu.memref_slice %arg10[%dma_start3A_623, %dma_start3A_624] : memref<10112x8xf32, #tpu.memory_space<vmem_shared>> -> memref<10112x8xf32, #tpu.memory_space<vmem_shared>>
        tpu.enqueue_indirect_dma source(%dma_start3A_619 : memref<80x8xf32, #tpu.memory_space<vmem>>) target(%dma_start3A_625 : memref<10112x8xf32, #tpu.memory_space<vmem_shared>>) offsets(%dma_start3A_622 : memref<80xi32, #tpu.memory_space<vmem>>) semaphore(%run_scoped3A : memref<!tpu.dma_semaphore, #tpu.memory_space<semaphore_mem>>) {add = true}
        %dma_wait3A_626 = arith.constant 720 : i32
        %dma_wait3A_627 = arith.constant 0 : i32
        %dma_wait3A_628 = tpu.memref_slice %arg9[%dma_wait3A_626, %dma_wait3A_627] : memref<2000x8xf32, #tpu.memory_space<vmem>> -> memref<80x8xf32, #tpu.memory_space<vmem>>
        %dma_wait3A_629 = arith.constant 0 : i32
        %dma_wait3A_630 = tpu.memref_slice %arg8[%add3A_421, %dma_wait3A_629] : memref<125x80xi32, #tpu.memory_space<vmem>> -> memref<1x80xi32, #tpu.memory_space<vmem>>
        %dma_wait3A_631 = tpu.memref_squeeze %dma_wait3A_630 : memref<1x80xi32, #tpu.memory_space<vmem>> -> memref<80xi32, #tpu.memory_space<vmem>>
        %dma_wait3A_632 = arith.constant 0 : i32
        %dma_wait3A_633 = arith.constant 0 : i32
        %dma_wait3A_634 = tpu.memref_slice %arg10[%dma_wait3A_632, %dma_wait3A_633] : memref<10112x8xf32, #tpu.memory_space<vmem_shared>> -> memref<10112x8xf32, #tpu.memory_space<vmem_shared>>
        tpu.wait_indirect_dma semaphore(%run_scoped3A : memref<!tpu.dma_semaphore, #tpu.memory_space<semaphore_mem>>) src(%dma_wait3A_628 : memref<80x8xf32, #tpu.memory_space<vmem>>) dst(%dma_wait3A_634 : memref<10112x8xf32, #tpu.memory_space<vmem_shared>>)
        tpu.yield
      }) : () -> ()
      %add3A_422 = arith.constant 10 : i32
      %add3A_423 = arith.addi %add3A_18, %add3A_422 : i32
      %dma_wait3A_424 = arith.constant 800 : i32
      %dma_wait3A_425 = arith.constant 0 : i32
      %dma_wait3A_426 = tpu.memref_slice %arg9[%dma_wait3A_424, %dma_wait3A_425] : memref<2000x8xf32, #tpu.memory_space<vmem>> -> memref<80x8xf32, #tpu.memory_space<vmem>>
      %dma_wait3A_427 = arith.constant 0 : i32
      %dma_wait3A_428 = tpu.memref_slice %arg7[%add3A_423, %dma_wait3A_427] : memref<125x80xi32, #tpu.memory_space<vmem>> -> memref<1x80xi32, #tpu.memory_space<vmem>>
      %dma_wait3A_429 = tpu.memref_squeeze %dma_wait3A_428 : memref<1x80xi32, #tpu.memory_space<vmem>> -> memref<80xi32, #tpu.memory_space<vmem>>
      %dma_wait3A_430 = arith.constant 0 : i32
      %dma_wait3A_431 = arith.constant 0 : i32
      %dma_wait3A_432 = tpu.memref_slice %arg2[%dma_wait3A_430, %dma_wait3A_431] : memref<80000x8xf32, #tpu.memory_space<hbm>> -> memref<80000x8xf32, #tpu.memory_space<hbm>>
      tpu.wait_indirect_dma semaphore(%arg21 : memref<!tpu.dma_semaphore, #tpu.memory_space<semaphore_mem>>) src(%dma_wait3A_432 : memref<80000x8xf32, #tpu.memory_space<hbm>>) dst(%dma_wait3A_426 : memref<80x8xf32, #tpu.memory_space<vmem>>)
      %add3A_433 = arith.constant 10 : i32
      %add3A_434 = arith.addi %add3A_18, %add3A_433 : i32
      "tpu.region"() ({
        %run_scoped3A = tpu.sem_alloc : memref<!tpu.dma_semaphore, #tpu.memory_space<semaphore_mem>>
        %dma_start3A_617 = arith.constant 800 : i32
        %dma_start3A_618 = arith.constant 0 : i32
        %dma_start3A_619 = tpu.memref_slice %arg9[%dma_start3A_617, %dma_start3A_618] : memref<2000x8xf32, #tpu.memory_space<vmem>> -> memref<80x8xf32, #tpu.memory_space<vmem>>
        %dma_start3A_620 = arith.constant 0 : i32
        %dma_start3A_621 = tpu.memref_slice %arg8[%add3A_434, %dma_start3A_620] : memref<125x80xi32, #tpu.memory_space<vmem>> -> memref<1x80xi32, #tpu.memory_space<vmem>>
        %dma_start3A_622 = tpu.memref_squeeze %dma_start3A_621 : memref<1x80xi32, #tpu.memory_space<vmem>> -> memref<80xi32, #tpu.memory_space<vmem>>
        %dma_start3A_623 = arith.constant 0 : i32
        %dma_start3A_624 = arith.constant 0 : i32
        %dma_start3A_625 = tpu.memref_slice %arg10[%dma_start3A_623, %dma_start3A_624] : memref<10112x8xf32, #tpu.memory_space<vmem_shared>> -> memref<10112x8xf32, #tpu.memory_space<vmem_shared>>
        tpu.enqueue_indirect_dma source(%dma_start3A_619 : memref<80x8xf32, #tpu.memory_space<vmem>>) target(%dma_start3A_625 : memref<10112x8xf32, #tpu.memory_space<vmem_shared>>) offsets(%dma_start3A_622 : memref<80xi32, #tpu.memory_space<vmem>>) semaphore(%run_scoped3A : memref<!tpu.dma_semaphore, #tpu.memory_space<semaphore_mem>>) {add = true}
        %dma_wait3A_626 = arith.constant 800 : i32
        %dma_wait3A_627 = arith.constant 0 : i32
        %dma_wait3A_628 = tpu.memref_slice %arg9[%dma_wait3A_626, %dma_wait3A_627] : memref<2000x8xf32, #tpu.memory_space<vmem>> -> memref<80x8xf32, #tpu.memory_space<vmem>>
        %dma_wait3A_629 = arith.constant 0 : i32
        %dma_wait3A_630 = tpu.memref_slice %arg8[%add3A_434, %dma_wait3A_629] : memref<125x80xi32, #tpu.memory_space<vmem>> -> memref<1x80xi32, #tpu.memory_space<vmem>>
        %dma_wait3A_631 = tpu.memref_squeeze %dma_wait3A_630 : memref<1x80xi32, #tpu.memory_space<vmem>> -> memref<80xi32, #tpu.memory_space<vmem>>
        %dma_wait3A_632 = arith.constant 0 : i32
        %dma_wait3A_633 = arith.constant 0 : i32
        %dma_wait3A_634 = tpu.memref_slice %arg10[%dma_wait3A_632, %dma_wait3A_633] : memref<10112x8xf32, #tpu.memory_space<vmem_shared>> -> memref<10112x8xf32, #tpu.memory_space<vmem_shared>>
        tpu.wait_indirect_dma semaphore(%run_scoped3A : memref<!tpu.dma_semaphore, #tpu.memory_space<semaphore_mem>>) src(%dma_wait3A_628 : memref<80x8xf32, #tpu.memory_space<vmem>>) dst(%dma_wait3A_634 : memref<10112x8xf32, #tpu.memory_space<vmem_shared>>)
        tpu.yield
      }) : () -> ()
      %add3A_435 = arith.constant 11 : i32
      %add3A_436 = arith.addi %add3A_18, %add3A_435 : i32
      %dma_wait3A_437 = arith.constant 880 : i32
      %dma_wait3A_438 = arith.constant 0 : i32
      %dma_wait3A_439 = tpu.memref_slice %arg9[%dma_wait3A_437, %dma_wait3A_438] : memref<2000x8xf32, #tpu.memory_space<vmem>> -> memref<80x8xf32, #tpu.memory_space<vmem>>
      %dma_wait3A_440 = arith.constant 0 : i32
      %dma_wait3A_441 = tpu.memref_slice %arg7[%add3A_436, %dma_wait3A_440] : memref<125x80xi32, #tpu.memory_space<vmem>> -> memref<1x80xi32, #tpu.memory_space<vmem>>
      %dma_wait3A_442 = tpu.memref_squeeze %dma_wait3A_441 : memref<1x80xi32, #tpu.memory_space<vmem>> -> memref<80xi32, #tpu.memory_space<vmem>>
      %dma_wait3A_443 = arith.constant 0 : i32
      %dma_wait3A_444 = arith.constant 0 : i32
      %dma_wait3A_445 = tpu.memref_slice %arg2[%dma_wait3A_443, %dma_wait3A_444] : memref<80000x8xf32, #tpu.memory_space<hbm>> -> memref<80000x8xf32, #tpu.memory_space<hbm>>
      tpu.wait_indirect_dma semaphore(%arg22 : memref<!tpu.dma_semaphore, #tpu.memory_space<semaphore_mem>>) src(%dma_wait3A_445 : memref<80000x8xf32, #tpu.memory_space<hbm>>) dst(%dma_wait3A_439 : memref<80x8xf32, #tpu.memory_space<vmem>>)
      %add3A_446 = arith.constant 11 : i32
      %add3A_447 = arith.addi %add3A_18, %add3A_446 : i32
      "tpu.region"() ({
        %run_scoped3A = tpu.sem_alloc : memref<!tpu.dma_semaphore, #tpu.memory_space<semaphore_mem>>
        %dma_start3A_617 = arith.constant 880 : i32
        %dma_start3A_618 = arith.constant 0 : i32
        %dma_start3A_619 = tpu.memref_slice %arg9[%dma_start3A_617, %dma_start3A_618] : memref<2000x8xf32, #tpu.memory_space<vmem>> -> memref<80x8xf32, #tpu.memory_space<vmem>>
        %dma_start3A_620 = arith.constant 0 : i32
        %dma_start3A_621 = tpu.memref_slice %arg8[%add3A_447, %dma_start3A_620] : memref<125x80xi32, #tpu.memory_space<vmem>> -> memref<1x80xi32, #tpu.memory_space<vmem>>
        %dma_start3A_622 = tpu.memref_squeeze %dma_start3A_621 : memref<1x80xi32, #tpu.memory_space<vmem>> -> memref<80xi32, #tpu.memory_space<vmem>>
        %dma_start3A_623 = arith.constant 0 : i32
        %dma_start3A_624 = arith.constant 0 : i32
        %dma_start3A_625 = tpu.memref_slice %arg10[%dma_start3A_623, %dma_start3A_624] : memref<10112x8xf32, #tpu.memory_space<vmem_shared>> -> memref<10112x8xf32, #tpu.memory_space<vmem_shared>>
        tpu.enqueue_indirect_dma source(%dma_start3A_619 : memref<80x8xf32, #tpu.memory_space<vmem>>) target(%dma_start3A_625 : memref<10112x8xf32, #tpu.memory_space<vmem_shared>>) offsets(%dma_start3A_622 : memref<80xi32, #tpu.memory_space<vmem>>) semaphore(%run_scoped3A : memref<!tpu.dma_semaphore, #tpu.memory_space<semaphore_mem>>) {add = true}
        %dma_wait3A_626 = arith.constant 880 : i32
        %dma_wait3A_627 = arith.constant 0 : i32
        %dma_wait3A_628 = tpu.memref_slice %arg9[%dma_wait3A_626, %dma_wait3A_627] : memref<2000x8xf32, #tpu.memory_space<vmem>> -> memref<80x8xf32, #tpu.memory_space<vmem>>
        %dma_wait3A_629 = arith.constant 0 : i32
        %dma_wait3A_630 = tpu.memref_slice %arg8[%add3A_447, %dma_wait3A_629] : memref<125x80xi32, #tpu.memory_space<vmem>> -> memref<1x80xi32, #tpu.memory_space<vmem>>
        %dma_wait3A_631 = tpu.memref_squeeze %dma_wait3A_630 : memref<1x80xi32, #tpu.memory_space<vmem>> -> memref<80xi32, #tpu.memory_space<vmem>>
        %dma_wait3A_632 = arith.constant 0 : i32
        %dma_wait3A_633 = arith.constant 0 : i32
        %dma_wait3A_634 = tpu.memref_slice %arg10[%dma_wait3A_632, %dma_wait3A_633] : memref<10112x8xf32, #tpu.memory_space<vmem_shared>> -> memref<10112x8xf32, #tpu.memory_space<vmem_shared>>
        tpu.wait_indirect_dma semaphore(%run_scoped3A : memref<!tpu.dma_semaphore, #tpu.memory_space<semaphore_mem>>) src(%dma_wait3A_628 : memref<80x8xf32, #tpu.memory_space<vmem>>) dst(%dma_wait3A_634 : memref<10112x8xf32, #tpu.memory_space<vmem_shared>>)
        tpu.yield
      }) : () -> ()
      %add3A_448 = arith.constant 12 : i32
      %add3A_449 = arith.addi %add3A_18, %add3A_448 : i32
      %dma_wait3A_450 = arith.constant 960 : i32
      %dma_wait3A_451 = arith.constant 0 : i32
      %dma_wait3A_452 = tpu.memref_slice %arg9[%dma_wait3A_450, %dma_wait3A_451] : memref<2000x8xf32, #tpu.memory_space<vmem>> -> memref<80x8xf32, #tpu.memory_space<vmem>>
      %dma_wait3A_453 = arith.constant 0 : i32
      %dma_wait3A_454 = tpu.memref_slice %arg7[%add3A_449, %dma_wait3A_453] : memref<125x80xi32, #tpu.memory_space<vmem>> -> memref<1x80xi32, #tpu.memory_space<vmem>>
      %dma_wait3A_455 = tpu.memref_squeeze %dma_wait3A_454 : memref<1x80xi32, #tpu.memory_space<vmem>> -> memref<80xi32, #tpu.memory_space<vmem>>
      %dma_wait3A_456 = arith.constant 0 : i32
      %dma_wait3A_457 = arith.constant 0 : i32
      %dma_wait3A_458 = tpu.memref_slice %arg2[%dma_wait3A_456, %dma_wait3A_457] : memref<80000x8xf32, #tpu.memory_space<hbm>> -> memref<80000x8xf32, #tpu.memory_space<hbm>>
      tpu.wait_indirect_dma semaphore(%arg23 : memref<!tpu.dma_semaphore, #tpu.memory_space<semaphore_mem>>) src(%dma_wait3A_458 : memref<80000x8xf32, #tpu.memory_space<hbm>>) dst(%dma_wait3A_452 : memref<80x8xf32, #tpu.memory_space<vmem>>)
      %add3A_459 = arith.constant 12 : i32
      %add3A_460 = arith.addi %add3A_18, %add3A_459 : i32
      "tpu.region"() ({
        %run_scoped3A = tpu.sem_alloc : memref<!tpu.dma_semaphore, #tpu.memory_space<semaphore_mem>>
        %dma_start3A_617 = arith.constant 960 : i32
        %dma_start3A_618 = arith.constant 0 : i32
        %dma_start3A_619 = tpu.memref_slice %arg9[%dma_start3A_617, %dma_start3A_618] : memref<2000x8xf32, #tpu.memory_space<vmem>> -> memref<80x8xf32, #tpu.memory_space<vmem>>
        %dma_start3A_620 = arith.constant 0 : i32
        %dma_start3A_621 = tpu.memref_slice %arg8[%add3A_460, %dma_start3A_620] : memref<125x80xi32, #tpu.memory_space<vmem>> -> memref<1x80xi32, #tpu.memory_space<vmem>>
        %dma_start3A_622 = tpu.memref_squeeze %dma_start3A_621 : memref<1x80xi32, #tpu.memory_space<vmem>> -> memref<80xi32, #tpu.memory_space<vmem>>
        %dma_start3A_623 = arith.constant 0 : i32
        %dma_start3A_624 = arith.constant 0 : i32
        %dma_start3A_625 = tpu.memref_slice %arg10[%dma_start3A_623, %dma_start3A_624] : memref<10112x8xf32, #tpu.memory_space<vmem_shared>> -> memref<10112x8xf32, #tpu.memory_space<vmem_shared>>
        tpu.enqueue_indirect_dma source(%dma_start3A_619 : memref<80x8xf32, #tpu.memory_space<vmem>>) target(%dma_start3A_625 : memref<10112x8xf32, #tpu.memory_space<vmem_shared>>) offsets(%dma_start3A_622 : memref<80xi32, #tpu.memory_space<vmem>>) semaphore(%run_scoped3A : memref<!tpu.dma_semaphore, #tpu.memory_space<semaphore_mem>>) {add = true}
        %dma_wait3A_626 = arith.constant 960 : i32
        %dma_wait3A_627 = arith.constant 0 : i32
        %dma_wait3A_628 = tpu.memref_slice %arg9[%dma_wait3A_626, %dma_wait3A_627] : memref<2000x8xf32, #tpu.memory_space<vmem>> -> memref<80x8xf32, #tpu.memory_space<vmem>>
        %dma_wait3A_629 = arith.constant 0 : i32
        %dma_wait3A_630 = tpu.memref_slice %arg8[%add3A_460, %dma_wait3A_629] : memref<125x80xi32, #tpu.memory_space<vmem>> -> memref<1x80xi32, #tpu.memory_space<vmem>>
        %dma_wait3A_631 = tpu.memref_squeeze %dma_wait3A_630 : memref<1x80xi32, #tpu.memory_space<vmem>> -> memref<80xi32, #tpu.memory_space<vmem>>
        %dma_wait3A_632 = arith.constant 0 : i32
        %dma_wait3A_633 = arith.constant 0 : i32
        %dma_wait3A_634 = tpu.memref_slice %arg10[%dma_wait3A_632, %dma_wait3A_633] : memref<10112x8xf32, #tpu.memory_space<vmem_shared>> -> memref<10112x8xf32, #tpu.memory_space<vmem_shared>>
        tpu.wait_indirect_dma semaphore(%run_scoped3A : memref<!tpu.dma_semaphore, #tpu.memory_space<semaphore_mem>>) src(%dma_wait3A_628 : memref<80x8xf32, #tpu.memory_space<vmem>>) dst(%dma_wait3A_634 : memref<10112x8xf32, #tpu.memory_space<vmem_shared>>)
        tpu.yield
      }) : () -> ()
      %add3A_461 = arith.constant 13 : i32
      %add3A_462 = arith.addi %add3A_18, %add3A_461 : i32
      %dma_wait3A_463 = arith.constant 1040 : i32
      %dma_wait3A_464 = arith.constant 0 : i32
      %dma_wait3A_465 = tpu.memref_slice %arg9[%dma_wait3A_463, %dma_wait3A_464] : memref<2000x8xf32, #tpu.memory_space<vmem>> -> memref<80x8xf32, #tpu.memory_space<vmem>>
      %dma_wait3A_466 = arith.constant 0 : i32
      %dma_wait3A_467 = tpu.memref_slice %arg7[%add3A_462, %dma_wait3A_466] : memref<125x80xi32, #tpu.memory_space<vmem>> -> memref<1x80xi32, #tpu.memory_space<vmem>>
      %dma_wait3A_468 = tpu.memref_squeeze %dma_wait3A_467 : memref<1x80xi32, #tpu.memory_space<vmem>> -> memref<80xi32, #tpu.memory_space<vmem>>
      %dma_wait3A_469 = arith.constant 0 : i32
      %dma_wait3A_470 = arith.constant 0 : i32
      %dma_wait3A_471 = tpu.memref_slice %arg2[%dma_wait3A_469, %dma_wait3A_470] : memref<80000x8xf32, #tpu.memory_space<hbm>> -> memref<80000x8xf32, #tpu.memory_space<hbm>>
      tpu.wait_indirect_dma semaphore(%arg24 : memref<!tpu.dma_semaphore, #tpu.memory_space<semaphore_mem>>) src(%dma_wait3A_471 : memref<80000x8xf32, #tpu.memory_space<hbm>>) dst(%dma_wait3A_465 : memref<80x8xf32, #tpu.memory_space<vmem>>)
      %add3A_472 = arith.constant 13 : i32
      %add3A_473 = arith.addi %add3A_18, %add3A_472 : i32
      "tpu.region"() ({
        %run_scoped3A = tpu.sem_alloc : memref<!tpu.dma_semaphore, #tpu.memory_space<semaphore_mem>>
        %dma_start3A_617 = arith.constant 1040 : i32
        %dma_start3A_618 = arith.constant 0 : i32
        %dma_start3A_619 = tpu.memref_slice %arg9[%dma_start3A_617, %dma_start3A_618] : memref<2000x8xf32, #tpu.memory_space<vmem>> -> memref<80x8xf32, #tpu.memory_space<vmem>>
        %dma_start3A_620 = arith.constant 0 : i32
        %dma_start3A_621 = tpu.memref_slice %arg8[%add3A_473, %dma_start3A_620] : memref<125x80xi32, #tpu.memory_space<vmem>> -> memref<1x80xi32, #tpu.memory_space<vmem>>
        %dma_start3A_622 = tpu.memref_squeeze %dma_start3A_621 : memref<1x80xi32, #tpu.memory_space<vmem>> -> memref<80xi32, #tpu.memory_space<vmem>>
        %dma_start3A_623 = arith.constant 0 : i32
        %dma_start3A_624 = arith.constant 0 : i32
        %dma_start3A_625 = tpu.memref_slice %arg10[%dma_start3A_623, %dma_start3A_624] : memref<10112x8xf32, #tpu.memory_space<vmem_shared>> -> memref<10112x8xf32, #tpu.memory_space<vmem_shared>>
        tpu.enqueue_indirect_dma source(%dma_start3A_619 : memref<80x8xf32, #tpu.memory_space<vmem>>) target(%dma_start3A_625 : memref<10112x8xf32, #tpu.memory_space<vmem_shared>>) offsets(%dma_start3A_622 : memref<80xi32, #tpu.memory_space<vmem>>) semaphore(%run_scoped3A : memref<!tpu.dma_semaphore, #tpu.memory_space<semaphore_mem>>) {add = true}
        %dma_wait3A_626 = arith.constant 1040 : i32
        %dma_wait3A_627 = arith.constant 0 : i32
        %dma_wait3A_628 = tpu.memref_slice %arg9[%dma_wait3A_626, %dma_wait3A_627] : memref<2000x8xf32, #tpu.memory_space<vmem>> -> memref<80x8xf32, #tpu.memory_space<vmem>>
        %dma_wait3A_629 = arith.constant 0 : i32
        %dma_wait3A_630 = tpu.memref_slice %arg8[%add3A_473, %dma_wait3A_629] : memref<125x80xi32, #tpu.memory_space<vmem>> -> memref<1x80xi32, #tpu.memory_space<vmem>>
        %dma_wait3A_631 = tpu.memref_squeeze %dma_wait3A_630 : memref<1x80xi32, #tpu.memory_space<vmem>> -> memref<80xi32, #tpu.memory_space<vmem>>
        %dma_wait3A_632 = arith.constant 0 : i32
        %dma_wait3A_633 = arith.constant 0 : i32
        %dma_wait3A_634 = tpu.memref_slice %arg10[%dma_wait3A_632, %dma_wait3A_633] : memref<10112x8xf32, #tpu.memory_space<vmem_shared>> -> memref<10112x8xf32, #tpu.memory_space<vmem_shared>>
        tpu.wait_indirect_dma semaphore(%run_scoped3A : memref<!tpu.dma_semaphore, #tpu.memory_space<semaphore_mem>>) src(%dma_wait3A_628 : memref<80x8xf32, #tpu.memory_space<vmem>>) dst(%dma_wait3A_634 : memref<10112x8xf32, #tpu.memory_space<vmem_shared>>)
        tpu.yield
      }) : () -> ()
      %add3A_474 = arith.constant 14 : i32
      %add3A_475 = arith.addi %add3A_18, %add3A_474 : i32
      %dma_wait3A_476 = arith.constant 1120 : i32
      %dma_wait3A_477 = arith.constant 0 : i32
      %dma_wait3A_478 = tpu.memref_slice %arg9[%dma_wait3A_476, %dma_wait3A_477] : memref<2000x8xf32, #tpu.memory_space<vmem>> -> memref<80x8xf32, #tpu.memory_space<vmem>>
      %dma_wait3A_479 = arith.constant 0 : i32
      %dma_wait3A_480 = tpu.memref_slice %arg7[%add3A_475, %dma_wait3A_479] : memref<125x80xi32, #tpu.memory_space<vmem>> -> memref<1x80xi32, #tpu.memory_space<vmem>>
      %dma_wait3A_481 = tpu.memref_squeeze %dma_wait3A_480 : memref<1x80xi32, #tpu.memory_space<vmem>> -> memref<80xi32, #tpu.memory_space<vmem>>
      %dma_wait3A_482 = arith.constant 0 : i32
      %dma_wait3A_483 = arith.constant 0 : i32
      %dma_wait3A_484 = tpu.memref_slice %arg2[%dma_wait3A_482, %dma_wait3A_483] : memref<80000x8xf32, #tpu.memory_space<hbm>> -> memref<80000x8xf32, #tpu.memory_space<hbm>>
      tpu.wait_indirect_dma semaphore(%arg25 : memref<!tpu.dma_semaphore, #tpu.memory_space<semaphore_mem>>) src(%dma_wait3A_484 : memref<80000x8xf32, #tpu.memory_space<hbm>>) dst(%dma_wait3A_478 : memref<80x8xf32, #tpu.memory_space<vmem>>)
      %add3A_485 = arith.constant 14 : i32
      %add3A_486 = arith.addi %add3A_18, %add3A_485 : i32
      "tpu.region"() ({
        %run_scoped3A = tpu.sem_alloc : memref<!tpu.dma_semaphore, #tpu.memory_space<semaphore_mem>>
        %dma_start3A_617 = arith.constant 1120 : i32
        %dma_start3A_618 = arith.constant 0 : i32
        %dma_start3A_619 = tpu.memref_slice %arg9[%dma_start3A_617, %dma_start3A_618] : memref<2000x8xf32, #tpu.memory_space<vmem>> -> memref<80x8xf32, #tpu.memory_space<vmem>>
        %dma_start3A_620 = arith.constant 0 : i32
        %dma_start3A_621 = tpu.memref_slice %arg8[%add3A_486, %dma_start3A_620] : memref<125x80xi32, #tpu.memory_space<vmem>> -> memref<1x80xi32, #tpu.memory_space<vmem>>
        %dma_start3A_622 = tpu.memref_squeeze %dma_start3A_621 : memref<1x80xi32, #tpu.memory_space<vmem>> -> memref<80xi32, #tpu.memory_space<vmem>>
        %dma_start3A_623 = arith.constant 0 : i32
        %dma_start3A_624 = arith.constant 0 : i32
        %dma_start3A_625 = tpu.memref_slice %arg10[%dma_start3A_623, %dma_start3A_624] : memref<10112x8xf32, #tpu.memory_space<vmem_shared>> -> memref<10112x8xf32, #tpu.memory_space<vmem_shared>>
        tpu.enqueue_indirect_dma source(%dma_start3A_619 : memref<80x8xf32, #tpu.memory_space<vmem>>) target(%dma_start3A_625 : memref<10112x8xf32, #tpu.memory_space<vmem_shared>>) offsets(%dma_start3A_622 : memref<80xi32, #tpu.memory_space<vmem>>) semaphore(%run_scoped3A : memref<!tpu.dma_semaphore, #tpu.memory_space<semaphore_mem>>) {add = true}
        %dma_wait3A_626 = arith.constant 1120 : i32
        %dma_wait3A_627 = arith.constant 0 : i32
        %dma_wait3A_628 = tpu.memref_slice %arg9[%dma_wait3A_626, %dma_wait3A_627] : memref<2000x8xf32, #tpu.memory_space<vmem>> -> memref<80x8xf32, #tpu.memory_space<vmem>>
        %dma_wait3A_629 = arith.constant 0 : i32
        %dma_wait3A_630 = tpu.memref_slice %arg8[%add3A_486, %dma_wait3A_629] : memref<125x80xi32, #tpu.memory_space<vmem>> -> memref<1x80xi32, #tpu.memory_space<vmem>>
        %dma_wait3A_631 = tpu.memref_squeeze %dma_wait3A_630 : memref<1x80xi32, #tpu.memory_space<vmem>> -> memref<80xi32, #tpu.memory_space<vmem>>
        %dma_wait3A_632 = arith.constant 0 : i32
        %dma_wait3A_633 = arith.constant 0 : i32
        %dma_wait3A_634 = tpu.memref_slice %arg10[%dma_wait3A_632, %dma_wait3A_633] : memref<10112x8xf32, #tpu.memory_space<vmem_shared>> -> memref<10112x8xf32, #tpu.memory_space<vmem_shared>>
        tpu.wait_indirect_dma semaphore(%run_scoped3A : memref<!tpu.dma_semaphore, #tpu.memory_space<semaphore_mem>>) src(%dma_wait3A_628 : memref<80x8xf32, #tpu.memory_space<vmem>>) dst(%dma_wait3A_634 : memref<10112x8xf32, #tpu.memory_space<vmem_shared>>)
        tpu.yield
      }) : () -> ()
      %add3A_487 = arith.constant 15 : i32
      %add3A_488 = arith.addi %add3A_18, %add3A_487 : i32
      %dma_wait3A_489 = arith.constant 1200 : i32
      %dma_wait3A_490 = arith.constant 0 : i32
      %dma_wait3A_491 = tpu.memref_slice %arg9[%dma_wait3A_489, %dma_wait3A_490] : memref<2000x8xf32, #tpu.memory_space<vmem>> -> memref<80x8xf32, #tpu.memory_space<vmem>>
      %dma_wait3A_492 = arith.constant 0 : i32
      %dma_wait3A_493 = tpu.memref_slice %arg7[%add3A_488, %dma_wait3A_492] : memref<125x80xi32, #tpu.memory_space<vmem>> -> memref<1x80xi32, #tpu.memory_space<vmem>>
      %dma_wait3A_494 = tpu.memref_squeeze %dma_wait3A_493 : memref<1x80xi32, #tpu.memory_space<vmem>> -> memref<80xi32, #tpu.memory_space<vmem>>
      %dma_wait3A_495 = arith.constant 0 : i32
      %dma_wait3A_496 = arith.constant 0 : i32
      %dma_wait3A_497 = tpu.memref_slice %arg2[%dma_wait3A_495, %dma_wait3A_496] : memref<80000x8xf32, #tpu.memory_space<hbm>> -> memref<80000x8xf32, #tpu.memory_space<hbm>>
      tpu.wait_indirect_dma semaphore(%arg26 : memref<!tpu.dma_semaphore, #tpu.memory_space<semaphore_mem>>) src(%dma_wait3A_497 : memref<80000x8xf32, #tpu.memory_space<hbm>>) dst(%dma_wait3A_491 : memref<80x8xf32, #tpu.memory_space<vmem>>)
      %add3A_498 = arith.constant 15 : i32
      %add3A_499 = arith.addi %add3A_18, %add3A_498 : i32
      "tpu.region"() ({
        %run_scoped3A = tpu.sem_alloc : memref<!tpu.dma_semaphore, #tpu.memory_space<semaphore_mem>>
        %dma_start3A_617 = arith.constant 1200 : i32
        %dma_start3A_618 = arith.constant 0 : i32
        %dma_start3A_619 = tpu.memref_slice %arg9[%dma_start3A_617, %dma_start3A_618] : memref<2000x8xf32, #tpu.memory_space<vmem>> -> memref<80x8xf32, #tpu.memory_space<vmem>>
        %dma_start3A_620 = arith.constant 0 : i32
        %dma_start3A_621 = tpu.memref_slice %arg8[%add3A_499, %dma_start3A_620] : memref<125x80xi32, #tpu.memory_space<vmem>> -> memref<1x80xi32, #tpu.memory_space<vmem>>
        %dma_start3A_622 = tpu.memref_squeeze %dma_start3A_621 : memref<1x80xi32, #tpu.memory_space<vmem>> -> memref<80xi32, #tpu.memory_space<vmem>>
        %dma_start3A_623 = arith.constant 0 : i32
        %dma_start3A_624 = arith.constant 0 : i32
        %dma_start3A_625 = tpu.memref_slice %arg10[%dma_start3A_623, %dma_start3A_624] : memref<10112x8xf32, #tpu.memory_space<vmem_shared>> -> memref<10112x8xf32, #tpu.memory_space<vmem_shared>>
        tpu.enqueue_indirect_dma source(%dma_start3A_619 : memref<80x8xf32, #tpu.memory_space<vmem>>) target(%dma_start3A_625 : memref<10112x8xf32, #tpu.memory_space<vmem_shared>>) offsets(%dma_start3A_622 : memref<80xi32, #tpu.memory_space<vmem>>) semaphore(%run_scoped3A : memref<!tpu.dma_semaphore, #tpu.memory_space<semaphore_mem>>) {add = true}
        %dma_wait3A_626 = arith.constant 1200 : i32
        %dma_wait3A_627 = arith.constant 0 : i32
        %dma_wait3A_628 = tpu.memref_slice %arg9[%dma_wait3A_626, %dma_wait3A_627] : memref<2000x8xf32, #tpu.memory_space<vmem>> -> memref<80x8xf32, #tpu.memory_space<vmem>>
        %dma_wait3A_629 = arith.constant 0 : i32
        %dma_wait3A_630 = tpu.memref_slice %arg8[%add3A_499, %dma_wait3A_629] : memref<125x80xi32, #tpu.memory_space<vmem>> -> memref<1x80xi32, #tpu.memory_space<vmem>>
        %dma_wait3A_631 = tpu.memref_squeeze %dma_wait3A_630 : memref<1x80xi32, #tpu.memory_space<vmem>> -> memref<80xi32, #tpu.memory_space<vmem>>
        %dma_wait3A_632 = arith.constant 0 : i32
        %dma_wait3A_633 = arith.constant 0 : i32
        %dma_wait3A_634 = tpu.memref_slice %arg10[%dma_wait3A_632, %dma_wait3A_633] : memref<10112x8xf32, #tpu.memory_space<vmem_shared>> -> memref<10112x8xf32, #tpu.memory_space<vmem_shared>>
        tpu.wait_indirect_dma semaphore(%run_scoped3A : memref<!tpu.dma_semaphore, #tpu.memory_space<semaphore_mem>>) src(%dma_wait3A_628 : memref<80x8xf32, #tpu.memory_space<vmem>>) dst(%dma_wait3A_634 : memref<10112x8xf32, #tpu.memory_space<vmem_shared>>)
        tpu.yield
      }) : () -> ()
      %add3A_500 = arith.constant 16 : i32
      %add3A_501 = arith.addi %add3A_18, %add3A_500 : i32
      %dma_wait3A_502 = arith.constant 1280 : i32
      %dma_wait3A_503 = arith.constant 0 : i32
      %dma_wait3A_504 = tpu.memref_slice %arg9[%dma_wait3A_502, %dma_wait3A_503] : memref<2000x8xf32, #tpu.memory_space<vmem>> -> memref<80x8xf32, #tpu.memory_space<vmem>>
      %dma_wait3A_505 = arith.constant 0 : i32
      %dma_wait3A_506 = tpu.memref_slice %arg7[%add3A_501, %dma_wait3A_505] : memref<125x80xi32, #tpu.memory_space<vmem>> -> memref<1x80xi32, #tpu.memory_space<vmem>>
      %dma_wait3A_507 = tpu.memref_squeeze %dma_wait3A_506 : memref<1x80xi32, #tpu.memory_space<vmem>> -> memref<80xi32, #tpu.memory_space<vmem>>
      %dma_wait3A_508 = arith.constant 0 : i32
      %dma_wait3A_509 = arith.constant 0 : i32
      %dma_wait3A_510 = tpu.memref_slice %arg2[%dma_wait3A_508, %dma_wait3A_509] : memref<80000x8xf32, #tpu.memory_space<hbm>> -> memref<80000x8xf32, #tpu.memory_space<hbm>>
      tpu.wait_indirect_dma semaphore(%arg27 : memref<!tpu.dma_semaphore, #tpu.memory_space<semaphore_mem>>) src(%dma_wait3A_510 : memref<80000x8xf32, #tpu.memory_space<hbm>>) dst(%dma_wait3A_504 : memref<80x8xf32, #tpu.memory_space<vmem>>)
      %add3A_511 = arith.constant 16 : i32
      %add3A_512 = arith.addi %add3A_18, %add3A_511 : i32
      "tpu.region"() ({
        %run_scoped3A = tpu.sem_alloc : memref<!tpu.dma_semaphore, #tpu.memory_space<semaphore_mem>>
        %dma_start3A_617 = arith.constant 1280 : i32
        %dma_start3A_618 = arith.constant 0 : i32
        %dma_start3A_619 = tpu.memref_slice %arg9[%dma_start3A_617, %dma_start3A_618] : memref<2000x8xf32, #tpu.memory_space<vmem>> -> memref<80x8xf32, #tpu.memory_space<vmem>>
        %dma_start3A_620 = arith.constant 0 : i32
        %dma_start3A_621 = tpu.memref_slice %arg8[%add3A_512, %dma_start3A_620] : memref<125x80xi32, #tpu.memory_space<vmem>> -> memref<1x80xi32, #tpu.memory_space<vmem>>
        %dma_start3A_622 = tpu.memref_squeeze %dma_start3A_621 : memref<1x80xi32, #tpu.memory_space<vmem>> -> memref<80xi32, #tpu.memory_space<vmem>>
        %dma_start3A_623 = arith.constant 0 : i32
        %dma_start3A_624 = arith.constant 0 : i32
        %dma_start3A_625 = tpu.memref_slice %arg10[%dma_start3A_623, %dma_start3A_624] : memref<10112x8xf32, #tpu.memory_space<vmem_shared>> -> memref<10112x8xf32, #tpu.memory_space<vmem_shared>>
        tpu.enqueue_indirect_dma source(%dma_start3A_619 : memref<80x8xf32, #tpu.memory_space<vmem>>) target(%dma_start3A_625 : memref<10112x8xf32, #tpu.memory_space<vmem_shared>>) offsets(%dma_start3A_622 : memref<80xi32, #tpu.memory_space<vmem>>) semaphore(%run_scoped3A : memref<!tpu.dma_semaphore, #tpu.memory_space<semaphore_mem>>) {add = true}
        %dma_wait3A_626 = arith.constant 1280 : i32
        %dma_wait3A_627 = arith.constant 0 : i32
        %dma_wait3A_628 = tpu.memref_slice %arg9[%dma_wait3A_626, %dma_wait3A_627] : memref<2000x8xf32, #tpu.memory_space<vmem>> -> memref<80x8xf32, #tpu.memory_space<vmem>>
        %dma_wait3A_629 = arith.constant 0 : i32
        %dma_wait3A_630 = tpu.memref_slice %arg8[%add3A_512, %dma_wait3A_629] : memref<125x80xi32, #tpu.memory_space<vmem>> -> memref<1x80xi32, #tpu.memory_space<vmem>>
        %dma_wait3A_631 = tpu.memref_squeeze %dma_wait3A_630 : memref<1x80xi32, #tpu.memory_space<vmem>> -> memref<80xi32, #tpu.memory_space<vmem>>
        %dma_wait3A_632 = arith.constant 0 : i32
        %dma_wait3A_633 = arith.constant 0 : i32
        %dma_wait3A_634 = tpu.memref_slice %arg10[%dma_wait3A_632, %dma_wait3A_633] : memref<10112x8xf32, #tpu.memory_space<vmem_shared>> -> memref<10112x8xf32, #tpu.memory_space<vmem_shared>>
        tpu.wait_indirect_dma semaphore(%run_scoped3A : memref<!tpu.dma_semaphore, #tpu.memory_space<semaphore_mem>>) src(%dma_wait3A_628 : memref<80x8xf32, #tpu.memory_space<vmem>>) dst(%dma_wait3A_634 : memref<10112x8xf32, #tpu.memory_space<vmem_shared>>)
        tpu.yield
      }) : () -> ()
      %add3A_513 = arith.constant 17 : i32
      %add3A_514 = arith.addi %add3A_18, %add3A_513 : i32
      %dma_wait3A_515 = arith.constant 1360 : i32
      %dma_wait3A_516 = arith.constant 0 : i32
      %dma_wait3A_517 = tpu.memref_slice %arg9[%dma_wait3A_515, %dma_wait3A_516] : memref<2000x8xf32, #tpu.memory_space<vmem>> -> memref<80x8xf32, #tpu.memory_space<vmem>>
      %dma_wait3A_518 = arith.constant 0 : i32
      %dma_wait3A_519 = tpu.memref_slice %arg7[%add3A_514, %dma_wait3A_518] : memref<125x80xi32, #tpu.memory_space<vmem>> -> memref<1x80xi32, #tpu.memory_space<vmem>>
      %dma_wait3A_520 = tpu.memref_squeeze %dma_wait3A_519 : memref<1x80xi32, #tpu.memory_space<vmem>> -> memref<80xi32, #tpu.memory_space<vmem>>
      %dma_wait3A_521 = arith.constant 0 : i32
      %dma_wait3A_522 = arith.constant 0 : i32
      %dma_wait3A_523 = tpu.memref_slice %arg2[%dma_wait3A_521, %dma_wait3A_522] : memref<80000x8xf32, #tpu.memory_space<hbm>> -> memref<80000x8xf32, #tpu.memory_space<hbm>>
      tpu.wait_indirect_dma semaphore(%arg28 : memref<!tpu.dma_semaphore, #tpu.memory_space<semaphore_mem>>) src(%dma_wait3A_523 : memref<80000x8xf32, #tpu.memory_space<hbm>>) dst(%dma_wait3A_517 : memref<80x8xf32, #tpu.memory_space<vmem>>)
      %add3A_524 = arith.constant 17 : i32
      %add3A_525 = arith.addi %add3A_18, %add3A_524 : i32
      "tpu.region"() ({
        %run_scoped3A = tpu.sem_alloc : memref<!tpu.dma_semaphore, #tpu.memory_space<semaphore_mem>>
        %dma_start3A_617 = arith.constant 1360 : i32
        %dma_start3A_618 = arith.constant 0 : i32
        %dma_start3A_619 = tpu.memref_slice %arg9[%dma_start3A_617, %dma_start3A_618] : memref<2000x8xf32, #tpu.memory_space<vmem>> -> memref<80x8xf32, #tpu.memory_space<vmem>>
        %dma_start3A_620 = arith.constant 0 : i32
        %dma_start3A_621 = tpu.memref_slice %arg8[%add3A_525, %dma_start3A_620] : memref<125x80xi32, #tpu.memory_space<vmem>> -> memref<1x80xi32, #tpu.memory_space<vmem>>
        %dma_start3A_622 = tpu.memref_squeeze %dma_start3A_621 : memref<1x80xi32, #tpu.memory_space<vmem>> -> memref<80xi32, #tpu.memory_space<vmem>>
        %dma_start3A_623 = arith.constant 0 : i32
        %dma_start3A_624 = arith.constant 0 : i32
        %dma_start3A_625 = tpu.memref_slice %arg10[%dma_start3A_623, %dma_start3A_624] : memref<10112x8xf32, #tpu.memory_space<vmem_shared>> -> memref<10112x8xf32, #tpu.memory_space<vmem_shared>>
        tpu.enqueue_indirect_dma source(%dma_start3A_619 : memref<80x8xf32, #tpu.memory_space<vmem>>) target(%dma_start3A_625 : memref<10112x8xf32, #tpu.memory_space<vmem_shared>>) offsets(%dma_start3A_622 : memref<80xi32, #tpu.memory_space<vmem>>) semaphore(%run_scoped3A : memref<!tpu.dma_semaphore, #tpu.memory_space<semaphore_mem>>) {add = true}
        %dma_wait3A_626 = arith.constant 1360 : i32
        %dma_wait3A_627 = arith.constant 0 : i32
        %dma_wait3A_628 = tpu.memref_slice %arg9[%dma_wait3A_626, %dma_wait3A_627] : memref<2000x8xf32, #tpu.memory_space<vmem>> -> memref<80x8xf32, #tpu.memory_space<vmem>>
        %dma_wait3A_629 = arith.constant 0 : i32
        %dma_wait3A_630 = tpu.memref_slice %arg8[%add3A_525, %dma_wait3A_629] : memref<125x80xi32, #tpu.memory_space<vmem>> -> memref<1x80xi32, #tpu.memory_space<vmem>>
        %dma_wait3A_631 = tpu.memref_squeeze %dma_wait3A_630 : memref<1x80xi32, #tpu.memory_space<vmem>> -> memref<80xi32, #tpu.memory_space<vmem>>
        %dma_wait3A_632 = arith.constant 0 : i32
        %dma_wait3A_633 = arith.constant 0 : i32
        %dma_wait3A_634 = tpu.memref_slice %arg10[%dma_wait3A_632, %dma_wait3A_633] : memref<10112x8xf32, #tpu.memory_space<vmem_shared>> -> memref<10112x8xf32, #tpu.memory_space<vmem_shared>>
        tpu.wait_indirect_dma semaphore(%run_scoped3A : memref<!tpu.dma_semaphore, #tpu.memory_space<semaphore_mem>>) src(%dma_wait3A_628 : memref<80x8xf32, #tpu.memory_space<vmem>>) dst(%dma_wait3A_634 : memref<10112x8xf32, #tpu.memory_space<vmem_shared>>)
        tpu.yield
      }) : () -> ()
      %add3A_526 = arith.constant 18 : i32
      %add3A_527 = arith.addi %add3A_18, %add3A_526 : i32
      %dma_wait3A_528 = arith.constant 1440 : i32
      %dma_wait3A_529 = arith.constant 0 : i32
      %dma_wait3A_530 = tpu.memref_slice %arg9[%dma_wait3A_528, %dma_wait3A_529] : memref<2000x8xf32, #tpu.memory_space<vmem>> -> memref<80x8xf32, #tpu.memory_space<vmem>>
      %dma_wait3A_531 = arith.constant 0 : i32
      %dma_wait3A_532 = tpu.memref_slice %arg7[%add3A_527, %dma_wait3A_531] : memref<125x80xi32, #tpu.memory_space<vmem>> -> memref<1x80xi32, #tpu.memory_space<vmem>>
      %dma_wait3A_533 = tpu.memref_squeeze %dma_wait3A_532 : memref<1x80xi32, #tpu.memory_space<vmem>> -> memref<80xi32, #tpu.memory_space<vmem>>
      %dma_wait3A_534 = arith.constant 0 : i32
      %dma_wait3A_535 = arith.constant 0 : i32
      %dma_wait3A_536 = tpu.memref_slice %arg2[%dma_wait3A_534, %dma_wait3A_535] : memref<80000x8xf32, #tpu.memory_space<hbm>> -> memref<80000x8xf32, #tpu.memory_space<hbm>>
      tpu.wait_indirect_dma semaphore(%arg29 : memref<!tpu.dma_semaphore, #tpu.memory_space<semaphore_mem>>) src(%dma_wait3A_536 : memref<80000x8xf32, #tpu.memory_space<hbm>>) dst(%dma_wait3A_530 : memref<80x8xf32, #tpu.memory_space<vmem>>)
      %add3A_537 = arith.constant 18 : i32
      %add3A_538 = arith.addi %add3A_18, %add3A_537 : i32
      "tpu.region"() ({
        %run_scoped3A = tpu.sem_alloc : memref<!tpu.dma_semaphore, #tpu.memory_space<semaphore_mem>>
        %dma_start3A_617 = arith.constant 1440 : i32
        %dma_start3A_618 = arith.constant 0 : i32
        %dma_start3A_619 = tpu.memref_slice %arg9[%dma_start3A_617, %dma_start3A_618] : memref<2000x8xf32, #tpu.memory_space<vmem>> -> memref<80x8xf32, #tpu.memory_space<vmem>>
        %dma_start3A_620 = arith.constant 0 : i32
        %dma_start3A_621 = tpu.memref_slice %arg8[%add3A_538, %dma_start3A_620] : memref<125x80xi32, #tpu.memory_space<vmem>> -> memref<1x80xi32, #tpu.memory_space<vmem>>
        %dma_start3A_622 = tpu.memref_squeeze %dma_start3A_621 : memref<1x80xi32, #tpu.memory_space<vmem>> -> memref<80xi32, #tpu.memory_space<vmem>>
        %dma_start3A_623 = arith.constant 0 : i32
        %dma_start3A_624 = arith.constant 0 : i32
        %dma_start3A_625 = tpu.memref_slice %arg10[%dma_start3A_623, %dma_start3A_624] : memref<10112x8xf32, #tpu.memory_space<vmem_shared>> -> memref<10112x8xf32, #tpu.memory_space<vmem_shared>>
        tpu.enqueue_indirect_dma source(%dma_start3A_619 : memref<80x8xf32, #tpu.memory_space<vmem>>) target(%dma_start3A_625 : memref<10112x8xf32, #tpu.memory_space<vmem_shared>>) offsets(%dma_start3A_622 : memref<80xi32, #tpu.memory_space<vmem>>) semaphore(%run_scoped3A : memref<!tpu.dma_semaphore, #tpu.memory_space<semaphore_mem>>) {add = true}
        %dma_wait3A_626 = arith.constant 1440 : i32
        %dma_wait3A_627 = arith.constant 0 : i32
        %dma_wait3A_628 = tpu.memref_slice %arg9[%dma_wait3A_626, %dma_wait3A_627] : memref<2000x8xf32, #tpu.memory_space<vmem>> -> memref<80x8xf32, #tpu.memory_space<vmem>>
        %dma_wait3A_629 = arith.constant 0 : i32
        %dma_wait3A_630 = tpu.memref_slice %arg8[%add3A_538, %dma_wait3A_629] : memref<125x80xi32, #tpu.memory_space<vmem>> -> memref<1x80xi32, #tpu.memory_space<vmem>>
        %dma_wait3A_631 = tpu.memref_squeeze %dma_wait3A_630 : memref<1x80xi32, #tpu.memory_space<vmem>> -> memref<80xi32, #tpu.memory_space<vmem>>
        %dma_wait3A_632 = arith.constant 0 : i32
        %dma_wait3A_633 = arith.constant 0 : i32
        %dma_wait3A_634 = tpu.memref_slice %arg10[%dma_wait3A_632, %dma_wait3A_633] : memref<10112x8xf32, #tpu.memory_space<vmem_shared>> -> memref<10112x8xf32, #tpu.memory_space<vmem_shared>>
        tpu.wait_indirect_dma semaphore(%run_scoped3A : memref<!tpu.dma_semaphore, #tpu.memory_space<semaphore_mem>>) src(%dma_wait3A_628 : memref<80x8xf32, #tpu.memory_space<vmem>>) dst(%dma_wait3A_634 : memref<10112x8xf32, #tpu.memory_space<vmem_shared>>)
        tpu.yield
      }) : () -> ()
      %add3A_539 = arith.constant 19 : i32
      %add3A_540 = arith.addi %add3A_18, %add3A_539 : i32
      %dma_wait3A_541 = arith.constant 1520 : i32
      %dma_wait3A_542 = arith.constant 0 : i32
      %dma_wait3A_543 = tpu.memref_slice %arg9[%dma_wait3A_541, %dma_wait3A_542] : memref<2000x8xf32, #tpu.memory_space<vmem>> -> memref<80x8xf32, #tpu.memory_space<vmem>>
      %dma_wait3A_544 = arith.constant 0 : i32
      %dma_wait3A_545 = tpu.memref_slice %arg7[%add3A_540, %dma_wait3A_544] : memref<125x80xi32, #tpu.memory_space<vmem>> -> memref<1x80xi32, #tpu.memory_space<vmem>>
      %dma_wait3A_546 = tpu.memref_squeeze %dma_wait3A_545 : memref<1x80xi32, #tpu.memory_space<vmem>> -> memref<80xi32, #tpu.memory_space<vmem>>
      %dma_wait3A_547 = arith.constant 0 : i32
      %dma_wait3A_548 = arith.constant 0 : i32
      %dma_wait3A_549 = tpu.memref_slice %arg2[%dma_wait3A_547, %dma_wait3A_548] : memref<80000x8xf32, #tpu.memory_space<hbm>> -> memref<80000x8xf32, #tpu.memory_space<hbm>>
      tpu.wait_indirect_dma semaphore(%arg30 : memref<!tpu.dma_semaphore, #tpu.memory_space<semaphore_mem>>) src(%dma_wait3A_549 : memref<80000x8xf32, #tpu.memory_space<hbm>>) dst(%dma_wait3A_543 : memref<80x8xf32, #tpu.memory_space<vmem>>)
      %add3A_550 = arith.constant 19 : i32
      %add3A_551 = arith.addi %add3A_18, %add3A_550 : i32
      "tpu.region"() ({
        %run_scoped3A = tpu.sem_alloc : memref<!tpu.dma_semaphore, #tpu.memory_space<semaphore_mem>>
        %dma_start3A_617 = arith.constant 1520 : i32
        %dma_start3A_618 = arith.constant 0 : i32
        %dma_start3A_619 = tpu.memref_slice %arg9[%dma_start3A_617, %dma_start3A_618] : memref<2000x8xf32, #tpu.memory_space<vmem>> -> memref<80x8xf32, #tpu.memory_space<vmem>>
        %dma_start3A_620 = arith.constant 0 : i32
        %dma_start3A_621 = tpu.memref_slice %arg8[%add3A_551, %dma_start3A_620] : memref<125x80xi32, #tpu.memory_space<vmem>> -> memref<1x80xi32, #tpu.memory_space<vmem>>
        %dma_start3A_622 = tpu.memref_squeeze %dma_start3A_621 : memref<1x80xi32, #tpu.memory_space<vmem>> -> memref<80xi32, #tpu.memory_space<vmem>>
        %dma_start3A_623 = arith.constant 0 : i32
        %dma_start3A_624 = arith.constant 0 : i32
        %dma_start3A_625 = tpu.memref_slice %arg10[%dma_start3A_623, %dma_start3A_624] : memref<10112x8xf32, #tpu.memory_space<vmem_shared>> -> memref<10112x8xf32, #tpu.memory_space<vmem_shared>>
        tpu.enqueue_indirect_dma source(%dma_start3A_619 : memref<80x8xf32, #tpu.memory_space<vmem>>) target(%dma_start3A_625 : memref<10112x8xf32, #tpu.memory_space<vmem_shared>>) offsets(%dma_start3A_622 : memref<80xi32, #tpu.memory_space<vmem>>) semaphore(%run_scoped3A : memref<!tpu.dma_semaphore, #tpu.memory_space<semaphore_mem>>) {add = true}
        %dma_wait3A_626 = arith.constant 1520 : i32
        %dma_wait3A_627 = arith.constant 0 : i32
        %dma_wait3A_628 = tpu.memref_slice %arg9[%dma_wait3A_626, %dma_wait3A_627] : memref<2000x8xf32, #tpu.memory_space<vmem>> -> memref<80x8xf32, #tpu.memory_space<vmem>>
        %dma_wait3A_629 = arith.constant 0 : i32
        %dma_wait3A_630 = tpu.memref_slice %arg8[%add3A_551, %dma_wait3A_629] : memref<125x80xi32, #tpu.memory_space<vmem>> -> memref<1x80xi32, #tpu.memory_space<vmem>>
        %dma_wait3A_631 = tpu.memref_squeeze %dma_wait3A_630 : memref<1x80xi32, #tpu.memory_space<vmem>> -> memref<80xi32, #tpu.memory_space<vmem>>
        %dma_wait3A_632 = arith.constant 0 : i32
        %dma_wait3A_633 = arith.constant 0 : i32
        %dma_wait3A_634 = tpu.memref_slice %arg10[%dma_wait3A_632, %dma_wait3A_633] : memref<10112x8xf32, #tpu.memory_space<vmem_shared>> -> memref<10112x8xf32, #tpu.memory_space<vmem_shared>>
        tpu.wait_indirect_dma semaphore(%run_scoped3A : memref<!tpu.dma_semaphore, #tpu.memory_space<semaphore_mem>>) src(%dma_wait3A_628 : memref<80x8xf32, #tpu.memory_space<vmem>>) dst(%dma_wait3A_634 : memref<10112x8xf32, #tpu.memory_space<vmem_shared>>)
        tpu.yield
      }) : () -> ()
      %add3A_552 = arith.constant 20 : i32
      %add3A_553 = arith.addi %add3A_18, %add3A_552 : i32
      %dma_wait3A_554 = arith.constant 1600 : i32
      %dma_wait3A_555 = arith.constant 0 : i32
      %dma_wait3A_556 = tpu.memref_slice %arg9[%dma_wait3A_554, %dma_wait3A_555] : memref<2000x8xf32, #tpu.memory_space<vmem>> -> memref<80x8xf32, #tpu.memory_space<vmem>>
      %dma_wait3A_557 = arith.constant 0 : i32
      %dma_wait3A_558 = tpu.memref_slice %arg7[%add3A_553, %dma_wait3A_557] : memref<125x80xi32, #tpu.memory_space<vmem>> -> memref<1x80xi32, #tpu.memory_space<vmem>>
      %dma_wait3A_559 = tpu.memref_squeeze %dma_wait3A_558 : memref<1x80xi32, #tpu.memory_space<vmem>> -> memref<80xi32, #tpu.memory_space<vmem>>
      %dma_wait3A_560 = arith.constant 0 : i32
      %dma_wait3A_561 = arith.constant 0 : i32
      %dma_wait3A_562 = tpu.memref_slice %arg2[%dma_wait3A_560, %dma_wait3A_561] : memref<80000x8xf32, #tpu.memory_space<hbm>> -> memref<80000x8xf32, #tpu.memory_space<hbm>>
      tpu.wait_indirect_dma semaphore(%arg31 : memref<!tpu.dma_semaphore, #tpu.memory_space<semaphore_mem>>) src(%dma_wait3A_562 : memref<80000x8xf32, #tpu.memory_space<hbm>>) dst(%dma_wait3A_556 : memref<80x8xf32, #tpu.memory_space<vmem>>)
      %add3A_563 = arith.constant 20 : i32
      %add3A_564 = arith.addi %add3A_18, %add3A_563 : i32
      "tpu.region"() ({
        %run_scoped3A = tpu.sem_alloc : memref<!tpu.dma_semaphore, #tpu.memory_space<semaphore_mem>>
        %dma_start3A_617 = arith.constant 1600 : i32
        %dma_start3A_618 = arith.constant 0 : i32
        %dma_start3A_619 = tpu.memref_slice %arg9[%dma_start3A_617, %dma_start3A_618] : memref<2000x8xf32, #tpu.memory_space<vmem>> -> memref<80x8xf32, #tpu.memory_space<vmem>>
        %dma_start3A_620 = arith.constant 0 : i32
        %dma_start3A_621 = tpu.memref_slice %arg8[%add3A_564, %dma_start3A_620] : memref<125x80xi32, #tpu.memory_space<vmem>> -> memref<1x80xi32, #tpu.memory_space<vmem>>
        %dma_start3A_622 = tpu.memref_squeeze %dma_start3A_621 : memref<1x80xi32, #tpu.memory_space<vmem>> -> memref<80xi32, #tpu.memory_space<vmem>>
        %dma_start3A_623 = arith.constant 0 : i32
        %dma_start3A_624 = arith.constant 0 : i32
        %dma_start3A_625 = tpu.memref_slice %arg10[%dma_start3A_623, %dma_start3A_624] : memref<10112x8xf32, #tpu.memory_space<vmem_shared>> -> memref<10112x8xf32, #tpu.memory_space<vmem_shared>>
        tpu.enqueue_indirect_dma source(%dma_start3A_619 : memref<80x8xf32, #tpu.memory_space<vmem>>) target(%dma_start3A_625 : memref<10112x8xf32, #tpu.memory_space<vmem_shared>>) offsets(%dma_start3A_622 : memref<80xi32, #tpu.memory_space<vmem>>) semaphore(%run_scoped3A : memref<!tpu.dma_semaphore, #tpu.memory_space<semaphore_mem>>) {add = true}
        %dma_wait3A_626 = arith.constant 1600 : i32
        %dma_wait3A_627 = arith.constant 0 : i32
        %dma_wait3A_628 = tpu.memref_slice %arg9[%dma_wait3A_626, %dma_wait3A_627] : memref<2000x8xf32, #tpu.memory_space<vmem>> -> memref<80x8xf32, #tpu.memory_space<vmem>>
        %dma_wait3A_629 = arith.constant 0 : i32
        %dma_wait3A_630 = tpu.memref_slice %arg8[%add3A_564, %dma_wait3A_629] : memref<125x80xi32, #tpu.memory_space<vmem>> -> memref<1x80xi32, #tpu.memory_space<vmem>>
        %dma_wait3A_631 = tpu.memref_squeeze %dma_wait3A_630 : memref<1x80xi32, #tpu.memory_space<vmem>> -> memref<80xi32, #tpu.memory_space<vmem>>
        %dma_wait3A_632 = arith.constant 0 : i32
        %dma_wait3A_633 = arith.constant 0 : i32
        %dma_wait3A_634 = tpu.memref_slice %arg10[%dma_wait3A_632, %dma_wait3A_633] : memref<10112x8xf32, #tpu.memory_space<vmem_shared>> -> memref<10112x8xf32, #tpu.memory_space<vmem_shared>>
        tpu.wait_indirect_dma semaphore(%run_scoped3A : memref<!tpu.dma_semaphore, #tpu.memory_space<semaphore_mem>>) src(%dma_wait3A_628 : memref<80x8xf32, #tpu.memory_space<vmem>>) dst(%dma_wait3A_634 : memref<10112x8xf32, #tpu.memory_space<vmem_shared>>)
        tpu.yield
      }) : () -> ()
      %add3A_565 = arith.constant 21 : i32
      %add3A_566 = arith.addi %add3A_18, %add3A_565 : i32
      %dma_wait3A_567 = arith.constant 1680 : i32
      %dma_wait3A_568 = arith.constant 0 : i32
      %dma_wait3A_569 = tpu.memref_slice %arg9[%dma_wait3A_567, %dma_wait3A_568] : memref<2000x8xf32, #tpu.memory_space<vmem>> -> memref<80x8xf32, #tpu.memory_space<vmem>>
      %dma_wait3A_570 = arith.constant 0 : i32
      %dma_wait3A_571 = tpu.memref_slice %arg7[%add3A_566, %dma_wait3A_570] : memref<125x80xi32, #tpu.memory_space<vmem>> -> memref<1x80xi32, #tpu.memory_space<vmem>>
      %dma_wait3A_572 = tpu.memref_squeeze %dma_wait3A_571 : memref<1x80xi32, #tpu.memory_space<vmem>> -> memref<80xi32, #tpu.memory_space<vmem>>
      %dma_wait3A_573 = arith.constant 0 : i32
      %dma_wait3A_574 = arith.constant 0 : i32
      %dma_wait3A_575 = tpu.memref_slice %arg2[%dma_wait3A_573, %dma_wait3A_574] : memref<80000x8xf32, #tpu.memory_space<hbm>> -> memref<80000x8xf32, #tpu.memory_space<hbm>>
      tpu.wait_indirect_dma semaphore(%arg32 : memref<!tpu.dma_semaphore, #tpu.memory_space<semaphore_mem>>) src(%dma_wait3A_575 : memref<80000x8xf32, #tpu.memory_space<hbm>>) dst(%dma_wait3A_569 : memref<80x8xf32, #tpu.memory_space<vmem>>)
      %add3A_576 = arith.constant 21 : i32
      %add3A_577 = arith.addi %add3A_18, %add3A_576 : i32
      "tpu.region"() ({
        %run_scoped3A = tpu.sem_alloc : memref<!tpu.dma_semaphore, #tpu.memory_space<semaphore_mem>>
        %dma_start3A_617 = arith.constant 1680 : i32
        %dma_start3A_618 = arith.constant 0 : i32
        %dma_start3A_619 = tpu.memref_slice %arg9[%dma_start3A_617, %dma_start3A_618] : memref<2000x8xf32, #tpu.memory_space<vmem>> -> memref<80x8xf32, #tpu.memory_space<vmem>>
        %dma_start3A_620 = arith.constant 0 : i32
        %dma_start3A_621 = tpu.memref_slice %arg8[%add3A_577, %dma_start3A_620] : memref<125x80xi32, #tpu.memory_space<vmem>> -> memref<1x80xi32, #tpu.memory_space<vmem>>
        %dma_start3A_622 = tpu.memref_squeeze %dma_start3A_621 : memref<1x80xi32, #tpu.memory_space<vmem>> -> memref<80xi32, #tpu.memory_space<vmem>>
        %dma_start3A_623 = arith.constant 0 : i32
        %dma_start3A_624 = arith.constant 0 : i32
        %dma_start3A_625 = tpu.memref_slice %arg10[%dma_start3A_623, %dma_start3A_624] : memref<10112x8xf32, #tpu.memory_space<vmem_shared>> -> memref<10112x8xf32, #tpu.memory_space<vmem_shared>>
        tpu.enqueue_indirect_dma source(%dma_start3A_619 : memref<80x8xf32, #tpu.memory_space<vmem>>) target(%dma_start3A_625 : memref<10112x8xf32, #tpu.memory_space<vmem_shared>>) offsets(%dma_start3A_622 : memref<80xi32, #tpu.memory_space<vmem>>) semaphore(%run_scoped3A : memref<!tpu.dma_semaphore, #tpu.memory_space<semaphore_mem>>) {add = true}
        %dma_wait3A_626 = arith.constant 1680 : i32
        %dma_wait3A_627 = arith.constant 0 : i32
        %dma_wait3A_628 = tpu.memref_slice %arg9[%dma_wait3A_626, %dma_wait3A_627] : memref<2000x8xf32, #tpu.memory_space<vmem>> -> memref<80x8xf32, #tpu.memory_space<vmem>>
        %dma_wait3A_629 = arith.constant 0 : i32
        %dma_wait3A_630 = tpu.memref_slice %arg8[%add3A_577, %dma_wait3A_629] : memref<125x80xi32, #tpu.memory_space<vmem>> -> memref<1x80xi32, #tpu.memory_space<vmem>>
        %dma_wait3A_631 = tpu.memref_squeeze %dma_wait3A_630 : memref<1x80xi32, #tpu.memory_space<vmem>> -> memref<80xi32, #tpu.memory_space<vmem>>
        %dma_wait3A_632 = arith.constant 0 : i32
        %dma_wait3A_633 = arith.constant 0 : i32
        %dma_wait3A_634 = tpu.memref_slice %arg10[%dma_wait3A_632, %dma_wait3A_633] : memref<10112x8xf32, #tpu.memory_space<vmem_shared>> -> memref<10112x8xf32, #tpu.memory_space<vmem_shared>>
        tpu.wait_indirect_dma semaphore(%run_scoped3A : memref<!tpu.dma_semaphore, #tpu.memory_space<semaphore_mem>>) src(%dma_wait3A_628 : memref<80x8xf32, #tpu.memory_space<vmem>>) dst(%dma_wait3A_634 : memref<10112x8xf32, #tpu.memory_space<vmem_shared>>)
        tpu.yield
      }) : () -> ()
      %add3A_578 = arith.constant 22 : i32
      %add3A_579 = arith.addi %add3A_18, %add3A_578 : i32
      %dma_wait3A_580 = arith.constant 1760 : i32
      %dma_wait3A_581 = arith.constant 0 : i32
      %dma_wait3A_582 = tpu.memref_slice %arg9[%dma_wait3A_580, %dma_wait3A_581] : memref<2000x8xf32, #tpu.memory_space<vmem>> -> memref<80x8xf32, #tpu.memory_space<vmem>>
      %dma_wait3A_583 = arith.constant 0 : i32
      %dma_wait3A_584 = tpu.memref_slice %arg7[%add3A_579, %dma_wait3A_583] : memref<125x80xi32, #tpu.memory_space<vmem>> -> memref<1x80xi32, #tpu.memory_space<vmem>>
      %dma_wait3A_585 = tpu.memref_squeeze %dma_wait3A_584 : memref<1x80xi32, #tpu.memory_space<vmem>> -> memref<80xi32, #tpu.memory_space<vmem>>
      %dma_wait3A_586 = arith.constant 0 : i32
      %dma_wait3A_587 = arith.constant 0 : i32
      %dma_wait3A_588 = tpu.memref_slice %arg2[%dma_wait3A_586, %dma_wait3A_587] : memref<80000x8xf32, #tpu.memory_space<hbm>> -> memref<80000x8xf32, #tpu.memory_space<hbm>>
      tpu.wait_indirect_dma semaphore(%arg33 : memref<!tpu.dma_semaphore, #tpu.memory_space<semaphore_mem>>) src(%dma_wait3A_588 : memref<80000x8xf32, #tpu.memory_space<hbm>>) dst(%dma_wait3A_582 : memref<80x8xf32, #tpu.memory_space<vmem>>)
      %add3A_589 = arith.constant 22 : i32
      %add3A_590 = arith.addi %add3A_18, %add3A_589 : i32
      "tpu.region"() ({
        %run_scoped3A = tpu.sem_alloc : memref<!tpu.dma_semaphore, #tpu.memory_space<semaphore_mem>>
        %dma_start3A_617 = arith.constant 1760 : i32
        %dma_start3A_618 = arith.constant 0 : i32
        %dma_start3A_619 = tpu.memref_slice %arg9[%dma_start3A_617, %dma_start3A_618] : memref<2000x8xf32, #tpu.memory_space<vmem>> -> memref<80x8xf32, #tpu.memory_space<vmem>>
        %dma_start3A_620 = arith.constant 0 : i32
        %dma_start3A_621 = tpu.memref_slice %arg8[%add3A_590, %dma_start3A_620] : memref<125x80xi32, #tpu.memory_space<vmem>> -> memref<1x80xi32, #tpu.memory_space<vmem>>
        %dma_start3A_622 = tpu.memref_squeeze %dma_start3A_621 : memref<1x80xi32, #tpu.memory_space<vmem>> -> memref<80xi32, #tpu.memory_space<vmem>>
        %dma_start3A_623 = arith.constant 0 : i32
        %dma_start3A_624 = arith.constant 0 : i32
        %dma_start3A_625 = tpu.memref_slice %arg10[%dma_start3A_623, %dma_start3A_624] : memref<10112x8xf32, #tpu.memory_space<vmem_shared>> -> memref<10112x8xf32, #tpu.memory_space<vmem_shared>>
        tpu.enqueue_indirect_dma source(%dma_start3A_619 : memref<80x8xf32, #tpu.memory_space<vmem>>) target(%dma_start3A_625 : memref<10112x8xf32, #tpu.memory_space<vmem_shared>>) offsets(%dma_start3A_622 : memref<80xi32, #tpu.memory_space<vmem>>) semaphore(%run_scoped3A : memref<!tpu.dma_semaphore, #tpu.memory_space<semaphore_mem>>) {add = true}
        %dma_wait3A_626 = arith.constant 1760 : i32
        %dma_wait3A_627 = arith.constant 0 : i32
        %dma_wait3A_628 = tpu.memref_slice %arg9[%dma_wait3A_626, %dma_wait3A_627] : memref<2000x8xf32, #tpu.memory_space<vmem>> -> memref<80x8xf32, #tpu.memory_space<vmem>>
        %dma_wait3A_629 = arith.constant 0 : i32
        %dma_wait3A_630 = tpu.memref_slice %arg8[%add3A_590, %dma_wait3A_629] : memref<125x80xi32, #tpu.memory_space<vmem>> -> memref<1x80xi32, #tpu.memory_space<vmem>>
        %dma_wait3A_631 = tpu.memref_squeeze %dma_wait3A_630 : memref<1x80xi32, #tpu.memory_space<vmem>> -> memref<80xi32, #tpu.memory_space<vmem>>
        %dma_wait3A_632 = arith.constant 0 : i32
        %dma_wait3A_633 = arith.constant 0 : i32
        %dma_wait3A_634 = tpu.memref_slice %arg10[%dma_wait3A_632, %dma_wait3A_633] : memref<10112x8xf32, #tpu.memory_space<vmem_shared>> -> memref<10112x8xf32, #tpu.memory_space<vmem_shared>>
        tpu.wait_indirect_dma semaphore(%run_scoped3A : memref<!tpu.dma_semaphore, #tpu.memory_space<semaphore_mem>>) src(%dma_wait3A_628 : memref<80x8xf32, #tpu.memory_space<vmem>>) dst(%dma_wait3A_634 : memref<10112x8xf32, #tpu.memory_space<vmem_shared>>)
        tpu.yield
      }) : () -> ()
      %add3A_591 = arith.constant 23 : i32
      %add3A_592 = arith.addi %add3A_18, %add3A_591 : i32
      %dma_wait3A_593 = arith.constant 1840 : i32
      %dma_wait3A_594 = arith.constant 0 : i32
      %dma_wait3A_595 = tpu.memref_slice %arg9[%dma_wait3A_593, %dma_wait3A_594] : memref<2000x8xf32, #tpu.memory_space<vmem>> -> memref<80x8xf32, #tpu.memory_space<vmem>>
      %dma_wait3A_596 = arith.constant 0 : i32
      %dma_wait3A_597 = tpu.memref_slice %arg7[%add3A_592, %dma_wait3A_596] : memref<125x80xi32, #tpu.memory_space<vmem>> -> memref<1x80xi32, #tpu.memory_space<vmem>>
      %dma_wait3A_598 = tpu.memref_squeeze %dma_wait3A_597 : memref<1x80xi32, #tpu.memory_space<vmem>> -> memref<80xi32, #tpu.memory_space<vmem>>
      %dma_wait3A_599 = arith.constant 0 : i32
      %dma_wait3A_600 = arith.constant 0 : i32
      %dma_wait3A_601 = tpu.memref_slice %arg2[%dma_wait3A_599, %dma_wait3A_600] : memref<80000x8xf32, #tpu.memory_space<hbm>> -> memref<80000x8xf32, #tpu.memory_space<hbm>>
      tpu.wait_indirect_dma semaphore(%arg34 : memref<!tpu.dma_semaphore, #tpu.memory_space<semaphore_mem>>) src(%dma_wait3A_601 : memref<80000x8xf32, #tpu.memory_space<hbm>>) dst(%dma_wait3A_595 : memref<80x8xf32, #tpu.memory_space<vmem>>)
      %add3A_602 = arith.constant 23 : i32
      %add3A_603 = arith.addi %add3A_18, %add3A_602 : i32
      "tpu.region"() ({
        %run_scoped3A = tpu.sem_alloc : memref<!tpu.dma_semaphore, #tpu.memory_space<semaphore_mem>>
        %dma_start3A_617 = arith.constant 1840 : i32
        %dma_start3A_618 = arith.constant 0 : i32
        %dma_start3A_619 = tpu.memref_slice %arg9[%dma_start3A_617, %dma_start3A_618] : memref<2000x8xf32, #tpu.memory_space<vmem>> -> memref<80x8xf32, #tpu.memory_space<vmem>>
        %dma_start3A_620 = arith.constant 0 : i32
        %dma_start3A_621 = tpu.memref_slice %arg8[%add3A_603, %dma_start3A_620] : memref<125x80xi32, #tpu.memory_space<vmem>> -> memref<1x80xi32, #tpu.memory_space<vmem>>
        %dma_start3A_622 = tpu.memref_squeeze %dma_start3A_621 : memref<1x80xi32, #tpu.memory_space<vmem>> -> memref<80xi32, #tpu.memory_space<vmem>>
        %dma_start3A_623 = arith.constant 0 : i32
        %dma_start3A_624 = arith.constant 0 : i32
        %dma_start3A_625 = tpu.memref_slice %arg10[%dma_start3A_623, %dma_start3A_624] : memref<10112x8xf32, #tpu.memory_space<vmem_shared>> -> memref<10112x8xf32, #tpu.memory_space<vmem_shared>>
        tpu.enqueue_indirect_dma source(%dma_start3A_619 : memref<80x8xf32, #tpu.memory_space<vmem>>) target(%dma_start3A_625 : memref<10112x8xf32, #tpu.memory_space<vmem_shared>>) offsets(%dma_start3A_622 : memref<80xi32, #tpu.memory_space<vmem>>) semaphore(%run_scoped3A : memref<!tpu.dma_semaphore, #tpu.memory_space<semaphore_mem>>) {add = true}
        %dma_wait3A_626 = arith.constant 1840 : i32
        %dma_wait3A_627 = arith.constant 0 : i32
        %dma_wait3A_628 = tpu.memref_slice %arg9[%dma_wait3A_626, %dma_wait3A_627] : memref<2000x8xf32, #tpu.memory_space<vmem>> -> memref<80x8xf32, #tpu.memory_space<vmem>>
        %dma_wait3A_629 = arith.constant 0 : i32
        %dma_wait3A_630 = tpu.memref_slice %arg8[%add3A_603, %dma_wait3A_629] : memref<125x80xi32, #tpu.memory_space<vmem>> -> memref<1x80xi32, #tpu.memory_space<vmem>>
        %dma_wait3A_631 = tpu.memref_squeeze %dma_wait3A_630 : memref<1x80xi32, #tpu.memory_space<vmem>> -> memref<80xi32, #tpu.memory_space<vmem>>
        %dma_wait3A_632 = arith.constant 0 : i32
        %dma_wait3A_633 = arith.constant 0 : i32
        %dma_wait3A_634 = tpu.memref_slice %arg10[%dma_wait3A_632, %dma_wait3A_633] : memref<10112x8xf32, #tpu.memory_space<vmem_shared>> -> memref<10112x8xf32, #tpu.memory_space<vmem_shared>>
        tpu.wait_indirect_dma semaphore(%run_scoped3A : memref<!tpu.dma_semaphore, #tpu.memory_space<semaphore_mem>>) src(%dma_wait3A_628 : memref<80x8xf32, #tpu.memory_space<vmem>>) dst(%dma_wait3A_634 : memref<10112x8xf32, #tpu.memory_space<vmem_shared>>)
        tpu.yield
      }) : () -> ()
      %add3A_604 = arith.constant 24 : i32
      %add3A_605 = arith.addi %add3A_18, %add3A_604 : i32
      %dma_wait3A_606 = arith.constant 1920 : i32
      %dma_wait3A_607 = arith.constant 0 : i32
      %dma_wait3A_608 = tpu.memref_slice %arg9[%dma_wait3A_606, %dma_wait3A_607] : memref<2000x8xf32, #tpu.memory_space<vmem>> -> memref<80x8xf32, #tpu.memory_space<vmem>>
      %dma_wait3A_609 = arith.constant 0 : i32
      %dma_wait3A_610 = tpu.memref_slice %arg7[%add3A_605, %dma_wait3A_609] : memref<125x80xi32, #tpu.memory_space<vmem>> -> memref<1x80xi32, #tpu.memory_space<vmem>>
      %dma_wait3A_611 = tpu.memref_squeeze %dma_wait3A_610 : memref<1x80xi32, #tpu.memory_space<vmem>> -> memref<80xi32, #tpu.memory_space<vmem>>
      %dma_wait3A_612 = arith.constant 0 : i32
      %dma_wait3A_613 = arith.constant 0 : i32
      %dma_wait3A_614 = tpu.memref_slice %arg2[%dma_wait3A_612, %dma_wait3A_613] : memref<80000x8xf32, #tpu.memory_space<hbm>> -> memref<80000x8xf32, #tpu.memory_space<hbm>>
      tpu.wait_indirect_dma semaphore(%arg35 : memref<!tpu.dma_semaphore, #tpu.memory_space<semaphore_mem>>) src(%dma_wait3A_614 : memref<80000x8xf32, #tpu.memory_space<hbm>>) dst(%dma_wait3A_608 : memref<80x8xf32, #tpu.memory_space<vmem>>)
      %add3A_615 = arith.constant 24 : i32
      %add3A_616 = arith.addi %add3A_18, %add3A_615 : i32
      "tpu.region"() ({
        %run_scoped3A = tpu.sem_alloc : memref<!tpu.dma_semaphore, #tpu.memory_space<semaphore_mem>>
        %dma_start3A_617 = arith.constant 1920 : i32
        %dma_start3A_618 = arith.constant 0 : i32
        %dma_start3A_619 = tpu.memref_slice %arg9[%dma_start3A_617, %dma_start3A_618] : memref<2000x8xf32, #tpu.memory_space<vmem>> -> memref<80x8xf32, #tpu.memory_space<vmem>>
        %dma_start3A_620 = arith.constant 0 : i32
        %dma_start3A_621 = tpu.memref_slice %arg8[%add3A_616, %dma_start3A_620] : memref<125x80xi32, #tpu.memory_space<vmem>> -> memref<1x80xi32, #tpu.memory_space<vmem>>
        %dma_start3A_622 = tpu.memref_squeeze %dma_start3A_621 : memref<1x80xi32, #tpu.memory_space<vmem>> -> memref<80xi32, #tpu.memory_space<vmem>>
        %dma_start3A_623 = arith.constant 0 : i32
        %dma_start3A_624 = arith.constant 0 : i32
        %dma_start3A_625 = tpu.memref_slice %arg10[%dma_start3A_623, %dma_start3A_624] : memref<10112x8xf32, #tpu.memory_space<vmem_shared>> -> memref<10112x8xf32, #tpu.memory_space<vmem_shared>>
        tpu.enqueue_indirect_dma source(%dma_start3A_619 : memref<80x8xf32, #tpu.memory_space<vmem>>) target(%dma_start3A_625 : memref<10112x8xf32, #tpu.memory_space<vmem_shared>>) offsets(%dma_start3A_622 : memref<80xi32, #tpu.memory_space<vmem>>) semaphore(%run_scoped3A : memref<!tpu.dma_semaphore, #tpu.memory_space<semaphore_mem>>) {add = true}
        %dma_wait3A_626 = arith.constant 1920 : i32
        %dma_wait3A_627 = arith.constant 0 : i32
        %dma_wait3A_628 = tpu.memref_slice %arg9[%dma_wait3A_626, %dma_wait3A_627] : memref<2000x8xf32, #tpu.memory_space<vmem>> -> memref<80x8xf32, #tpu.memory_space<vmem>>
        %dma_wait3A_629 = arith.constant 0 : i32
        %dma_wait3A_630 = tpu.memref_slice %arg8[%add3A_616, %dma_wait3A_629] : memref<125x80xi32, #tpu.memory_space<vmem>> -> memref<1x80xi32, #tpu.memory_space<vmem>>
        %dma_wait3A_631 = tpu.memref_squeeze %dma_wait3A_630 : memref<1x80xi32, #tpu.memory_space<vmem>> -> memref<80xi32, #tpu.memory_space<vmem>>
        %dma_wait3A_632 = arith.constant 0 : i32
        %dma_wait3A_633 = arith.constant 0 : i32
        %dma_wait3A_634 = tpu.memref_slice %arg10[%dma_wait3A_632, %dma_wait3A_633] : memref<10112x8xf32, #tpu.memory_space<vmem_shared>> -> memref<10112x8xf32, #tpu.memory_space<vmem_shared>>
        tpu.wait_indirect_dma semaphore(%run_scoped3A : memref<!tpu.dma_semaphore, #tpu.memory_space<semaphore_mem>>) src(%dma_wait3A_628 : memref<80x8xf32, #tpu.memory_space<vmem>>) dst(%dma_wait3A_634 : memref<10112x8xf32, #tpu.memory_space<vmem_shared>>)
        tpu.yield
      }) : () -> ()
    }
    %scan3A_8 = arith.constant 5 : i32
    %barrier3A_9 = arith.constant 0 : index
    tpu.barrier barrier_id(%barrier3A_9)
    %mul3A_10 = arith.constant 632 : i32
    %mul3A_11 = arith.muli %arg1, %mul3A_10 : i32
    %mul3A_12 = arith.constant 632 : i32
    %mul3A_13 = arith.muli %arg1, %mul3A_12 : i32
    "tpu.region"() ({
      %run_scoped3A = tpu.sem_alloc : memref<!tpu.dma_semaphore, #tpu.memory_space<semaphore_mem>>
      %dma_start3A = arith.constant 0 : i32
      %dma_start3A_14 = arith.constant 0 : i32
      %dma_start3A_15 = tpu.memref_slice %arg6[%arg0, %dma_start3A, %dma_start3A_14] : memref<2x10112x8xf32, #tpu.memory_space<hbm>> -> memref<1x10112x8xf32, #tpu.memory_space<hbm>>
      %dma_start3A_16 = tpu.memref_squeeze %dma_start3A_15 : memref<1x10112x8xf32, #tpu.memory_space<hbm>> -> memref<10112x8xf32, #tpu.memory_space<hbm>>
      %dma_start3A_17 = arith.constant 0 : i32
      %dma_start3A_18 = tpu.memref_slice %dma_start3A_16[%mul3A_13, %dma_start3A_17] : memref<10112x8xf32, #tpu.memory_space<hbm>> -> memref<632x8xf32, #tpu.memory_space<hbm>>
      %dma_start3A_19 = arith.constant 0 : i32
      %dma_start3A_20 = tpu.memref_slice %arg10[%mul3A_11, %dma_start3A_19] : memref<10112x8xf32, #tpu.memory_space<vmem_shared>> -> memref<632x8xf32, #tpu.memory_space<vmem_shared>>
      tpu.enqueue_dma source(%dma_start3A_20 : memref<632x8xf32, #tpu.memory_space<vmem_shared>>) target(%dma_start3A_18 : memref<632x8xf32, #tpu.memory_space<hbm>>) target_semaphore(%run_scoped3A : memref<!tpu.dma_semaphore, #tpu.memory_space<semaphore_mem>>)
      %dma_wait3A = arith.constant 0 : i32
      %dma_wait3A_21 = arith.constant 0 : i32
      %dma_wait3A_22 = tpu.memref_slice %arg6[%arg0, %dma_wait3A, %dma_wait3A_21] : memref<2x10112x8xf32, #tpu.memory_space<hbm>> -> memref<1x10112x8xf32, #tpu.memory_space<hbm>>
      %dma_wait3A_23 = tpu.memref_squeeze %dma_wait3A_22 : memref<1x10112x8xf32, #tpu.memory_space<hbm>> -> memref<10112x8xf32, #tpu.memory_space<hbm>>
      %dma_wait3A_24 = arith.constant 0 : i32
      %dma_wait3A_25 = tpu.memref_slice %dma_wait3A_23[%mul3A_13, %dma_wait3A_24] : memref<10112x8xf32, #tpu.memory_space<hbm>> -> memref<632x8xf32, #tpu.memory_space<hbm>>
      %dma_wait3A_26 = arith.constant 0 : i32
      %dma_wait3A_27 = tpu.memref_slice %arg10[%mul3A_11, %dma_wait3A_26] : memref<10112x8xf32, #tpu.memory_space<vmem_shared>> -> memref<632x8xf32, #tpu.memory_space<vmem_shared>>
      tpu.wait_dma2 semaphore(%run_scoped3A : memref<!tpu.dma_semaphore, #tpu.memory_space<semaphore_mem>>) src(%dma_wait3A_27 : memref<632x8xf32, #tpu.memory_space<vmem_shared>>) dst(%dma_wait3A_25 : memref<632x8xf32, #tpu.memory_space<hbm>>)
      tpu.yield
    }) : () -> ()
    return
  }
}

#map = affine_map<(d0, d1) -> (0, 0)>
#map1 = affine_map<(d0, d1) -> (0, 0, 0)>
module attributes {stable_mosaic.version = 14 : i64} {
  func.func @body(%arg0: i32, %arg1: i32, %arg2: memref<80000x128xf32, #tpu.memory_space<hbm>>, %arg3: memref<32x125x80xi32, #tpu.memory_space<hbm>>, %arg4: memref<32x125x80xi32, #tpu.memory_space<hbm>>, %arg5: memref<10112x128xf32, #tpu.memory_space<hbm>>, %arg6: memref<2x10112x128xf32, #tpu.memory_space<hbm>>, %arg7: memref<125x80xi32, #tpu.memory_space<vmem>>, %arg8: memref<125x80xi32, #tpu.memory_space<vmem>>, %arg9: memref<80x128xf32, #tpu.memory_space<vmem>>, %arg10: memref<10112x128xf32, #tpu.memory_space<vmem_shared>>, %arg11: memref<!tpu.dma_semaphore, #tpu.memory_space<semaphore_mem>>) attributes {dimension_semantics = [#tpu.dimension_semantics<core_parallel>, #tpu.dimension_semantics<subcore_parallel>], iteration_bounds = array<i64: 2, 16>, scalar_prefetch = 0 : i64, scratch_operands = 5 : i64, tpu.core_type = #tpu.core_type<sc_vector_subcore>, window_params = [{transform_indices = #map}, {transform_indices = #map1}, {transform_indices = #map1}, {transform_indices = #map}, {transform_indices = #map1}]} {
    %mul3A = arith.constant 2 : i32
    %mul3A_0 = arith.muli %arg1, %mul3A : i32
    %add3A = arith.addi %mul3A_0, %arg0 : i32
    %mul3A_1 = arith.constant 632 : i32
    %mul3A_2 = arith.muli %arg1, %mul3A_1 : i32
    %mul3A_3 = arith.constant 632 : i32
    %mul3A_4 = arith.muli %arg1, %mul3A_3 : i32
    "tpu.region"() ({
      %run_scoped3A = tpu.sem_alloc : memref<!tpu.dma_semaphore, #tpu.memory_space<semaphore_mem>>
      %dma_start3A = arith.constant 0 : i32
      %dma_start3A_14 = tpu.memref_slice %arg10[%mul3A_4, %dma_start3A] : memref<10112x128xf32, #tpu.memory_space<vmem_shared>> -> memref<632x128xf32, #tpu.memory_space<vmem_shared>>
      %dma_start3A_15 = arith.constant 0 : i32
      %dma_start3A_16 = tpu.memref_slice %arg5[%mul3A_2, %dma_start3A_15] : memref<10112x128xf32, #tpu.memory_space<hbm>> -> memref<632x128xf32, #tpu.memory_space<hbm>>
      tpu.enqueue_dma source(%dma_start3A_16 : memref<632x128xf32, #tpu.memory_space<hbm>>) target(%dma_start3A_14 : memref<632x128xf32, #tpu.memory_space<vmem_shared>>) target_semaphore(%run_scoped3A : memref<!tpu.dma_semaphore, #tpu.memory_space<semaphore_mem>>)
      %dma_wait3A = arith.constant 0 : i32
      %dma_wait3A_17 = tpu.memref_slice %arg10[%mul3A_4, %dma_wait3A] : memref<10112x128xf32, #tpu.memory_space<vmem_shared>> -> memref<632x128xf32, #tpu.memory_space<vmem_shared>>
      %dma_wait3A_18 = arith.constant 0 : i32
      %dma_wait3A_19 = tpu.memref_slice %arg5[%mul3A_2, %dma_wait3A_18] : memref<10112x128xf32, #tpu.memory_space<hbm>> -> memref<632x128xf32, #tpu.memory_space<hbm>>
      tpu.wait_dma2 semaphore(%run_scoped3A : memref<!tpu.dma_semaphore, #tpu.memory_space<semaphore_mem>>) src(%dma_wait3A_19 : memref<632x128xf32, #tpu.memory_space<hbm>>) dst(%dma_wait3A_17 : memref<632x128xf32, #tpu.memory_space<vmem_shared>>)
      tpu.yield
    }) : () -> ()
    "tpu.region"() ({
      %run_scoped3A = tpu.sem_alloc : memref<!tpu.dma_semaphore, #tpu.memory_space<semaphore_mem>>
      %dma_start3A = arith.constant 0 : i32
      %dma_start3A_14 = arith.constant 0 : i32
      %dma_start3A_15 = tpu.memref_slice %arg3[%add3A, %dma_start3A, %dma_start3A_14] : memref<32x125x80xi32, #tpu.memory_space<hbm>> -> memref<1x125x80xi32, #tpu.memory_space<hbm>>
      %dma_start3A_16 = tpu.memref_squeeze %dma_start3A_15 : memref<1x125x80xi32, #tpu.memory_space<hbm>> -> memref<125x80xi32, #tpu.memory_space<hbm>>
      %dma_start3A_17 = arith.constant 0 : i32
      %dma_start3A_18 = arith.constant 0 : i32
      %dma_start3A_19 = tpu.memref_slice %arg3[%add3A, %dma_start3A_17, %dma_start3A_18] : memref<32x125x80xi32, #tpu.memory_space<hbm>> -> memref<1x125x80xi32, #tpu.memory_space<hbm>>
      %dma_start3A_20 = tpu.memref_squeeze %dma_start3A_19 : memref<1x125x80xi32, #tpu.memory_space<hbm>> -> memref<125x80xi32, #tpu.memory_space<hbm>>
      tpu.enqueue_dma source(%dma_start3A_20 : memref<125x80xi32, #tpu.memory_space<hbm>>) target(%arg7 : memref<125x80xi32, #tpu.memory_space<vmem>>) target_semaphore(%run_scoped3A : memref<!tpu.dma_semaphore, #tpu.memory_space<semaphore_mem>>)
      %dma_wait3A = arith.constant 0 : i32
      %dma_wait3A_21 = arith.constant 0 : i32
      %dma_wait3A_22 = tpu.memref_slice %arg3[%add3A, %dma_wait3A, %dma_wait3A_21] : memref<32x125x80xi32, #tpu.memory_space<hbm>> -> memref<1x125x80xi32, #tpu.memory_space<hbm>>
      %dma_wait3A_23 = tpu.memref_squeeze %dma_wait3A_22 : memref<1x125x80xi32, #tpu.memory_space<hbm>> -> memref<125x80xi32, #tpu.memory_space<hbm>>
      %dma_wait3A_24 = arith.constant 0 : i32
      %dma_wait3A_25 = arith.constant 0 : i32
      %dma_wait3A_26 = tpu.memref_slice %arg3[%add3A, %dma_wait3A_24, %dma_wait3A_25] : memref<32x125x80xi32, #tpu.memory_space<hbm>> -> memref<1x125x80xi32, #tpu.memory_space<hbm>>
      %dma_wait3A_27 = tpu.memref_squeeze %dma_wait3A_26 : memref<1x125x80xi32, #tpu.memory_space<hbm>> -> memref<125x80xi32, #tpu.memory_space<hbm>>
      tpu.wait_dma2 semaphore(%run_scoped3A : memref<!tpu.dma_semaphore, #tpu.memory_space<semaphore_mem>>) src(%dma_wait3A_27 : memref<125x80xi32, #tpu.memory_space<hbm>>) dst(%arg7 : memref<125x80xi32, #tpu.memory_space<vmem>>)
      tpu.yield
    }) : () -> ()
    "tpu.region"() ({
      %run_scoped3A = tpu.sem_alloc : memref<!tpu.dma_semaphore, #tpu.memory_space<semaphore_mem>>
      %dma_start3A = arith.constant 0 : i32
      %dma_start3A_14 = arith.constant 0 : i32
      %dma_start3A_15 = tpu.memref_slice %arg4[%add3A, %dma_start3A, %dma_start3A_14] : memref<32x125x80xi32, #tpu.memory_space<hbm>> -> memref<1x125x80xi32, #tpu.memory_space<hbm>>
      %dma_start3A_16 = tpu.memref_squeeze %dma_start3A_15 : memref<1x125x80xi32, #tpu.memory_space<hbm>> -> memref<125x80xi32, #tpu.memory_space<hbm>>
      %dma_start3A_17 = arith.constant 0 : i32
      %dma_start3A_18 = arith.constant 0 : i32
      %dma_start3A_19 = tpu.memref_slice %arg4[%add3A, %dma_start3A_17, %dma_start3A_18] : memref<32x125x80xi32, #tpu.memory_space<hbm>> -> memref<1x125x80xi32, #tpu.memory_space<hbm>>
      %dma_start3A_20 = tpu.memref_squeeze %dma_start3A_19 : memref<1x125x80xi32, #tpu.memory_space<hbm>> -> memref<125x80xi32, #tpu.memory_space<hbm>>
      tpu.enqueue_dma source(%dma_start3A_20 : memref<125x80xi32, #tpu.memory_space<hbm>>) target(%arg8 : memref<125x80xi32, #tpu.memory_space<vmem>>) target_semaphore(%run_scoped3A : memref<!tpu.dma_semaphore, #tpu.memory_space<semaphore_mem>>)
      %dma_wait3A = arith.constant 0 : i32
      %dma_wait3A_21 = arith.constant 0 : i32
      %dma_wait3A_22 = tpu.memref_slice %arg4[%add3A, %dma_wait3A, %dma_wait3A_21] : memref<32x125x80xi32, #tpu.memory_space<hbm>> -> memref<1x125x80xi32, #tpu.memory_space<hbm>>
      %dma_wait3A_23 = tpu.memref_squeeze %dma_wait3A_22 : memref<1x125x80xi32, #tpu.memory_space<hbm>> -> memref<125x80xi32, #tpu.memory_space<hbm>>
      %dma_wait3A_24 = arith.constant 0 : i32
      %dma_wait3A_25 = arith.constant 0 : i32
      %dma_wait3A_26 = tpu.memref_slice %arg4[%add3A, %dma_wait3A_24, %dma_wait3A_25] : memref<32x125x80xi32, #tpu.memory_space<hbm>> -> memref<1x125x80xi32, #tpu.memory_space<hbm>>
      %dma_wait3A_27 = tpu.memref_squeeze %dma_wait3A_26 : memref<1x125x80xi32, #tpu.memory_space<hbm>> -> memref<125x80xi32, #tpu.memory_space<hbm>>
      tpu.wait_dma2 semaphore(%run_scoped3A : memref<!tpu.dma_semaphore, #tpu.memory_space<semaphore_mem>>) src(%dma_wait3A_27 : memref<125x80xi32, #tpu.memory_space<hbm>>) dst(%arg8 : memref<125x80xi32, #tpu.memory_space<vmem>>)
      tpu.yield
    }) : () -> ()
    %barrier3A = arith.constant 0 : index
    tpu.barrier barrier_id(%barrier3A)
    %scan3A = arith.constant 0 : i32
    %scan3A_5 = arith.constant 125 : i32
    %scan3A_6 = arith.addi %scan3A, %scan3A_5 : i32
    %scan3A_7 = arith.constant 1 : i32
    scf.for %scan3A_14 = %scan3A to %scan3A_6 step %scan3A_7  : i32 {
      %mul3A_15 = arith.constant 1 : i32
      %mul3A_16 = arith.muli %scan3A_14, %mul3A_15 : i32
      %add3A_17 = arith.constant 0 : i32
      %add3A_18 = arith.addi %add3A_17, %mul3A_16 : i32
      %add3A_19 = arith.constant 0 : i32
      %add3A_20 = arith.addi %add3A_18, %add3A_19 : i32
      %dma_start3A = arith.constant 0 : i32
      %dma_start3A_21 = arith.constant 0 : i32
      %dma_start3A_22 = tpu.memref_slice %arg9[%dma_start3A, %dma_start3A_21] : memref<80x128xf32, #tpu.memory_space<vmem>> -> memref<80x128xf32, #tpu.memory_space<vmem>>
      %dma_start3A_23 = arith.constant 0 : i32
      %dma_start3A_24 = tpu.memref_slice %arg7[%add3A_20, %dma_start3A_23] : memref<125x80xi32, #tpu.memory_space<vmem>> -> memref<1x80xi32, #tpu.memory_space<vmem>>
      %dma_start3A_25 = tpu.memref_squeeze %dma_start3A_24 : memref<1x80xi32, #tpu.memory_space<vmem>> -> memref<80xi32, #tpu.memory_space<vmem>>
      %dma_start3A_26 = arith.constant 0 : i32
      %dma_start3A_27 = arith.constant 0 : i32
      %dma_start3A_28 = tpu.memref_slice %arg2[%dma_start3A_26, %dma_start3A_27] : memref<80000x128xf32, #tpu.memory_space<hbm>> -> memref<80000x128xf32, #tpu.memory_space<hbm>>
      tpu.enqueue_indirect_dma source(%dma_start3A_28 : memref<80000x128xf32, #tpu.memory_space<hbm>>) target(%dma_start3A_22 : memref<80x128xf32, #tpu.memory_space<vmem>>) offsets(%dma_start3A_25 : memref<80xi32, #tpu.memory_space<vmem>>) semaphore(%arg11 : memref<!tpu.dma_semaphore, #tpu.memory_space<semaphore_mem>>)
      %add3A_29 = arith.constant 0 : i32
      %add3A_30 = arith.addi %add3A_18, %add3A_29 : i32
      %dma_wait3A = arith.constant 0 : i32
      %dma_wait3A_31 = arith.constant 0 : i32
      %dma_wait3A_32 = tpu.memref_slice %arg9[%dma_wait3A, %dma_wait3A_31] : memref<80x128xf32, #tpu.memory_space<vmem>> -> memref<80x128xf32, #tpu.memory_space<vmem>>
      %dma_wait3A_33 = arith.constant 0 : i32
      %dma_wait3A_34 = tpu.memref_slice %arg7[%add3A_30, %dma_wait3A_33] : memref<125x80xi32, #tpu.memory_space<vmem>> -> memref<1x80xi32, #tpu.memory_space<vmem>>
      %dma_wait3A_35 = tpu.memref_squeeze %dma_wait3A_34 : memref<1x80xi32, #tpu.memory_space<vmem>> -> memref<80xi32, #tpu.memory_space<vmem>>
      %dma_wait3A_36 = arith.constant 0 : i32
      %dma_wait3A_37 = arith.constant 0 : i32
      %dma_wait3A_38 = tpu.memref_slice %arg2[%dma_wait3A_36, %dma_wait3A_37] : memref<80000x128xf32, #tpu.memory_space<hbm>> -> memref<80000x128xf32, #tpu.memory_space<hbm>>
      tpu.wait_indirect_dma semaphore(%arg11 : memref<!tpu.dma_semaphore, #tpu.memory_space<semaphore_mem>>) src(%dma_wait3A_38 : memref<80000x128xf32, #tpu.memory_space<hbm>>) dst(%dma_wait3A_32 : memref<80x128xf32, #tpu.memory_space<vmem>>)
      %add3A_39 = arith.constant 0 : i32
      %add3A_40 = arith.addi %add3A_18, %add3A_39 : i32
      "tpu.region"() ({
        %run_scoped3A = tpu.sem_alloc : memref<!tpu.dma_semaphore, #tpu.memory_space<semaphore_mem>>
        %dma_start3A_41 = arith.constant 0 : i32
        %dma_start3A_42 = arith.constant 0 : i32
        %dma_start3A_43 = tpu.memref_slice %arg9[%dma_start3A_41, %dma_start3A_42] : memref<80x128xf32, #tpu.memory_space<vmem>> -> memref<80x128xf32, #tpu.memory_space<vmem>>
        %dma_start3A_44 = arith.constant 0 : i32
        %dma_start3A_45 = tpu.memref_slice %arg8[%add3A_40, %dma_start3A_44] : memref<125x80xi32, #tpu.memory_space<vmem>> -> memref<1x80xi32, #tpu.memory_space<vmem>>
        %dma_start3A_46 = tpu.memref_squeeze %dma_start3A_45 : memref<1x80xi32, #tpu.memory_space<vmem>> -> memref<80xi32, #tpu.memory_space<vmem>>
        %dma_start3A_47 = arith.constant 0 : i32
        %dma_start3A_48 = arith.constant 0 : i32
        %dma_start3A_49 = tpu.memref_slice %arg10[%dma_start3A_47, %dma_start3A_48] : memref<10112x128xf32, #tpu.memory_space<vmem_shared>> -> memref<10112x128xf32, #tpu.memory_space<vmem_shared>>
        tpu.enqueue_indirect_dma source(%dma_start3A_43 : memref<80x128xf32, #tpu.memory_space<vmem>>) target(%dma_start3A_49 : memref<10112x128xf32, #tpu.memory_space<vmem_shared>>) offsets(%dma_start3A_46 : memref<80xi32, #tpu.memory_space<vmem>>) semaphore(%run_scoped3A : memref<!tpu.dma_semaphore, #tpu.memory_space<semaphore_mem>>) {add = true}
        %dma_wait3A_50 = arith.constant 0 : i32
        %dma_wait3A_51 = arith.constant 0 : i32
        %dma_wait3A_52 = tpu.memref_slice %arg9[%dma_wait3A_50, %dma_wait3A_51] : memref<80x128xf32, #tpu.memory_space<vmem>> -> memref<80x128xf32, #tpu.memory_space<vmem>>
        %dma_wait3A_53 = arith.constant 0 : i32
        %dma_wait3A_54 = tpu.memref_slice %arg8[%add3A_40, %dma_wait3A_53] : memref<125x80xi32, #tpu.memory_space<vmem>> -> memref<1x80xi32, #tpu.memory_space<vmem>>
        %dma_wait3A_55 = tpu.memref_squeeze %dma_wait3A_54 : memref<1x80xi32, #tpu.memory_space<vmem>> -> memref<80xi32, #tpu.memory_space<vmem>>
        %dma_wait3A_56 = arith.constant 0 : i32
        %dma_wait3A_57 = arith.constant 0 : i32
        %dma_wait3A_58 = tpu.memref_slice %arg10[%dma_wait3A_56, %dma_wait3A_57] : memref<10112x128xf32, #tpu.memory_space<vmem_shared>> -> memref<10112x128xf32, #tpu.memory_space<vmem_shared>>
        tpu.wait_indirect_dma semaphore(%run_scoped3A : memref<!tpu.dma_semaphore, #tpu.memory_space<semaphore_mem>>) src(%dma_wait3A_52 : memref<80x128xf32, #tpu.memory_space<vmem>>) dst(%dma_wait3A_58 : memref<10112x128xf32, #tpu.memory_space<vmem_shared>>)
        tpu.yield
      }) : () -> ()
    }
    %scan3A_8 = arith.constant 125 : i32
    %barrier3A_9 = arith.constant 0 : index
    tpu.barrier barrier_id(%barrier3A_9)
    %mul3A_10 = arith.constant 632 : i32
    %mul3A_11 = arith.muli %arg1, %mul3A_10 : i32
    %mul3A_12 = arith.constant 632 : i32
    %mul3A_13 = arith.muli %arg1, %mul3A_12 : i32
    "tpu.region"() ({
      %run_scoped3A = tpu.sem_alloc : memref<!tpu.dma_semaphore, #tpu.memory_space<semaphore_mem>>
      %dma_start3A = arith.constant 0 : i32
      %dma_start3A_14 = arith.constant 0 : i32
      %dma_start3A_15 = tpu.memref_slice %arg6[%arg0, %dma_start3A, %dma_start3A_14] : memref<2x10112x128xf32, #tpu.memory_space<hbm>> -> memref<1x10112x128xf32, #tpu.memory_space<hbm>>
      %dma_start3A_16 = tpu.memref_squeeze %dma_start3A_15 : memref<1x10112x128xf32, #tpu.memory_space<hbm>> -> memref<10112x128xf32, #tpu.memory_space<hbm>>
      %dma_start3A_17 = arith.constant 0 : i32
      %dma_start3A_18 = tpu.memref_slice %dma_start3A_16[%mul3A_13, %dma_start3A_17] : memref<10112x128xf32, #tpu.memory_space<hbm>> -> memref<632x128xf32, #tpu.memory_space<hbm>>
      %dma_start3A_19 = arith.constant 0 : i32
      %dma_start3A_20 = tpu.memref_slice %arg10[%mul3A_11, %dma_start3A_19] : memref<10112x128xf32, #tpu.memory_space<vmem_shared>> -> memref<632x128xf32, #tpu.memory_space<vmem_shared>>
      tpu.enqueue_dma source(%dma_start3A_20 : memref<632x128xf32, #tpu.memory_space<vmem_shared>>) target(%dma_start3A_18 : memref<632x128xf32, #tpu.memory_space<hbm>>) target_semaphore(%run_scoped3A : memref<!tpu.dma_semaphore, #tpu.memory_space<semaphore_mem>>)
      %dma_wait3A = arith.constant 0 : i32
      %dma_wait3A_21 = arith.constant 0 : i32
      %dma_wait3A_22 = tpu.memref_slice %arg6[%arg0, %dma_wait3A, %dma_wait3A_21] : memref<2x10112x128xf32, #tpu.memory_space<hbm>> -> memref<1x10112x128xf32, #tpu.memory_space<hbm>>
      %dma_wait3A_23 = tpu.memref_squeeze %dma_wait3A_22 : memref<1x10112x128xf32, #tpu.memory_space<hbm>> -> memref<10112x128xf32, #tpu.memory_space<hbm>>
      %dma_wait3A_24 = arith.constant 0 : i32
      %dma_wait3A_25 = tpu.memref_slice %dma_wait3A_23[%mul3A_13, %dma_wait3A_24] : memref<10112x128xf32, #tpu.memory_space<hbm>> -> memref<632x128xf32, #tpu.memory_space<hbm>>
      %dma_wait3A_26 = arith.constant 0 : i32
      %dma_wait3A_27 = tpu.memref_slice %arg10[%mul3A_11, %dma_wait3A_26] : memref<10112x128xf32, #tpu.memory_space<vmem_shared>> -> memref<632x128xf32, #tpu.memory_space<vmem_shared>>
      tpu.wait_dma2 semaphore(%run_scoped3A : memref<!tpu.dma_semaphore, #tpu.memory_space<semaphore_mem>>) src(%dma_wait3A_27 : memref<632x128xf32, #tpu.memory_space<vmem_shared>>) dst(%dma_wait3A_25 : memref<632x128xf32, #tpu.memory_space<hbm>>)
      tpu.yield
    }) : () -> ()
    return
  }
}

module attributes {stable_mosaic.version = 14 : i64} {
  func.func @body(%arg0: i32, %arg1: memref<2x2000x128xf32, #tpu.memory_space<vmem>>, %arg2: memref<2000x128xf32, #tpu.memory_space<vmem>>, %arg3: memref<1x128xf32, #tpu.memory_space<vmem>>, %arg4: memref<128x64xf32, #tpu.memory_space<vmem>>, %arg5: memref<128x8xf32, #tpu.memory_space<vmem>>, %arg6: memref<1x8xf32, #tpu.memory_space<vmem>>, %arg7: memref<2000x64xf32, #tpu.memory_space<vmem>>, %arg8: memref<2000x8xf32, #tpu.memory_space<vmem>>) attributes {dimension_semantics = [#tpu.dimension_semantics<arbitrary>], iteration_bounds = array<i64: 5>, scalar_prefetch = 0 : i64, scratch_operands = 0 : i64, tpu.core_type = #tpu.core_type<tc>, window_params = [{transform_indices = @transform_0, window_bounds = array<i64: 2, 2000, 128>}, {transform_indices = @transform_1, window_bounds = array<i64: 2000, 128>}, {pipeline_mode = #tpu.pipeline_mode<synchronous>, transform_indices = @transform_2, window_bounds = array<i64: 1, 128>}, {pipeline_mode = #tpu.pipeline_mode<synchronous>, transform_indices = @transform_3, window_bounds = array<i64: 128, 64>}, {pipeline_mode = #tpu.pipeline_mode<synchronous>, transform_indices = @transform_4, window_bounds = array<i64: 128, 8>}, {pipeline_mode = #tpu.pipeline_mode<synchronous>, transform_indices = @transform_5, window_bounds = array<i64: 1, 8>}, {transform_indices = @transform_6, window_bounds = array<i64: 2000, 64>}, {transform_indices = @transform_7, window_bounds = array<i64: 2000, 8>}]} {
    %get3A = arith.constant 0 : index
    %get3A_0 = arith.constant 0 : index
    %get3A_1 = arith.constant 0 : index
    %get3A_2 = vector.load %arg1[%get3A, %get3A_0, %get3A_1] : memref<2x2000x128xf32, #tpu.memory_space<vmem>>, vector<1x2000x128xf32>
    %get3A_3 = vector.shape_cast %get3A_2 : vector<1x2000x128xf32> to vector<2000x128xf32>
    %get3A_4 = arith.constant 1 : index
    %get3A_5 = arith.constant 0 : index
    %get3A_6 = arith.constant 0 : index
    %get3A_7 = vector.load %arg1[%get3A_4, %get3A_5, %get3A_6] : memref<2x2000x128xf32, #tpu.memory_space<vmem>>, vector<1x2000x128xf32>
    %get3A_8 = vector.shape_cast %get3A_7 : vector<1x2000x128xf32> to vector<2000x128xf32>
    %add3A = arith.addf %get3A_3, %get3A_8 : vector<2000x128xf32>
    %get3A_9 = arith.constant 0 : index
    %get3A_10 = arith.constant 0 : index
    %get3A_11 = vector.load %arg2[%get3A_9, %get3A_10] : memref<2000x128xf32, #tpu.memory_space<vmem>>, vector<2000x128xf32>
    %add3A_12 = arith.addf %add3A, %get3A_11 : vector<2000x128xf32>
    %get3A_13 = arith.constant 0 : index
    %get3A_14 = arith.constant 0 : index
    %get3A_15 = vector.load %arg3[%get3A_13, %get3A_14] : memref<1x128xf32, #tpu.memory_space<vmem>>, vector<1x128xf32>
    %add3A_16 = vector.broadcast %get3A_15 : vector<1x128xf32> to vector<2000x128xf32>
    %add3A_17 = arith.addf %add3A_12, %add3A_16 : vector<2000x128xf32>
    %max3A = arith.constant 0.000000e+00 : f32
    %max3A_18 = vector.broadcast %max3A : f32 to vector<2000x128xf32>
    %max3A_19 = arith.maximumf %add3A_17, %max3A_18 : vector<2000x128xf32>
    %get3A_20 = arith.constant 0 : index
    %get3A_21 = arith.constant 0 : index
    %get3A_22 = vector.load %arg5[%get3A_20, %get3A_21] : memref<128x8xf32, #tpu.memory_space<vmem>>, vector<128x8xf32>
    %dot_general3A = arith.constant dense<0.000000e+00> : vector<2000x8xf32>
    %dot_general3A_23 = tpu.matmul %max3A_19, %get3A_22, %dot_general3A {dimension_numbers = #tpu.dot_dimension_numbers<[1], [0], [0], [1], [0, 0, 1, 1], [], []>, transpose_lhs_hint = false} : vector<2000x128xf32>, vector<128x8xf32>, vector<2000x8xf32> -> vector<2000x8xf32>
    %get3A_24 = arith.constant 0 : index
    %get3A_25 = arith.constant 0 : index
    %get3A_26 = vector.load %arg6[%get3A_24, %get3A_25] : memref<1x8xf32, #tpu.memory_space<vmem>>, vector<1x8xf32>
    %add3A_27 = vector.broadcast %get3A_26 : vector<1x8xf32> to vector<2000x8xf32>
    %add3A_28 = arith.addf %dot_general3A_23, %add3A_27 : vector<2000x8xf32>
    %swap3A = arith.constant 0 : index
    %swap3A_29 = arith.constant 0 : index
    %swap3A_30 = vector.load %arg8[%swap3A, %swap3A_29] : memref<2000x8xf32, #tpu.memory_space<vmem>>, vector<2000x8xf32>
    tpu.vector_store %arg8[%swap3A, %swap3A_29], %add3A_28 {strides = array<i32>} : memref<2000x8xf32, #tpu.memory_space<vmem>>, vector<2000x8xf32>,
    %get3A_31 = arith.constant 0 : index
    %get3A_32 = arith.constant 0 : index
    %get3A_33 = vector.load %arg4[%get3A_31, %get3A_32] : memref<128x64xf32, #tpu.memory_space<vmem>>, vector<128x64xf32>
    %dot_general3A_34 = arith.constant dense<0.000000e+00> : vector<2000x64xf32>
    %dot_general3A_35 = tpu.matmul %max3A_19, %get3A_33, %dot_general3A_34 {dimension_numbers = #tpu.dot_dimension_numbers<[1], [0], [0], [1], [0, 0, 1, 1], [], []>, transpose_lhs_hint = false} : vector<2000x128xf32>, vector<128x64xf32>, vector<2000x64xf32> -> vector<2000x64xf32>
    %swap3A_36 = arith.constant 0 : index
    %swap3A_37 = arith.constant 0 : index
    %swap3A_38 = vector.load %arg7[%swap3A_36, %swap3A_37] : memref<2000x64xf32, #tpu.memory_space<vmem>>, vector<2000x64xf32>
    tpu.vector_store %arg7[%swap3A_36, %swap3A_37], %dot_general3A_35 {strides = array<i32>} : memref<2000x64xf32, #tpu.memory_space<vmem>>, vector<2000x64xf32>,
    return
  }
  func.func @transform_0(%arg0: i32) -> (i32, i32, i32) {
    %c0_i32 = arith.constant 0 : i32
    %c0_i32_0 = arith.constant 0 : i32
    %c0_i32_1 = arith.constant 0 : i32
    return %c0_i32, %arg0, %c0_i32_0 : i32, i32, i32
  }
  func.func @transform_1(%arg0: i32) -> (i32, i32) {
    %c0_i32 = arith.constant 0 : i32
    %c0_i32_0 = arith.constant 0 : i32
    return %arg0, %c0_i32 : i32, i32
  }
  func.func @transform_2(%arg0: i32) -> (i32, i32) {
    %c0_i32 = arith.constant 0 : i32
    %c0_i32_0 = arith.constant 0 : i32
    %c0_i32_1 = arith.constant 0 : i32
    return %c0_i32, %c0_i32_0 : i32, i32
  }
  func.func @transform_3(%arg0: i32) -> (i32, i32) {
    %c0_i32 = arith.constant 0 : i32
    %c0_i32_0 = arith.constant 0 : i32
    %c0_i32_1 = arith.constant 0 : i32
    return %c0_i32, %c0_i32_0 : i32, i32
  }
  func.func @transform_4(%arg0: i32) -> (i32, i32) {
    %c0_i32 = arith.constant 0 : i32
    %c0_i32_0 = arith.constant 0 : i32
    %c0_i32_1 = arith.constant 0 : i32
    return %c0_i32, %c0_i32_0 : i32, i32
  }
  func.func @transform_5(%arg0: i32) -> (i32, i32) {
    %c0_i32 = arith.constant 0 : i32
    %c0_i32_0 = arith.constant 0 : i32
    %c0_i32_1 = arith.constant 0 : i32
    return %c0_i32, %c0_i32_0 : i32, i32
  }
  func.func @transform_6(%arg0: i32) -> (i32, i32) {
    %c0_i32 = arith.constant 0 : i32
    %c0_i32_0 = arith.constant 0 : i32
    return %arg0, %c0_i32 : i32, i32
  }
  func.func @transform_7(%arg0: i32) -> (i32, i32) {
    %c0_i32 = arith.constant 0 : i32
    %c0_i32_0 = arith.constant 0 : i32
    return %arg0, %c0_i32 : i32, i32
  }
}

module attributes {stable_mosaic.version = 14 : i64} {
  func.func @body(%arg0: i32, %arg1: memref<2x2000x8xf32, #tpu.memory_space<vmem>>, %arg2: memref<2000x8xf32, #tpu.memory_space<vmem>>, %arg3: memref<2000x8xf32, #tpu.memory_space<vmem>>) attributes {dimension_semantics = [#tpu.dimension_semantics<arbitrary>], iteration_bounds = array<i64: 5>, scalar_prefetch = 0 : i64, scratch_operands = 0 : i64, tpu.core_type = #tpu.core_type<tc>, window_params = [{transform_indices = @transform_0, window_bounds = array<i64: 2, 2000, 8>}, {transform_indices = @transform_1, window_bounds = array<i64: 2000, 8>}, {transform_indices = @transform_2, window_bounds = array<i64: 2000, 8>}]} {
    %get3A = arith.constant 0 : index
    %get3A_0 = arith.constant 0 : index
    %get3A_1 = arith.constant 0 : index
    %get3A_2 = vector.load %arg1[%get3A, %get3A_0, %get3A_1] : memref<2x2000x8xf32, #tpu.memory_space<vmem>>, vector<1x2000x8xf32>
    %get3A_3 = vector.shape_cast %get3A_2 : vector<1x2000x8xf32> to vector<2000x8xf32>
    %get3A_4 = arith.constant 1 : index
    %get3A_5 = arith.constant 0 : index
    %get3A_6 = arith.constant 0 : index
    %get3A_7 = vector.load %arg1[%get3A_4, %get3A_5, %get3A_6] : memref<2x2000x8xf32, #tpu.memory_space<vmem>>, vector<1x2000x8xf32>
    %get3A_8 = vector.shape_cast %get3A_7 : vector<1x2000x8xf32> to vector<2000x8xf32>
    %add3A = arith.addf %get3A_3, %get3A_8 : vector<2000x8xf32>
    %get3A_9 = arith.constant 0 : index
    %get3A_10 = arith.constant 0 : index
    %get3A_11 = vector.load %arg2[%get3A_9, %get3A_10] : memref<2000x8xf32, #tpu.memory_space<vmem>>, vector<2000x8xf32>
    %add3A_12 = arith.addf %add3A, %get3A_11 : vector<2000x8xf32>
    %reduce_max3A = arith.constant dense<0xFF800000> : vector<2000xf32>
    %reduce_max3A_13 = vector.multi_reduction <maximumf>, %add3A_12, %reduce_max3A [1] : vector<2000x8xf32> to vector<2000xf32>
    %broadcast_in_dim3A = vector.shape_cast %reduce_max3A_13 : vector<2000xf32> to vector<2000x1xf32>
    %sub3A = vector.broadcast %broadcast_in_dim3A : vector<2000x1xf32> to vector<2000x8xf32>
    %sub3A_14 = arith.subf %add3A_12, %sub3A : vector<2000x8xf32>
    %exp3A = math.exp %sub3A_14 : vector<2000x8xf32>
    %reduce_sum3A = arith.constant dense<0.000000e+00> : vector<2000xf32>
    %reduce_sum3A_15 = vector.multi_reduction <add>, %exp3A, %reduce_sum3A [1] : vector<2000x8xf32> to vector<2000xf32>
    %broadcast_in_dim3A_16 = vector.shape_cast %reduce_sum3A_15 : vector<2000xf32> to vector<2000x1xf32>
    %log3A = math.log %broadcast_in_dim3A_16 : vector<2000x1xf32>
    %sub3A_17 = vector.broadcast %broadcast_in_dim3A : vector<2000x1xf32> to vector<2000x8xf32>
    %sub3A_18 = arith.subf %add3A_12, %sub3A_17 : vector<2000x8xf32>
    %sub3A_19 = vector.broadcast %log3A : vector<2000x1xf32> to vector<2000x8xf32>
    %sub3A_20 = arith.subf %sub3A_18, %sub3A_19 : vector<2000x8xf32>
    %swap3A = arith.constant 0 : index
    %swap3A_21 = arith.constant 0 : index
    %swap3A_22 = vector.load %arg3[%swap3A, %swap3A_21] : memref<2000x8xf32, #tpu.memory_space<vmem>>, vector<2000x8xf32>
    tpu.vector_store %arg3[%swap3A, %swap3A_21], %sub3A_20 {strides = array<i32>} : memref<2000x8xf32, #tpu.memory_space<vmem>>, vector<2000x8xf32>,
    return
  }
  func.func @transform_0(%arg0: i32) -> (i32, i32, i32) {
    %c0_i32 = arith.constant 0 : i32
    %c0_i32_0 = arith.constant 0 : i32
    %c0_i32_1 = arith.constant 0 : i32
    return %c0_i32, %arg0, %c0_i32_0 : i32, i32, i32
  }
  func.func @transform_1(%arg0: i32) -> (i32, i32) {
    %c0_i32 = arith.constant 0 : i32
    %c0_i32_0 = arith.constant 0 : i32
    return %arg0, %c0_i32 : i32, i32
  }
  func.func @transform_2(%arg0: i32) -> (i32, i32) {
    %c0_i32 = arith.constant 0 : i32
    %c0_i32_0 = arith.constant 0 : i32
    return %arg0, %c0_i32 : i32, i32
  }
}

</mosaic_0001>

<sc_bundles>
// kernel: kernel.6.cloned.1.call-start
scs
__scs_entry_jumppad:
0x0: {  	(pc) =	sbr.rel $0x88, $3  }
0x1: {  	(tag) =	ssettag $0x0;
	lr =	simm.s32 $0x1  }
0x2: {  	[smem:$0x3F99] =	sst lr;
	_ =	strace $0xD0000000  }
0x3: {  	_ = 	snop  }
0x4: {  	_ = 	snop  }
0x5: {  	_ = 	snop  }
0x6: {  	_ = 	snop  }
0x7: {  	_ = 	snop  }
__scs_overlays_trampoline_lowered:
0x8: {  	[smem:$0x3FA8] =	sst s0  }
0x9: {  	[smem:$0x3FA9] =	sst s1  }
0xa: {  	[smem:$0x3FAA] =	sst s2  }
0xb: {  	[smem:$0x3FAB] =	sst s3  }
0xc: {  	[smem:$0x3FAC] =	sst s4  }
0xd: {  	[smem:$0x3FAD] =	sst s5  }
0xe: {  	[smem:$0x3FAE] =	sst s6  }
0xf: {  	[smem:$0x3FAF] =	sst s7  }
0x10: {  	[smem:$0x3FB0] =	sst s8  }
0x11: {  	[smem:$0x3FB1] =	sst s9;
	s0 =	simm.s32 @!p0 $0x0  }
0x12: {  	s1 =	sld [smem:$0x3F97];
	s0 =	simm.s32 @p0 $0x1  }
0x13: {  	[smem:$0x3FB2] =	sst s0;
	s0 =	simm.s32 @!p1 $0x0  }
0x14: {  	s2 =	sld [smem:$0x3F96];
	s0 =	simm.s32 @p1 $0x1  }
0x15: {  	[smem:$0x3FB3] =	sst s0;
	s0 =	simm.s32 @!p2 $0x0  }
0x16: {  	s3 =	sld [smem:$0x3FDB];
	s0 =	simm.s32 @p2 $0x1  }
0x17: {  	s4 =	simm.s32 $0x1BF5;
	[smem:$0x3FB5] =	sst s0  }
0x18: {  	s0 =	sld [smem:$0x3F98];
	_ =	swait.ge [sflag:s4], $0x0  }
0x19: {  	s7 =	sld [smem:$0x3F99]  }
0x1a: {  	s8 =	sadd.s32 $0xFFFFE003, lr  }
0x1b: {  	s9 =	sadd.s32 $0xFFFFFEF7, lr;
	s5 =	simm.s32 $0xFFFFFFFF;
	p2 =	slt.u32 s8, $0xFFFFF086  }
0x1c: {  	p1 =	slt.u32 s9, $0xF7A;
	s5 =	simm.s32 @!p2 $0x0  }
0x1d: {  	s5 =	simm.s32 @p1 $0x1;
	p0 =	seq.s32 s7, s2  }
0x1e: {  	s7 =	smul.u32 @!p0 $0xF7A, s2;
	p2 =	seq.s32 @!p0 s5, $0x0  }
0x1f: {  	s9 =	smul.u32 $0xF7A, s1;
	s8 =	simm.s32 @!p0 $0x1BF5;
	p2 =	por !p2, p0  }
0x20: {  	[sflag:s8] =	ssyncset.s32 @!p0 $0xFFFFF086;
	s6 =	sadd.s32 @!p0 s3, s7;
	s7 =	simm.s32 @!p0 $0x108  }
0x21: {  	s3 =	sadd.s32 s3, s9;
	s6 =	sadd.s32 @!p0 $0x88, s6;
	s7 =	simm.s32 @p2 $0x1082  }
0x22: {  	[simem:s7], [sflag:s8] =	dma.local @!p0 [hbm:s6], $0xF7A  }
0x23: {  	s9 =	sor.u32 $0xD0000000, s2;
	s6 =	simm.s32 $0x108;
	_ =	swait.ge @!p0 [sflag:s8], $0x0  }
0x24: {  	s3 =	sadd.s32 $0x88, s3;
	s6 =	simm.s32 @!p1 $0x1082;
	[sflag:s4] =	ssyncset.s32 $0xFFFFF086  }
0x25: {  	[simem:s6], [sflag:s4] =	dma.local [hbm:s3], $0xF7A  }
0x26: {  	[smem:$0x3F99] =	sst s1;
	(tag) =	ssettag s2;
	_ =	strace s9  }
0x27: {  	s1 =	sld [smem:$0x3FA9]  }
0x28: {  	s2 =	sld [smem:$0x3FAA]  }
0x29: {  	s4 =	sld [smem:$0x3FAC]  }
0x2a: {  	p0 =	seq.s32 s5, $0x0;
	s5 =	sld [smem:$0x3FAD]  }
0x2b: {  	s6 =	sld [smem:$0x3FAE]  }
0x2c: {  	s7 =	sld [smem:$0x3FAF]  }
0x2d: {  	s3 =	simm.s32 $0x108;
	s8 =	sld [smem:$0x3FB0]  }
0x2e: {  	s3 =	simm.s32 @!p0 $0x1082;
	s9 =	sld [smem:$0x3FB1]  }
0x2f: {  	lr =	sadd.s32 s0, s3;
	s0 =	sld [smem:$0x3FA8]  }
0x30: {  	s3 =	sld [smem:$0x3FAB]  }
0x31: {  	[smem:$0x3FB4] =	sst s10  }
0x32: {  	s10 =	sld [smem:$0x3FB2];
	_ =	sdelay $0x3  }
0x33: {  	p0 =	seq.s32 s10, $0x1;
	s10 =	sld [smem:$0x3FB4];
	_ =	sdelay $0x3  }
0x34: {  	[smem:$0x3FB4] =	sst s10  }
0x35: {  	s10 =	sld [smem:$0x3FB3];
	_ =	sdelay $0x3  }
0x36: {  	p1 =	seq.s32 s10, $0x1;
	s10 =	sld [smem:$0x3FB4];
	_ =	sdelay $0x3  }
0x37: {  	[smem:$0x3FB4] =	sst s10  }
0x38: {  	s10 =	sld [smem:$0x3FB5]  }
0x39: {  	_ = 	snop;
	(pc) =	sbr.ind lr, $3  }
0x3a: {  	_ = 	snop  }
0x3b: {  	_ = 	snop  }
0x3c: {  	p2 =	seq.s32 s10, $0x1;
	s10 =	sld [smem:$0x3FB4]  }
0x3d: {  	_ =	shalt  }
0x3e: {  	_ =	shalt  }
0x3f: {  	_ =	shalt  }
0x40: {  	_ =	shalt  }
0x41: {  	_ =	shalt  }
0x42: {  	_ =	shalt  }
0x43: {  	_ =	shalt  }
0x44: {  	_ =	shalt  }
0x45: {  	_ =	shalt  }
0x46: {  	_ =	shalt  }
0x47: {  	_ =	shalt  }
0x48: {  	_ =	shalt  }
0x49: {  	_ =	shalt  }
0x4a: {  	_ =	shalt  }
0x4b: {  	_ =	shalt  }
0x4c: {  	_ =	shalt  }
0x4d: {  	_ =	shalt  }
0x4e: {  	_ =	shalt  }
0x4f: {  	_ =	shalt  }
0x50: {  	_ =	shalt  }
0x51: {  	_ =	shalt  }
0x52: {  	_ =	shalt  }
0x53: {  	_ =	shalt  }
0x54: {  	_ =	shalt  }
0x55: {  	_ =	shalt  }
0x56: {  	_ =	shalt  }
0x57: {  	_ =	shalt  }
0x58: {  	_ =	shalt  }
0x59: {  	_ =	shalt  }
0x5a: {  	_ =	shalt  }
0x5b: {  	_ =	shalt  }
0x5c: {  	_ =	shalt  }
0x5d: {  	_ =	shalt  }
0x5e: {  	_ =	shalt  }
0x5f: {  	_ =	shalt  }
0x60: {  	_ =	shalt  }
0x61: {  	_ =	shalt  }
0x62: {  	_ =	shalt  }
0x63: {  	_ =	shalt  }
0x64: {  	_ =	shalt  }
0x65: {  	_ =	shalt  }
0x66: {  	_ =	shalt  }
0x67: {  	_ =	shalt  }
0x68: {  	_ =	shalt  }
0x69: {  	_ =	shalt  }
0x6a: {  	_ =	shalt  }
0x6b: {  	_ =	shalt  }
0x6c: {  	_ =	shalt  }
0x6d: {  	_ =	shalt  }
0x6e: {  	_ =	shalt  }
0x6f: {  	_ =	shalt  }
0x70: {  	_ =	shalt  }
0x71: {  	_ =	shalt  }
0x72: {  	_ =	shalt  }
0x73: {  	_ =	shalt  }
0x74: {  	_ =	shalt  }
0x75: {  	_ =	shalt  }
0x76: {  	_ =	shalt  }
0x77: {  	_ =	shalt  }
0x78: {  	_ =	shalt  }
0x79: {  	_ =	shalt  }
0x7a: {  	_ =	shalt  }
0x7b: {  	_ =	shalt  }
0x7c: {  	_ =	shalt  }
0x7d: {  	_ =	shalt  }
0x7e: {  	_ =	shalt  }
0x7f: {  	_ =	shalt  }
0x80: {  	_ =	shalt  }
0x81: {  	_ =	shalt  }
0x82: {  	_ =	shalt  }
0x83: {  	_ =	shalt  }
0x84: {  	_ =	shalt  }
0x85: {  	_ =	shalt  }
0x86: {  	_ =	shalt  }
0x87: {  	_ =	shalt  }
.Lfunc_end0:
.L_simem_size_0:
called_computation_lowered:
.L_overlay_start_0:
0x88: {  	s2 =	sld [smem:$0x3FD9]  }
0x89: {  	s3 =	sld [smem:$0x3FFE];
	_ =	sdelay $0x1  }
0x8a: {  	s1 =	srdreg.scid  }
0x8b: {  	s0 =	sand.u32 $0x1, s1  }
0x8c: {  	s17 =	sshll.u32 s0, $0xA;
	s2 =	sadd.s32 s3, s2  }
0x8d: {  	s2 =	sadd.s32 s2, s17  }
0x8e: {  	[smem:$0x3FC0] =	sst s2  }
0x8f: {  	_ = 	snop  }
0x90: {  	s2 =	sld [smem:$0x3FC7];
	(tm) =	ssettm $0x1  }
0x91: {  	s18 =	sld [smem:$0x3FFB];
	_ =	sdelay $0x3  }
0x92: {  	_ =	strace s18  }
0x93: {  	s3 =	sld [smem:$0x3FFC];
	_ =	sdelay $0x3  }
0x94: {  	_ =	strace s3  }
0x95: {  	s3 =	sld [smem:$0x3FFD];
	_ =	sdelay $0x3  }
0x96: {  	_ =	strace s3  }
0x97: {  	_ =	strace $0x8FFFFFFF  }
0x98: {  	s19 =	sld [smem:$0x3FDB];
	_ =	sdelay $0x1  }
0x99: {  	s4 =	simm.s32 $_scs_section_size  }
0x9a: {  	s5 =	simm.s32 $_size__tile_overlayer_lowered;
	s6 =	simm.s32 $_tile_overlayer_lowered  }
0x9b: {  	s22 =	simm.s32 $0x1BFF;
	s21 =	sshll.u32 s6, $0x1;
	s3 =	sadd.s32 s4, s19  }
0x9c: {  	s7 =	simm.s32 $0x0;
	s20 =	sshll.u32 s5, $0x1;
	s5 =	sadd.s32 s21, s3  }
0x9d: {  	[timem:s7], [sflag:s22] =	dma.local [hbm:s5], s20  }
0x9e: {  	_ =	swait.ge [sflag:s22], s20  }
0x9f: {  	s4 =	ssub.s32 $0x0, s20;
	[sflag:s22] =	ssyncset.done $0x0  }
0xa0: {  	[sflag:s22] =	ssyncadd.s32 s4;
	_ =	sdelay $0x1  }
0xa1: {  	s23 =	simm.s32 $0x1B8B  }
0xa2: {  	_ =	swait.ge [sflag:s23], $0x1  }
0xa3: {  	[sflag:s23] =	ssyncset.done $0x0  }
0xa4: {  	s25 =	simm.s32 $0x1B8E;
	s24 =	sld [smem:$0x3FFE];
	[sflag:s23] =	ssyncadd.s32 $0xFFFFFFFF  }
0xa5: {  	s26 =	simm.s32 $execute0_lowered;
	[smem:$0x3FD2] =	sst s25  }
0xa6: {  	s5 =	sshll.u32 s26, $0x1;
	_ =	strace $0x80000046;
	[dreg:$0x1] =	wrdreg $0xFFFFFFFF  }
0xa7: {  	s28 =	simm.s32 $_size_execute0_lowered;
	s3 =	sadd.s32 s3, s5;
	[dreg:$0x0] =	wrdreg $0x0  }
0xa8: {  	s5 =	sshll.u32 s28, $0x1;
	[dreg:$0x2] =	wrdreg s3  }
0xa9: {  	[dreg:$0x3] =	wrdreg s5  }
0xaa: {  	[dreg:$0x4] =	wrdreg $0xC0  }
0xab: {  	_ =	task [dreg:s7], $0x5FFFF  }
0xac: {  	[dreg:$0x1] =	wrdreg $0xFFFFFFFF  }
0xad: {  	[dreg:$0x0] =	wrdreg $0x60  }
0xae: {  	[dreg:$0x2] =	wrdreg s2  }
0xaf: {  	[dreg:$0x3] =	wrdreg s24  }
0xb0: {  	[dreg:$0x4] =	wrdreg $0x76200  }
0xb1: {  	[dreg:$0x5] =	wrdreg $0x9  }
0xb2: {  	_ =	task.clear_ibuf [dreg:s7], $0x6FFFF;
	_ =	strace $0x90000046  }
0xb3: {  	s29 =	simm.s32 $0x9;
	_ =	strace $0x80000048  }
0xb4: {  	_ =	swait.ge [sflag:s29], $0x1  }
0xb5: {  	[sflag:s29] =	ssyncadd.s32 $0xFFFFFFFF  }
0xb6: {  	_ =	strace $0x90000048  }
0xb7: {  	_ =	sfence  }
0xb8: {  	s30 =	sld [smem:$0x0];
	_ =	sdelay $0x2  }
0xb9: {  	s31 =	sshll.u32 s1, $0xD;
	s1 =	sshrl.u32 s1, $0x2  }
0xba: {  	s3 =	sand.u32 $0x4000, s31;
	s1 =	sadd.s32 s1, s30  }
0xbb: {  	s0 =	sor.u32 s3, s0;
	s1 =	sshll.u32 s1, $0x11  }
0xbc: {  	s0 =	sor.u32 s1, s0  }
0xbd: {  	s0 =	sadd.s32 $0x8F2B, s0  }
0xbe: {  	[sflag:s0] =	ssyncadd.remote.s32 $0x1  }
0xbf: {  	_ =	sfence.sel $0xFFFF  }
0xc0: {  	[dreg:$0x0] =	wrdreg $0xFFFFFFFF;
	(pc) =	sbr.abs _section_cstart, $3  }
0xc1: {  	[dreg:$0x1] =	wrdreg $0xFFFFFFFF  }
0xc2: {  	_ =	task.clear_ibuf [dreg:s7], $0x2FFFF;
	_ =	strace $0x9FFFFFFF  }
0xc3: {  	(tm) =	ssettm $0x7FFFFFFF  }
tec
execute0_lowered:
.L_overlay_start_1:
0x0: {  	(tag) =	ssettag $0x1  }
0x1: {  	s1 =	rddreg [dreg:$0x0]  }
0x2: {  	s5 =	rddreg [dreg:$0x1]  }
0x3: {  	s3 =	rddreg [dreg:$0x2]  }
0x4: {  	s0 =	rddreg [dreg:$0x3];
	s6 =	srdreg.scid  }
0x5: {  	s2 =	stileid.u32;
	s4 =	simm.s32 $0x0;
	s13 =	simm.s32 $0x50  }
0x6: {  	s14 =	simm.s32 $0x4E20;
	s15 =	simm.s32 $0x1;
	s6 =	sand.u32 $0x1, s6  }
0x7: {  	s7 =	sshll.u32 s2, $0x1;
	[smem:$0x7FF] =	sst s4;
	s8 =	smul.u32 $0x13C00, s2  }
0x8: {  	s31 =	sshll.u32 s2, $0x6;
	s7 =	sor.u32 s6, s7;
	s9 =	smul.u32 $0x27800, s6  }
0x9: {  	_ =	strace $0x80000047;
	s6 =	ssub.s32 $0x2, s6;
	s7 =	smul.u32 $0x4E2, s7  }
0xa: {  	s16 =	sshrl.u32 s8, $0x3;
	s11 =	sshrl.u32 s6, $0x1;
	s12 =	sadd.s32 s8, s3  }
0xb: {  	s30 =	sadd.s32 s16, s5;
	s9 =	sadd.s32 s9, s5;
	s11 =	ssub.s32 s6, s11  }
0xc: {  	s6 =	sor.u32 $0x1C02, s31;
	s10 =	sadd.s32 s7, s5;
	s5 =	sadd.s32 $0x1F000, s30  }
0xd: {  	s17 =	sadd.s32 $0x46800, s9;
	s9 =	smax.u32 s11, $0x1;
	s11 =	simm.s32 $0x2  }
0xe: {  	s7 =	sadd.s32 $0xB400, s10;
	s8 =	sadd.s32 $0x1600, s10;
	s10 =	sshrl.u32 s12, $0x3  }
0xf: {  	s12 =	simm.s32 $0x2710;
	s16 =	sadd.s32 s16, s17;
	s17 =	simm.s32 $0x0  }
.LBB2_1:
0x10: {  	[spmem:s10], [sflag:s6] =	dma.local [hbm:s5], $0x2780  }
0x11: {  	_ =	swait.ge [sflag:s11], $0x2780  }
0x12: {  	[sflag:s11] =	ssyncset.done $0x0  }
0x13: {  	[sflag:s11] =	ssyncadd.s32 $0xFFFFD880  }
0x14: {  	[tilespmem:s4], [sflag:$0x2] =	stream.linear.gather [hbm4b:s7+s4], $0x2710, $0x38;
	[tilespmem:$0x1B220] =	vst v63  }
0x15: {  	_ =	swait.ge [sflag:s11], $0x2710  }
0x16: {  	[sflag:s11] =	ssyncset.done $0x0  }
0x17: {  	[sflag:s11] =	ssyncadd.s32 $0xFFFFD8F0  }
0x18: {  	[tilespmem:s12], [sflag:$0x2] =	stream.linear.gather [hbm4b:s8+s4], $0x2710, $0x38;
	[tilespmem:$0x1B220] =	vst v63  }
0x19: {  	_ =	swait.ge [sflag:s11], $0x2710  }
0x1a: {  	[sflag:s11] =	ssyncset.done $0x0  }
0x1b: {  	[sflag:s11] =	ssyncadd.s32 $0xFFFFD8F0  }
0x1c: {  	s18 =	simm.s32 $0x0;
	[bflag:$0x0] =	sbarrier.arrive $0xFFFF  }
0x1d: {  	[tilespmem:s14], [sflag:$0x1] =	stream.indirect.gather [hbm4b:s1+s13], $0x80, s18, s13, $0xb8;
	[tilespmem:$0x1B220] =	vst v63  }
0x1e: {  	_ =	swait.ge [sflag:s15], $0x2800  }
0x1f: {  	[sflag:s15] =	ssyncset.done $0x0  }
0x20: {  	s31 =	simm.s32 $0x2710;
	[sflag:s15] =	ssyncadd.s32 $0xFFFFD800  }
0x21: {  	[spmem:s3] =	stream.indirect.scatter.add.f32 [tilespmem:s14], [sflag:$0x2], $0x80, s31, s13, $0xb8;
	[tilespmem:$0x1B220] =	vst v63  }
0x22: {  	_ =	swait.ge [sflag:s11], $0x2800  }
0x23: {  	s19 =	simm.s32 $0x280;
	s18 =	simm.s32 $0x140;
	[sflag:s11] =	ssyncset.done $0x0  }
.LBB2_2:
0x24: {  	s20 =	sshra.s32 s18, $0x2  }
0x25: {  	[sflag:s11] =	ssyncadd.s32 $0xFFFFD800;
	s18 =	smov.u32 s19;
	s21 =	sadd.s32 $0x140, s19  }
0x26: {  	[tilespmem:s14], [sflag:$0x1] =	stream.indirect.gather [hbm4b:s1+s13], $0x80, s20, s13, $0xb8;
	[tilespmem:$0x1B220] =	vst v63  }
0x27: {  	p0 =	sne.s32 s19, $0x9B00;
	_ =	swait.ge [sflag:s15], $0x2800  }
.Ltmp0:
0x28: {  	[sflag:s15] =	ssyncset.done $0x0;
	(pc) =	sbr.rel @p0 .LBB2_2-.Ltmp0, $4  }
0x29: {  	s19 =	sadd.s32 $0x2710, s20;
	[sflag:s15] =	ssyncadd.s32 $0xFFFFD800  }
0x2a: {  	[spmem:s3] =	stream.indirect.scatter.add.f32 [tilespmem:s14], [sflag:$0x2], $0x80, s19, s13, $0xb8;
	[tilespmem:$0x1B220] =	vst v63  }
0x2b: {  	_ =	swait.ge [sflag:s11], $0x2800  }
0x2c: {  	s19 =	smov.u32 s21;
	[sflag:s11] =	ssyncset.done $0x0  }
0x2d: {  	s18 =	sshra.s32 s18, $0x2;
	[sflag:s11] =	ssyncadd.s32 $0xFFFFD800  }
0x2e: {  	[tilespmem:s14], [sflag:$0x1] =	stream.indirect.gather [hbm4b:s1+s13], $0x80, s18, s13, $0xb8;
	[tilespmem:$0x1B220] =	vst v63  }
0x2f: {  	_ =	swait.ge [sflag:s15], $0x2800  }
0x30: {  	[sflag:s15] =	ssyncset.done $0x0  }
0x31: {  	s18 =	sadd.s32 $0x2710, s18;
	[sflag:s15] =	ssyncadd.s32 $0xFFFFD800  }
0x32: {  	[spmem:s3] =	stream.indirect.scatter.add.f32 [tilespmem:s14], [sflag:$0x2], $0x80, s18, s13, $0xb8;
	[tilespmem:$0x1B220] =	vst v63  }
0x33: {  	_ =	swait.ge [sflag:s11], $0x2800  }
0x34: {  	s17 =	sadd.s32 $0x1, s17;
	[sflag:s11] =	ssyncset.done $0x0  }
0x35: {  	p0 =	sne.s32 s17, s9;
	[sflag:s11] =	ssyncadd.s32 $0xFFFFD800  }
.Ltmp1:
0x36: {  	[bflag:$0x0] =	sbarrier.arrive $0xFFFF;
	(pc) =	sbr.rel @p0 .LBB2_1-.Ltmp1, $4  }
0x37: {  	[hbm:s16], [sflag:s6] =	dma.local [spmem:s10], $0x2780  }
0x38: {  	_ =	swait.ge [sflag:s11], $0x2780  }
0x39: {  	[sflag:s11] =	ssyncset.done $0x0  }
0x3a: {  	[sflag:s11] =	ssyncadd.s32 $0xFFFFD880  }
0x3b: {  	_ =	sfence.sel $0x180000  }
0x3c: {  	[bflag:$0x0] =	sbarrier.arrive $0xFFFF  }
0x3d: {  	p0 =	sne.s32 s2, $0x0;
	_ =	strace $0x90000047  }
0x3e: {  	s0 =	sadd.s32 @!p0 $0x100000, s0;
	[bflag:$0x2] =	sbarrier.arrive $0xFFFF  }
0x3f: {  	[sflag:s0] =	ssyncadd.tile.s32 @!p0 $0x1;
	_ =	shalt  }
.Lfunc_end2:
_tile_overlayer_lowered:
.L_overlay_start_2:
0x40: {  	(tag) =	ssettag $0x2  }
0x41: {  	s0 =	rddreg [dreg:$0x0];
	s2 =	stileid.u32  }
0x42: {  	s1 =	rddreg [dreg:$0x1];
	p0 =	sne.s32 s2, $0x0  }
0x43: {  	s3 =	rddreg [dreg:$0x2];
	[bflag:$0x3] =	sbarrier.arrive $0xFFFF;
	s2 =	simm.s32 @!p0 $0x1C02  }
0x44: {  	[timem:s3], [sflag:s2] =	dma.local @!p0 [hbm:s0], s1  }
0x45: {  	s0 =	simm.s32 @!p0 $0x2  }
0x46: {  	_ =	swait.ge @!p0 [sflag:s0], s1  }
0x47: {  	s1 =	ssub.s32 @!p0 $0x0, s1;
	[sflag:s0] =	ssyncset.done @!p0 $0x0  }
0x48: {  	[sflag:s0] =	ssyncadd.s32 @!p0 s1  }
0x49: {  	[bflag:$0x3] =	sbarrier.arrive $0xFFFF  }
0x4a: {  	_ =	shalt  }

// kernel: kernel.9.cloned.1.call-start
scs
__scs_entry_jumppad:
0x0: {  	(pc) =	sbr.rel $0x88, $3  }
0x1: {  	(tag) =	ssettag $0x0;
	lr =	simm.s32 $0x1  }
0x2: {  	[smem:$0x3F99] =	sst lr;
	_ =	strace $0xD0000000  }
0x3: {  	_ = 	snop  }
0x4: {  	_ = 	snop  }
0x5: {  	_ = 	snop  }
0x6: {  	_ = 	snop  }
0x7: {  	_ = 	snop  }
__scs_overlays_trampoline_lowered:
0x8: {  	[smem:$0x3FA8] =	sst s0  }
0x9: {  	[smem:$0x3FA9] =	sst s1  }
0xa: {  	[smem:$0x3FAA] =	sst s2  }
0xb: {  	[smem:$0x3FAB] =	sst s3  }
0xc: {  	[smem:$0x3FAC] =	sst s4  }
0xd: {  	[smem:$0x3FAD] =	sst s5  }
0xe: {  	[smem:$0x3FAE] =	sst s6  }
0xf: {  	[smem:$0x3FAF] =	sst s7  }
0x10: {  	[smem:$0x3FB0] =	sst s8  }
0x11: {  	[smem:$0x3FB1] =	sst s9;
	s0 =	simm.s32 @!p0 $0x0  }
0x12: {  	s1 =	sld [smem:$0x3F97];
	s0 =	simm.s32 @p0 $0x1  }
0x13: {  	[smem:$0x3FB2] =	sst s0;
	s0 =	simm.s32 @!p1 $0x0  }
0x14: {  	s2 =	sld [smem:$0x3F96];
	s0 =	simm.s32 @p1 $0x1  }
0x15: {  	[smem:$0x3FB3] =	sst s0;
	s0 =	simm.s32 @!p2 $0x0  }
0x16: {  	s3 =	sld [smem:$0x3FDB];
	s0 =	simm.s32 @p2 $0x1  }
0x17: {  	s4 =	simm.s32 $0x1BF5;
	[smem:$0x3FB5] =	sst s0  }
0x18: {  	s0 =	sld [smem:$0x3F98];
	_ =	swait.ge [sflag:s4], $0x0  }
0x19: {  	s7 =	sld [smem:$0x3F99]  }
0x1a: {  	s8 =	sadd.s32 $0xFFFFE003, lr  }
0x1b: {  	s9 =	sadd.s32 $0xFFFFFEF7, lr;
	s5 =	simm.s32 $0xFFFFFFFF;
	p2 =	slt.u32 s8, $0xFFFFF086  }
0x1c: {  	p1 =	slt.u32 s9, $0xF7A;
	s5 =	simm.s32 @!p2 $0x0  }
0x1d: {  	s5 =	simm.s32 @p1 $0x1;
	p0 =	seq.s32 s7, s2  }
0x1e: {  	s7 =	smul.u32 @!p0 $0xF7A, s2;
	p2 =	seq.s32 @!p0 s5, $0x0  }
0x1f: {  	s9 =	smul.u32 $0xF7A, s1;
	s8 =	simm.s32 @!p0 $0x1BF5;
	p2 =	por !p2, p0  }
0x20: {  	[sflag:s8] =	ssyncset.s32 @!p0 $0xFFFFF086;
	s6 =	sadd.s32 @!p0 s3, s7;
	s7 =	simm.s32 @!p0 $0x108  }
0x21: {  	s3 =	sadd.s32 s3, s9;
	s6 =	sadd.s32 @!p0 $0x88, s6;
	s7 =	simm.s32 @p2 $0x1082  }
0x22: {  	[simem:s7], [sflag:s8] =	dma.local @!p0 [hbm:s6], $0xF7A  }
0x23: {  	s9 =	sor.u32 $0xD0000000, s2;
	s6 =	simm.s32 $0x108;
	_ =	swait.ge @!p0 [sflag:s8], $0x0  }
0x24: {  	s3 =	sadd.s32 $0x88, s3;
	s6 =	simm.s32 @!p1 $0x1082;
	[sflag:s4] =	ssyncset.s32 $0xFFFFF086  }
0x25: {  	[simem:s6], [sflag:s4] =	dma.local [hbm:s3], $0xF7A  }
0x26: {  	[smem:$0x3F99] =	sst s1;
	(tag) =	ssettag s2;
	_ =	strace s9  }
0x27: {  	s1 =	sld [smem:$0x3FA9]  }
0x28: {  	s2 =	sld [smem:$0x3FAA]  }
0x29: {  	s4 =	sld [smem:$0x3FAC]  }
0x2a: {  	p0 =	seq.s32 s5, $0x0;
	s5 =	sld [smem:$0x3FAD]  }
0x2b: {  	s6 =	sld [smem:$0x3FAE]  }
0x2c: {  	s7 =	sld [smem:$0x3FAF]  }
0x2d: {  	s3 =	simm.s32 $0x108;
	s8 =	sld [smem:$0x3FB0]  }
0x2e: {  	s3 =	simm.s32 @!p0 $0x1082;
	s9 =	sld [smem:$0x3FB1]  }
0x2f: {  	lr =	sadd.s32 s0, s3;
	s0 =	sld [smem:$0x3FA8]  }
0x30: {  	s3 =	sld [smem:$0x3FAB]  }
0x31: {  	[smem:$0x3FB4] =	sst s10  }
0x32: {  	s10 =	sld [smem:$0x3FB2];
	_ =	sdelay $0x3  }
0x33: {  	p0 =	seq.s32 s10, $0x1;
	s10 =	sld [smem:$0x3FB4];
	_ =	sdelay $0x3  }
0x34: {  	[smem:$0x3FB4] =	sst s10  }
0x35: {  	s10 =	sld [smem:$0x3FB3];
	_ =	sdelay $0x3  }
0x36: {  	p1 =	seq.s32 s10, $0x1;
	s10 =	sld [smem:$0x3FB4];
	_ =	sdelay $0x3  }
0x37: {  	[smem:$0x3FB4] =	sst s10  }
0x38: {  	s10 =	sld [smem:$0x3FB5]  }
0x39: {  	_ = 	snop;
	(pc) =	sbr.ind lr, $3  }
0x3a: {  	_ = 	snop  }
0x3b: {  	_ = 	snop  }
0x3c: {  	p2 =	seq.s32 s10, $0x1;
	s10 =	sld [smem:$0x3FB4]  }
0x3d: {  	_ =	shalt  }
0x3e: {  	_ =	shalt  }
0x3f: {  	_ =	shalt  }
0x40: {  	_ =	shalt  }
0x41: {  	_ =	shalt  }
0x42: {  	_ =	shalt  }
0x43: {  	_ =	shalt  }
0x44: {  	_ =	shalt  }
0x45: {  	_ =	shalt  }
0x46: {  	_ =	shalt  }
0x47: {  	_ =	shalt  }
0x48: {  	_ =	shalt  }
0x49: {  	_ =	shalt  }
0x4a: {  	_ =	shalt  }
0x4b: {  	_ =	shalt  }
0x4c: {  	_ =	shalt  }
0x4d: {  	_ =	shalt  }
0x4e: {  	_ =	shalt  }
0x4f: {  	_ =	shalt  }
0x50: {  	_ =	shalt  }
0x51: {  	_ =	shalt  }
0x52: {  	_ =	shalt  }
0x53: {  	_ =	shalt  }
0x54: {  	_ =	shalt  }
0x55: {  	_ =	shalt  }
0x56: {  	_ =	shalt  }
0x57: {  	_ =	shalt  }
0x58: {  	_ =	shalt  }
0x59: {  	_ =	shalt  }
0x5a: {  	_ =	shalt  }
0x5b: {  	_ =	shalt  }
0x5c: {  	_ =	shalt  }
0x5d: {  	_ =	shalt  }
0x5e: {  	_ =	shalt  }
0x5f: {  	_ =	shalt  }
0x60: {  	_ =	shalt  }
0x61: {  	_ =	shalt  }
0x62: {  	_ =	shalt  }
0x63: {  	_ =	shalt  }
0x64: {  	_ =	shalt  }
0x65: {  	_ =	shalt  }
0x66: {  	_ =	shalt  }
0x67: {  	_ =	shalt  }
0x68: {  	_ =	shalt  }
0x69: {  	_ =	shalt  }
0x6a: {  	_ =	shalt  }
0x6b: {  	_ =	shalt  }
0x6c: {  	_ =	shalt  }
0x6d: {  	_ =	shalt  }
0x6e: {  	_ =	shalt  }
0x6f: {  	_ =	shalt  }
0x70: {  	_ =	shalt  }
0x71: {  	_ =	shalt  }
0x72: {  	_ =	shalt  }
0x73: {  	_ =	shalt  }
0x74: {  	_ =	shalt  }
0x75: {  	_ =	shalt  }
0x76: {  	_ =	shalt  }
0x77: {  	_ =	shalt  }
0x78: {  	_ =	shalt  }
0x79: {  	_ =	shalt  }
0x7a: {  	_ =	shalt  }
0x7b: {  	_ =	shalt  }
0x7c: {  	_ =	shalt  }
0x7d: {  	_ =	shalt  }
0x7e: {  	_ =	shalt  }
0x7f: {  	_ =	shalt  }
0x80: {  	_ =	shalt  }
0x81: {  	_ =	shalt  }
0x82: {  	_ =	shalt  }
0x83: {  	_ =	shalt  }
0x84: {  	_ =	shalt  }
0x85: {  	_ =	shalt  }
0x86: {  	_ =	shalt  }
0x87: {  	_ =	shalt  }
.Lfunc_end0:
.L_simem_size_0:
called_computation.1_lowered:
.L_overlay_start_0:
0x88: {  	s2 =	sld [smem:$0x3FD9]  }
0x89: {  	s3 =	sld [smem:$0x3FFE];
	_ =	sdelay $0x1  }
0x8a: {  	s1 =	srdreg.scid  }
0x8b: {  	s0 =	sand.u32 $0x1, s1  }
0x8c: {  	s17 =	sshll.u32 s0, $0xA;
	s2 =	sadd.s32 s3, s2  }
0x8d: {  	s2 =	sadd.s32 s2, s17  }
0x8e: {  	[smem:$0x3FC0] =	sst s2  }
0x8f: {  	_ = 	snop  }
0x90: {  	s2 =	sld [smem:$0x3FD0];
	(tm) =	ssettm $0x1  }
0x91: {  	s18 =	sld [smem:$0x3FFB];
	_ =	sdelay $0x3  }
0x92: {  	_ =	strace s18  }
0x93: {  	s3 =	sld [smem:$0x3FFC];
	_ =	sdelay $0x3  }
0x94: {  	_ =	strace s3  }
0x95: {  	s3 =	sld [smem:$0x3FFD];
	_ =	sdelay $0x3  }
0x96: {  	_ =	strace s3  }
0x97: {  	_ =	strace $0x8FFFFFFF  }
0x98: {  	s19 =	sld [smem:$0x3FDB];
	_ =	sdelay $0x1  }
0x99: {  	s4 =	simm.s32 $_scs_section_size  }
0x9a: {  	s5 =	simm.s32 $_size__tile_overlayer_lowered;
	s6 =	simm.s32 $_tile_overlayer_lowered  }
0x9b: {  	s22 =	simm.s32 $0x1BFF;
	s21 =	sshll.u32 s6, $0x1;
	s3 =	sadd.s32 s4, s19  }
0x9c: {  	s7 =	simm.s32 $0x0;
	s20 =	sshll.u32 s5, $0x1;
	s5 =	sadd.s32 s21, s3  }
0x9d: {  	[timem:s7], [sflag:s22] =	dma.local [hbm:s5], s20  }
0x9e: {  	_ =	swait.ge [sflag:s22], s20  }
0x9f: {  	s4 =	ssub.s32 $0x0, s20;
	[sflag:s22] =	ssyncset.done $0x0  }
0xa0: {  	[sflag:s22] =	ssyncadd.s32 s4;
	_ =	sdelay $0x1  }
0xa1: {  	s23 =	simm.s32 $0x1B8B  }
0xa2: {  	_ =	swait.ge [sflag:s23], $0x1  }
0xa3: {  	[sflag:s23] =	ssyncset.done $0x0  }
0xa4: {  	s25 =	simm.s32 $0x1B8E;
	s24 =	sld [smem:$0x3FFE];
	[sflag:s23] =	ssyncadd.s32 $0xFFFFFFFF  }
0xa5: {  	s26 =	simm.s32 $execute0_lowered;
	[smem:$0x3FD2] =	sst s25  }
0xa6: {  	s5 =	sshll.u32 s26, $0x1;
	_ =	strace $0x80000049;
	[dreg:$0x1] =	wrdreg $0xFFFFFFFF  }
0xa7: {  	s28 =	simm.s32 $_size_execute0_lowered;
	s3 =	sadd.s32 s3, s5;
	[dreg:$0x0] =	wrdreg $0x0  }
0xa8: {  	s5 =	sshll.u32 s28, $0x1;
	[dreg:$0x2] =	wrdreg s3  }
0xa9: {  	[dreg:$0x3] =	wrdreg s5  }
0xaa: {  	[dreg:$0x4] =	wrdreg $0xC0  }
0xab: {  	_ =	task [dreg:s7], $0x5FFFF  }
0xac: {  	[dreg:$0x1] =	wrdreg $0xFFFFFFFF  }
0xad: {  	[dreg:$0x0] =	wrdreg $0x60  }
0xae: {  	[dreg:$0x2] =	wrdreg s24  }
0xaf: {  	[dreg:$0x3] =	wrdreg s2  }
0xb0: {  	[dreg:$0x4] =	wrdreg $0x8CA00  }
0xb1: {  	[dreg:$0x5] =	wrdreg $0x9  }
0xb2: {  	_ =	task.clear_ibuf [dreg:s7], $0x6FFFF;
	_ =	strace $0x90000049  }
0xb3: {  	s29 =	simm.s32 $0x9;
	_ =	strace $0x8000004B  }
0xb4: {  	_ =	swait.ge [sflag:s29], $0x1  }
0xb5: {  	[sflag:s29] =	ssyncadd.s32 $0xFFFFFFFF  }
0xb6: {  	_ =	strace $0x9000004B  }
0xb7: {  	_ =	sfence  }
0xb8: {  	s30 =	sld [smem:$0x0];
	_ =	sdelay $0x2  }
0xb9: {  	s31 =	sshll.u32 s1, $0xD;
	s1 =	sshrl.u32 s1, $0x2  }
0xba: {  	s3 =	sand.u32 $0x4000, s31;
	s1 =	sadd.s32 s1, s30  }
0xbb: {  	s0 =	sor.u32 s3, s0;
	s1 =	sshll.u32 s1, $0x11  }
0xbc: {  	s0 =	sor.u32 s1, s0  }
0xbd: {  	s0 =	sadd.s32 $0x8F2B, s0  }
0xbe: {  	[sflag:s0] =	ssyncadd.remote.s32 $0x1  }
0xbf: {  	_ =	sfence.sel $0xFFFF  }
0xc0: {  	[dreg:$0x0] =	wrdreg $0xFFFFFFFF;
	(pc) =	sbr.abs _section_cstart, $3  }
0xc1: {  	[dreg:$0x1] =	wrdreg $0xFFFFFFFF  }
0xc2: {  	_ =	task.clear_ibuf [dreg:s7], $0x2FFFF;
	_ =	strace $0x9FFFFFFF  }
0xc3: {  	(tm) =	ssettm $0x7FFFFFFF  }
tec
execute0_lowered:
.L_overlay_start_1:
0x0: {  	(tag) =	ssettag $0x1  }
0x1: {  	s0 =	rddreg [dreg:$0x0]  }
0x2: {  	s1 =	rddreg [dreg:$0x1];
	s3 =	srdreg.scid  }
0x3: {  	s8 =	stileid.u32;
	s2 =	rddreg [dreg:$0x2]  }
0x4: {  	s5 =	simm.s32 $0x0;
	s3 =	sand.u32 $0x1, s3;
	s4 =	sshll.u32 s8, $0x1  }
0x5: {  	[smem:$0x7FF] =	sst s5;
	s7 =	smul.u32 $0x13C0, s8;
	s8 =	sshll.u32 s8, $0x6  }
0x6: {  	s4 =	sor.u32 s3, s4;
	_ =	strace $0x8000004A;
	s6 =	smul.u32 $0x2780, s3  }
0x7: {  	s3 =	ssub.s32 $0x2, s3;
	s9 =	sor.u32 $0x1C1A, s8;
	s25 =	smul.u32 $0x4E2, s4  }
0x8: {  	s4 =	sadd.s32 $0x1F000, s0;
	s26 =	sshrl.u32 s3, $0x1;
	s28 =	sshrl.u32 s7, $0x3  }
0x9: {  	s7 =	sadd.s32 s7, s2;
	[dreg:$0x5] =	wrdreg s9;
	s1 =	sadd.s32 s1, s28  }
0xa: {  	s3 =	ssub.s32 s3, s26;
	s10 =	sshrl.u32 s7, $0x3;
	[dreg:$0x4] =	wrdreg s1  }
0xb: {  	s5 =	sadd.s32 s25, s0;
	s31 =	smax.u32 s3, $0x1;
	[dreg:$0x9] =	wrdreg s10  }
0xc: {  	s0 =	sadd.s32 s6, s0;
	s29 =	sadd.s32 $0x15200, s5;
	[dreg:$0x8] =	wrdreg s31  }
0xd: {  	s30 =	sadd.s32 $0x1600, s5;
	s0 =	sadd.s32 $0xB400, s0;
	[dreg:$0x6] =	wrdreg s29  }
0xe: {  	s11 =	simm.s32 $0x1A;
	[dreg:$0x7] =	wrdreg s30;
	s0 =	sadd.s32 s28, s0  }
0xf: {  	s13 =	simm.s32 $0x50;
	[dreg:$0xa] =	wrdreg s0;
	s0 =	simm.s32 $0x0  }
.LBB2_1:
0x10: {  	[dreg:$0xb] =	wrdreg s0  }
0x11: {  	s6 =	rddreg [dreg:$0x4]  }
0x12: {  	[spmem:s10], [sflag:s9] =	dma.local [hbm:s6], $0x278  }
0x13: {  	_ =	swait.ge [sflag:s11], $0x278  }
0x14: {  	[sflag:s11] =	ssyncset.done $0x0  }
0x15: {  	s3 =	simm.s32 $0x0;
	s5 =	rddreg [dreg:$0x6];
	[sflag:s11] =	ssyncadd.s32 $0xFFFFFD88  }
0x16: {  	[tilespmem:s3], [sflag:$0x1A] =	stream.linear.gather [hbm4b:s5+s3], $0x2710, $0x38;
	[tilespmem:$0xA060] =	vst v63  }
0x17: {  	_ =	swait.ge [sflag:s11], $0x2710  }
0x18: {  	[sflag:s11] =	ssyncset.done $0x0  }
0x19: {  	s8 =	simm.s32 $0x2710;
	s7 =	rddreg [dreg:$0x7];
	[sflag:s11] =	ssyncadd.s32 $0xFFFFD8F0  }
0x1a: {  	[tilespmem:s8], [sflag:$0x1A] =	stream.linear.gather [hbm4b:s7+s3], $0x2710, $0x38;
	[tilespmem:$0xA060] =	vst v63  }
0x1b: {  	_ =	swait.ge [sflag:s11], $0x2710  }
0x1c: {  	[sflag:s11] =	ssyncset.done $0x0  }
0x1d: {  	[sflag:s11] =	ssyncadd.s32 $0xFFFFD8F0  }
0x1e: {  	s12 =	simm.s32 $0x0;
	s9 =	simm.s32 $0x4E20;
	[bflag:$0x0] =	sbarrier.arrive $0xFFFF  }
0x1f: {  	[tilespmem:s9], [sflag:$0x1] =	stream.indirect.gather [hbm4b:s4+s13], $0x8, s12, s13, $0xb8;
	[tilespmem:$0xA060] =	vst v63  }
0x20: {  	s14 =	simm.s32 $0x50;
	s10 =	simm.s32 $0x50A0  }
0x21: {  	[tilespmem:s10], [sflag:$0x2] =	stream.indirect.gather [hbm4b:s4+s13], $0x8, s14, s13, $0xb8;
	[tilespmem:$0xA060] =	vst v63  }
0x22: {  	s15 =	simm.s32 $0xA0;
	s14 =	simm.s32 $0x5320  }
0x23: {  	[tilespmem:s14], [sflag:$0x3] =	stream.indirect.gather [hbm4b:s4+s13], $0x8, s15, s13, $0xb8;
	[tilespmem:$0xA060] =	vst v63  }
0x24: {  	s16 =	simm.s32 $0xF0;
	s15 =	simm.s32 $0x55A0  }
0x25: {  	[tilespmem:s15], [sflag:$0x4] =	stream.indirect.gather [hbm4b:s4+s13], $0x8, s16, s13, $0xb8;
	[tilespmem:$0xA060] =	vst v63  }
0x26: {  	s17 =	simm.s32 $0x140;
	s16 =	simm.s32 $0x5820  }
0x27: {  	[tilespmem:s16], [sflag:$0x5] =	stream.indirect.gather [hbm4b:s4+s13], $0x8, s17, s13, $0xb8;
	[tilespmem:$0xA060] =	vst v63  }
0x28: {  	s18 =	simm.s32 $0x190;
	s17 =	simm.s32 $0x5AA0  }
0x29: {  	[tilespmem:s17], [sflag:$0x6] =	stream.indirect.gather [hbm4b:s4+s13], $0x8, s18, s13, $0xb8;
	[tilespmem:$0xA060] =	vst v63  }
0x2a: {  	s19 =	simm.s32 $0x1E0;
	s18 =	simm.s32 $0x5D20  }
0x2b: {  	[tilespmem:s18], [sflag:$0x7] =	stream.indirect.gather [hbm4b:s4+s13], $0x8, s19, s13, $0xb8;
	[tilespmem:$0xA060] =	vst v63  }
0x2c: {  	s20 =	simm.s32 $0x230;
	s19 =	simm.s32 $0x5FA0  }
0x2d: {  	[tilespmem:s19], [sflag:$0x8] =	stream.indirect.gather [hbm4b:s4+s13], $0x8, s20, s13, $0xb8;
	[tilespmem:$0xA060] =	vst v63  }
0x2e: {  	s21 =	simm.s32 $0x280;
	s20 =	simm.s32 $0x6220  }
0x2f: {  	[tilespmem:s20], [sflag:$0x9] =	stream.indirect.gather [hbm4b:s4+s13], $0x8, s21, s13, $0xb8;
	[tilespmem:$0xA060] =	vst v63  }
0x30: {  	s22 =	simm.s32 $0x2D0;
	s21 =	simm.s32 $0x64A0  }
0x31: {  	[tilespmem:s21], [sflag:$0xA] =	stream.indirect.gather [hbm4b:s4+s13], $0x8, s22, s13, $0xb8;
	[tilespmem:$0xA060] =	vst v63  }
0x32: {  	s23 =	simm.s32 $0x320;
	s22 =	simm.s32 $0x6720  }
0x33: {  	[tilespmem:s22], [sflag:$0xB] =	stream.indirect.gather [hbm4b:s4+s13], $0x8, s23, s13, $0xb8;
	[tilespmem:$0xA060] =	vst v63  }
0x34: {  	s24 =	simm.s32 $0x370;
	s23 =	simm.s32 $0x69A0  }
0x35: {  	[tilespmem:s23], [sflag:$0xC] =	stream.indirect.gather [hbm4b:s4+s13], $0x8, s24, s13, $0xb8;
	[tilespmem:$0xA060] =	vst v63  }
0x36: {  	s25 =	simm.s32 $0x3C0;
	s24 =	simm.s32 $0x6C20  }
0x37: {  	[tilespmem:s24], [sflag:$0xD] =	stream.indirect.gather [hbm4b:s4+s13], $0x8, s25, s13, $0xb8;
	[tilespmem:$0xA060] =	vst v63  }
0x38: {  	s26 =	simm.s32 $0x410;
	s25 =	simm.s32 $0x6EA0  }
0x39: {  	[tilespmem:s25], [sflag:$0xE] =	stream.indirect.gather [hbm4b:s4+s13], $0x8, s26, s13, $0xb8;
	[tilespmem:$0xA060] =	vst v63  }
0x3a: {  	s28 =	simm.s32 $0x460;
	s26 =	simm.s32 $0x7120  }
0x3b: {  	[tilespmem:s26], [sflag:$0xF] =	stream.indirect.gather [hbm4b:s4+s13], $0x8, s28, s13, $0xb8;
	[tilespmem:$0xA060] =	vst v63  }
0x3c: {  	s29 =	simm.s32 $0x4B0;
	s28 =	simm.s32 $0x73A0  }
0x3d: {  	[tilespmem:s28], [sflag:$0x10] =	stream.indirect.gather [hbm4b:s4+s13], $0x8, s29, s13, $0xb8;
	[tilespmem:$0xA060] =	vst v63  }
0x3e: {  	s30 =	simm.s32 $0x500;
	s1 =	simm.s32 $0x7620  }
0x3f: {  	[tilespmem:s1], [sflag:$0x11] =	stream.indirect.gather [hbm4b:s4+s13], $0x8, s30, s13, $0xb8;
	[tilespmem:$0xA060] =	vst v63  }
0x40: {  	s31 =	simm.s32 $0x550;
	s0 =	simm.s32 $0x78A0  }
0x41: {  	[tilespmem:s0], [sflag:$0x12] =	stream.indirect.gather [hbm4b:s4+s13], $0x8, s31, s13, $0xb8;
	[tilespmem:$0xA060] =	vst v63  }
0x42: {  	s3 =	simm.s32 $0x5A0;
	s12 =	simm.s32 $0x7B20  }
0x43: {  	[tilespmem:s12], [sflag:$0x13] =	stream.indirect.gather [hbm4b:s4+s13], $0x8, s3, s13, $0xb8;
	[tilespmem:$0xA060] =	vst v63  }
0x44: {  	s5 =	simm.s32 $0x5F0;
	s3 =	simm.s32 $0x7DA0  }
0x45: {  	[tilespmem:s3], [sflag:$0x14] =	stream.indirect.gather [hbm4b:s4+s13], $0x8, s5, s13, $0xb8;
	[tilespmem:$0xA060] =	vst v63  }
0x46: {  	s7 =	simm.s32 $0x640;
	s5 =	simm.s32 $0x8020  }
0x47: {  	[tilespmem:s5], [sflag:$0x15] =	stream.indirect.gather [hbm4b:s4+s13], $0x8, s7, s13, $0xb8;
	[tilespmem:$0xA060] =	vst v63  }
0x48: {  	s8 =	simm.s32 $0x690;
	s7 =	simm.s32 $0x82A0  }
0x49: {  	[tilespmem:s7], [sflag:$0x16] =	stream.indirect.gather [hbm4b:s4+s13], $0x8, s8, s13, $0xb8;
	[tilespmem:$0xA060] =	vst v63  }
0x4a: {  	s29 =	simm.s32 $0x6E0;
	s8 =	simm.s32 $0x8520  }
0x4b: {  	[tilespmem:s8], [sflag:$0x17] =	stream.indirect.gather [hbm4b:s4+s13], $0x8, s29, s13, $0xb8;
	[tilespmem:$0xA060] =	vst v63  }
0x4c: {  	s30 =	simm.s32 $0x730;
	s29 =	simm.s32 $0x87A0  }
0x4d: {  	[tilespmem:s29], [sflag:$0x18] =	stream.indirect.gather [hbm4b:s4+s13], $0x8, s30, s13, $0xb8;
	[tilespmem:$0xA060] =	vst v63  }
0x4e: {  	s31 =	simm.s32 $0x780;
	s30 =	simm.s32 $0x8A20  }
0x4f: {  	[tilespmem:s30], [sflag:$0x19] =	stream.indirect.gather [hbm4b:s4+s13], $0x8, s31, s13, $0xb8;
	[tilespmem:$0xA060] =	vst v63  }
0x50: {  	s31 =	simm.s32 $0x1  }
0x51: {  	_ =	swait.ge [sflag:s31], $0x280  }
0x52: {  	[sflag:s31] =	ssyncset.done $0x0  }
0x53: {  	[sflag:s31] =	ssyncadd.s32 $0xFFFFFD80;
	s31 =	simm.s32 $0x2710  }
0x54: {  	[spmem:s2] =	stream.indirect.scatter.add.f32 [tilespmem:s9], [sflag:$0x1A], $0x8, s31, s13, $0xb8;
	[tilespmem:$0xA060] =	vst v63  }
0x55: {  	_ =	swait.ge [sflag:s11], $0x280  }
0x56: {  	[sflag:s11] =	ssyncset.done $0x0  }
0x57: {  	s9 =	simm.s32 $0x2;
	[sflag:s11] =	ssyncadd.s32 $0xFFFFFD80  }
0x58: {  	_ =	swait.ge [sflag:s9], $0x280  }
0x59: {  	[sflag:s9] =	ssyncset.done $0x0  }
0x5a: {  	s31 =	simm.s32 $0x2760;
	[sflag:s9] =	ssyncadd.s32 $0xFFFFFD80  }
0x5b: {  	[spmem:s2] =	stream.indirect.scatter.add.f32 [tilespmem:s10], [sflag:$0x1A], $0x8, s31, s13, $0xb8;
	[tilespmem:$0xA060] =	vst v63  }
0x5c: {  	_ =	swait.ge [sflag:s11], $0x280  }
0x5d: {  	[sflag:s11] =	ssyncset.done $0x0  }
0x5e: {  	s9 =	simm.s32 $0x3;
	[sflag:s11] =	ssyncadd.s32 $0xFFFFFD80  }
0x5f: {  	_ =	swait.ge [sflag:s9], $0x280  }
0x60: {  	[sflag:s9] =	ssyncset.done $0x0  }
0x61: {  	s10 =	simm.s32 $0x27B0;
	[sflag:s9] =	ssyncadd.s32 $0xFFFFFD80  }
0x62: {  	[spmem:s2] =	stream.indirect.scatter.add.f32 [tilespmem:s14], [sflag:$0x1A], $0x8, s10, s13, $0xb8;
	[tilespmem:$0xA060] =	vst v63  }
0x63: {  	_ =	swait.ge [sflag:s11], $0x280  }
0x64: {  	[sflag:s11] =	ssyncset.done $0x0  }
0x65: {  	s14 =	simm.s32 $0x4;
	[sflag:s11] =	ssyncadd.s32 $0xFFFFFD80  }
0x66: {  	_ =	swait.ge [sflag:s14], $0x280  }
0x67: {  	[sflag:s14] =	ssyncset.done $0x0  }
0x68: {  	s31 =	simm.s32 $0x2800;
	[sflag:s14] =	ssyncadd.s32 $0xFFFFFD80  }
0x69: {  	[spmem:s2] =	stream.indirect.scatter.add.f32 [tilespmem:s15], [sflag:$0x1A], $0x8, s31, s13, $0xb8;
	[tilespmem:$0xA060] =	vst v63  }
0x6a: {  	_ =	swait.ge [sflag:s11], $0x280  }
0x6b: {  	[sflag:s11] =	ssyncset.done $0x0  }
0x6c: {  	s9 =	simm.s32 $0x5;
	[sflag:s11] =	ssyncadd.s32 $0xFFFFFD80  }
0x6d: {  	_ =	swait.ge [sflag:s9], $0x280  }
0x6e: {  	[sflag:s9] =	ssyncset.done $0x0  }
0x6f: {  	s10 =	simm.s32 $0x2850;
	[sflag:s9] =	ssyncadd.s32 $0xFFFFFD80  }
0x70: {  	[spmem:s2] =	stream.indirect.scatter.add.f32 [tilespmem:s16], [sflag:$0x1A], $0x8, s10, s13, $0xb8;
	[tilespmem:$0xA060] =	vst v63  }
0x71: {  	_ =	swait.ge [sflag:s11], $0x280  }
0x72: {  	[sflag:s11] =	ssyncset.done $0x0  }
0x73: {  	s14 =	simm.s32 $0x6;
	[sflag:s11] =	ssyncadd.s32 $0xFFFFFD80  }
0x74: {  	_ =	swait.ge [sflag:s14], $0x280  }
0x75: {  	[sflag:s14] =	ssyncset.done $0x0  }
0x76: {  	s15 =	simm.s32 $0x28A0;
	[sflag:s14] =	ssyncadd.s32 $0xFFFFFD80  }
0x77: {  	[spmem:s2] =	stream.indirect.scatter.add.f32 [tilespmem:s17], [sflag:$0x1A], $0x8, s15, s13, $0xb8;
	[tilespmem:$0xA060] =	vst v63  }
0x78: {  	_ =	swait.ge [sflag:s11], $0x280  }
0x79: {  	[sflag:s11] =	ssyncset.done $0x0  }
0x7a: {  	s16 =	simm.s32 $0x7;
	[sflag:s11] =	ssyncadd.s32 $0xFFFFFD80  }
0x7b: {  	_ =	swait.ge [sflag:s16], $0x280  }
0x7c: {  	[sflag:s16] =	ssyncset.done $0x0  }
0x7d: {  	s17 =	simm.s32 $0x28F0;
	[sflag:s16] =	ssyncadd.s32 $0xFFFFFD80  }
0x7e: {  	[spmem:s2] =	stream.indirect.scatter.add.f32 [tilespmem:s18], [sflag:$0x1A], $0x8, s17, s13, $0xb8;
	[tilespmem:$0xA060] =	vst v63  }
0x7f: {  	_ =	swait.ge [sflag:s11], $0x280  }
0x80: {  	[sflag:s11] =	ssyncset.done $0x0  }
0x81: {  	s18 =	simm.s32 $0x8;
	[sflag:s11] =	ssyncadd.s32 $0xFFFFFD80  }
0x82: {  	_ =	swait.ge [sflag:s18], $0x280  }
0x83: {  	[sflag:s18] =	ssyncset.done $0x0  }
0x84: {  	s31 =	simm.s32 $0x2940;
	[sflag:s18] =	ssyncadd.s32 $0xFFFFFD80  }
0x85: {  	[spmem:s2] =	stream.indirect.scatter.add.f32 [tilespmem:s19], [sflag:$0x1A], $0x8, s31, s13, $0xb8;
	[tilespmem:$0xA060] =	vst v63  }
0x86: {  	_ =	swait.ge [sflag:s11], $0x280  }
0x87: {  	[sflag:s11] =	ssyncset.done $0x0  }
0x88: {  	s9 =	simm.s32 $0x9;
	[sflag:s11] =	ssyncadd.s32 $0xFFFFFD80  }
0x89: {  	_ =	swait.ge [sflag:s9], $0x280  }
0x8a: {  	[sflag:s9] =	ssyncset.done $0x0  }
0x8b: {  	s10 =	simm.s32 $0x2990;
	[sflag:s9] =	ssyncadd.s32 $0xFFFFFD80  }
0x8c: {  	[spmem:s2] =	stream.indirect.scatter.add.f32 [tilespmem:s20], [sflag:$0x1A], $0x8, s10, s13, $0xb8;
	[tilespmem:$0xA060] =	vst v63  }
0x8d: {  	_ =	swait.ge [sflag:s11], $0x280  }
0x8e: {  	[sflag:s11] =	ssyncset.done $0x0  }
0x8f: {  	s14 =	simm.s32 $0xA;
	[sflag:s11] =	ssyncadd.s32 $0xFFFFFD80  }
0x90: {  	_ =	swait.ge [sflag:s14], $0x280  }
0x91: {  	[sflag:s14] =	ssyncset.done $0x0  }
0x92: {  	s15 =	simm.s32 $0x29E0;
	[sflag:s14] =	ssyncadd.s32 $0xFFFFFD80  }
0x93: {  	[spmem:s2] =	stream.indirect.scatter.add.f32 [tilespmem:s21], [sflag:$0x1A], $0x8, s15, s13, $0xb8;
	[tilespmem:$0xA060] =	vst v63  }
0x94: {  	_ =	swait.ge [sflag:s11], $0x280  }
0x95: {  	[sflag:s11] =	ssyncset.done $0x0  }
0x96: {  	s16 =	simm.s32 $0xB;
	[sflag:s11] =	ssyncadd.s32 $0xFFFFFD80  }
0x97: {  	_ =	swait.ge [sflag:s16], $0x280  }
0x98: {  	[sflag:s16] =	ssyncset.done $0x0  }
0x99: {  	s17 =	simm.s32 $0x2A30;
	[sflag:s16] =	ssyncadd.s32 $0xFFFFFD80  }
0x9a: {  	[spmem:s2] =	stream.indirect.scatter.add.f32 [tilespmem:s22], [sflag:$0x1A], $0x8, s17, s13, $0xb8;
	[tilespmem:$0xA060] =	vst v63  }
0x9b: {  	_ =	swait.ge [sflag:s11], $0x280  }
0x9c: {  	[sflag:s11] =	ssyncset.done $0x0  }
0x9d: {  	s18 =	simm.s32 $0xC;
	[sflag:s11] =	ssyncadd.s32 $0xFFFFFD80  }
0x9e: {  	_ =	swait.ge [sflag:s18], $0x280  }
0x9f: {  	[sflag:s18] =	ssyncset.done $0x0  }
0xa0: {  	s19 =	simm.s32 $0x2A80;
	[sflag:s18] =	ssyncadd.s32 $0xFFFFFD80  }
0xa1: {  	[spmem:s2] =	stream.indirect.scatter.add.f32 [tilespmem:s23], [sflag:$0x1A], $0x8, s19, s13, $0xb8;
	[tilespmem:$0xA060] =	vst v63  }
0xa2: {  	_ =	swait.ge [sflag:s11], $0x280  }
0xa3: {  	[sflag:s11] =	ssyncset.done $0x0  }
0xa4: {  	s20 =	simm.s32 $0xD;
	[sflag:s11] =	ssyncadd.s32 $0xFFFFFD80  }
0xa5: {  	_ =	swait.ge [sflag:s20], $0x280  }
0xa6: {  	[sflag:s20] =	ssyncset.done $0x0  }
0xa7: {  	s21 =	simm.s32 $0x2AD0;
	[sflag:s20] =	ssyncadd.s32 $0xFFFFFD80  }
0xa8: {  	[spmem:s2] =	stream.indirect.scatter.add.f32 [tilespmem:s24], [sflag:$0x1A], $0x8, s21, s13, $0xb8;
	[tilespmem:$0xA060] =	vst v63  }
0xa9: {  	_ =	swait.ge [sflag:s11], $0x280  }
0xaa: {  	[sflag:s11] =	ssyncset.done $0x0  }
0xab: {  	s22 =	simm.s32 $0xE;
	[sflag:s11] =	ssyncadd.s32 $0xFFFFFD80  }
0xac: {  	_ =	swait.ge [sflag:s22], $0x280  }
0xad: {  	[sflag:s22] =	ssyncset.done $0x0  }
0xae: {  	s23 =	simm.s32 $0x2B20;
	[sflag:s22] =	ssyncadd.s32 $0xFFFFFD80  }
0xaf: {  	[spmem:s2] =	stream.indirect.scatter.add.f32 [tilespmem:s25], [sflag:$0x1A], $0x8, s23, s13, $0xb8;
	[tilespmem:$0xA060] =	vst v63  }
0xb0: {  	_ =	swait.ge [sflag:s11], $0x280  }
0xb1: {  	[sflag:s11] =	ssyncset.done $0x0  }
0xb2: {  	s24 =	simm.s32 $0xF;
	[sflag:s11] =	ssyncadd.s32 $0xFFFFFD80  }
0xb3: {  	_ =	swait.ge [sflag:s24], $0x280  }
0xb4: {  	[sflag:s24] =	ssyncset.done $0x0  }
0xb5: {  	s25 =	simm.s32 $0x2B70;
	[sflag:s24] =	ssyncadd.s32 $0xFFFFFD80  }
0xb6: {  	[spmem:s2] =	stream.indirect.scatter.add.f32 [tilespmem:s26], [sflag:$0x1A], $0x8, s25, s13, $0xb8;
	[tilespmem:$0xA060] =	vst v63  }
0xb7: {  	_ =	swait.ge [sflag:s11], $0x280  }
0xb8: {  	[sflag:s11] =	ssyncset.done $0x0  }
0xb9: {  	s26 =	simm.s32 $0x10;
	[sflag:s11] =	ssyncadd.s32 $0xFFFFFD80  }
0xba: {  	_ =	swait.ge [sflag:s26], $0x280  }
0xbb: {  	[sflag:s26] =	ssyncset.done $0x0  }
0xbc: {  	s31 =	simm.s32 $0x2BC0;
	[sflag:s26] =	ssyncadd.s32 $0xFFFFFD80  }
0xbd: {  	[spmem:s2] =	stream.indirect.scatter.add.f32 [tilespmem:s28], [sflag:$0x1A], $0x8, s31, s13, $0xb8;
	[tilespmem:$0xA060] =	vst v63  }
0xbe: {  	_ =	swait.ge [sflag:s11], $0x280  }
0xbf: {  	[sflag:s11] =	ssyncset.done $0x0  }
0xc0: {  	s9 =	simm.s32 $0x11;
	[sflag:s11] =	ssyncadd.s32 $0xFFFFFD80  }
0xc1: {  	_ =	swait.ge [sflag:s9], $0x280  }
0xc2: {  	[sflag:s9] =	ssyncset.done $0x0  }
0xc3: {  	s10 =	simm.s32 $0x2C10;
	[sflag:s9] =	ssyncadd.s32 $0xFFFFFD80  }
0xc4: {  	[spmem:s2] =	stream.indirect.scatter.add.f32 [tilespmem:s1], [sflag:$0x1A], $0x8, s10, s13, $0xb8;
	[tilespmem:$0xA060] =	vst v63  }
0xc5: {  	_ =	swait.ge [sflag:s11], $0x280  }
0xc6: {  	[sflag:s11] =	ssyncset.done $0x0  }
0xc7: {  	s14 =	simm.s32 $0x12;
	[sflag:s11] =	ssyncadd.s32 $0xFFFFFD80  }
0xc8: {  	_ =	swait.ge [sflag:s14], $0x280  }
0xc9: {  	[sflag:s14] =	ssyncset.done $0x0  }
0xca: {  	s15 =	simm.s32 $0x2C60;
	[sflag:s14] =	ssyncadd.s32 $0xFFFFFD80  }
0xcb: {  	[spmem:s2] =	stream.indirect.scatter.add.f32 [tilespmem:s0], [sflag:$0x1A], $0x8, s15, s13, $0xb8;
	[tilespmem:$0xA060] =	vst v63  }
0xcc: {  	_ =	swait.ge [sflag:s11], $0x280  }
0xcd: {  	[sflag:s11] =	ssyncset.done $0x0  }
0xce: {  	s16 =	simm.s32 $0x13;
	[sflag:s11] =	ssyncadd.s32 $0xFFFFFD80  }
0xcf: {  	_ =	swait.ge [sflag:s16], $0x280  }
0xd0: {  	[sflag:s16] =	ssyncset.done $0x0  }
0xd1: {  	s17 =	simm.s32 $0x2CB0;
	[sflag:s16] =	ssyncadd.s32 $0xFFFFFD80  }
0xd2: {  	[spmem:s2] =	stream.indirect.scatter.add.f32 [tilespmem:s12], [sflag:$0x1A], $0x8, s17, s13, $0xb8;
	[tilespmem:$0xA060] =	vst v63  }
0xd3: {  	_ =	swait.ge [sflag:s11], $0x280  }
0xd4: {  	[sflag:s11] =	ssyncset.done $0x0  }
0xd5: {  	s18 =	simm.s32 $0x14;
	[sflag:s11] =	ssyncadd.s32 $0xFFFFFD80  }
0xd6: {  	_ =	swait.ge [sflag:s18], $0x280  }
0xd7: {  	[sflag:s18] =	ssyncset.done $0x0  }
0xd8: {  	s19 =	simm.s32 $0x2D00;
	[sflag:s18] =	ssyncadd.s32 $0xFFFFFD80  }
0xd9: {  	[spmem:s2] =	stream.indirect.scatter.add.f32 [tilespmem:s3], [sflag:$0x1A], $0x8, s19, s13, $0xb8;
	[tilespmem:$0xA060] =	vst v63  }
0xda: {  	_ =	swait.ge [sflag:s11], $0x280  }
0xdb: {  	[sflag:s11] =	ssyncset.done $0x0  }
0xdc: {  	s20 =	simm.s32 $0x15;
	[sflag:s11] =	ssyncadd.s32 $0xFFFFFD80  }
0xdd: {  	_ =	swait.ge [sflag:s20], $0x280  }
0xde: {  	[sflag:s20] =	ssyncset.done $0x0  }
0xdf: {  	s21 =	simm.s32 $0x2D50;
	[sflag:s20] =	ssyncadd.s32 $0xFFFFFD80  }
0xe0: {  	[spmem:s2] =	stream.indirect.scatter.add.f32 [tilespmem:s5], [sflag:$0x1A], $0x8, s21, s13, $0xb8;
	[tilespmem:$0xA060] =	vst v63  }
0xe1: {  	_ =	swait.ge [sflag:s11], $0x280  }
0xe2: {  	[sflag:s11] =	ssyncset.done $0x0  }
0xe3: {  	s22 =	simm.s32 $0x16;
	[sflag:s11] =	ssyncadd.s32 $0xFFFFFD80  }
0xe4: {  	_ =	swait.ge [sflag:s22], $0x280  }
0xe5: {  	[sflag:s22] =	ssyncset.done $0x0  }
0xe6: {  	s23 =	simm.s32 $0x2DA0;
	[sflag:s22] =	ssyncadd.s32 $0xFFFFFD80  }
0xe7: {  	[spmem:s2] =	stream.indirect.scatter.add.f32 [tilespmem:s7], [sflag:$0x1A], $0x8, s23, s13, $0xb8;
	[tilespmem:$0xA060] =	vst v63  }
0xe8: {  	_ =	swait.ge [sflag:s11], $0x280  }
0xe9: {  	[sflag:s11] =	ssyncset.done $0x0  }
0xea: {  	s24 =	simm.s32 $0x17;
	[sflag:s11] =	ssyncadd.s32 $0xFFFFFD80  }
0xeb: {  	_ =	swait.ge [sflag:s24], $0x280  }
0xec: {  	[sflag:s24] =	ssyncset.done $0x0  }
0xed: {  	s25 =	simm.s32 $0x2DF0;
	[sflag:s24] =	ssyncadd.s32 $0xFFFFFD80  }
0xee: {  	[spmem:s2] =	stream.indirect.scatter.add.f32 [tilespmem:s8], [sflag:$0x1A], $0x8, s25, s13, $0xb8;
	[tilespmem:$0xA060] =	vst v63  }
0xef: {  	_ =	swait.ge [sflag:s11], $0x280  }
0xf0: {  	[sflag:s11] =	ssyncset.done $0x0  }
0xf1: {  	s26 =	simm.s32 $0x18;
	[sflag:s11] =	ssyncadd.s32 $0xFFFFFD80  }
0xf2: {  	_ =	swait.ge [sflag:s26], $0x280  }
0xf3: {  	[sflag:s26] =	ssyncset.done $0x0  }
0xf4: {  	s28 =	simm.s32 $0x2E40;
	[sflag:s26] =	ssyncadd.s32 $0xFFFFFD80  }
0xf5: {  	[spmem:s2] =	stream.indirect.scatter.add.f32 [tilespmem:s29], [sflag:$0x1A], $0x8, s28, s13, $0xb8;
	[tilespmem:$0xA060] =	vst v63  }
0xf6: {  	_ =	swait.ge [sflag:s11], $0x280  }
0xf7: {  	[sflag:s11] =	ssyncset.done $0x0  }
0xf8: {  	s29 =	simm.s32 $0x19;
	[sflag:s11] =	ssyncadd.s32 $0xFFFFFD80  }
0xf9: {  	_ =	swait.ge [sflag:s29], $0x280  }
0xfa: {  	[sflag:s29] =	ssyncset.done $0x0  }
0xfb: {  	s31 =	simm.s32 $0x2E90;
	[sflag:s29] =	ssyncadd.s32 $0xFFFFFD80  }
0xfc: {  	[spmem:s2] =	stream.indirect.scatter.add.f32 [tilespmem:s30], [sflag:$0x1A], $0x8, s31, s13, $0xb8;
	[tilespmem:$0xA060] =	vst v63  }
0xfd: {  	_ =	swait.ge [sflag:s11], $0x280  }
0xfe: {  	s9 =	simm.s32 $0x1F40;
	s24 =	simm.s32 $0x3E80;
	[sflag:s11] =	ssyncset.done $0x0  }
.LBB2_2:
0xff: {  	s6 =	sshra.s32 s9, $0x2;
	[sflag:s11] =	ssyncadd.s32 $0xFFFFFD80  }
0x100: {  	s9 =	smov.u32 s24;
	s10 =	sadd.s32 $0x1F40, s24;
	s14 =	simm.s32 $0x4E20  }
0x101: {  	[tilespmem:s14], [sflag:$0x1] =	stream.indirect.gather [hbm4b:s4+s13], $0x8, s6, s13, $0xb8;
	[tilespmem:$0xA060] =	vst v63  }
0x102: {  	p0 =	sne.s32 s24, $0x7D00;
	s15 =	simm.s32 $0x50A0;
	s24 =	sadd.s32 $0x50, s6  }
0x103: {  	[tilespmem:s15], [sflag:$0x2] =	stream.indirect.gather [hbm4b:s4+s13], $0x8, s24, s13, $0xb8;
	[tilespmem:$0xA060] =	vst v63  }
0x104: {  	s16 =	simm.s32 $0x5320;
	s24 =	sadd.s32 $0xA0, s6  }
0x105: {  	[tilespmem:s16], [sflag:$0x3] =	stream.indirect.gather [hbm4b:s4+s13], $0x8, s24, s13, $0xb8;
	[tilespmem:$0xA060] =	vst v63  }
0x106: {  	s17 =	simm.s32 $0x55A0;
	s24 =	sadd.s32 $0xF0, s6  }
0x107: {  	[tilespmem:s17], [sflag:$0x4] =	stream.indirect.gather [hbm4b:s4+s13], $0x8, s24, s13, $0xb8;
	[tilespmem:$0xA060] =	vst v63  }
0x108: {  	s18 =	simm.s32 $0x5820;
	s24 =	sadd.s32 $0x140, s6  }
0x109: {  	[tilespmem:s18], [sflag:$0x5] =	stream.indirect.gather [hbm4b:s4+s13], $0x8, s24, s13, $0xb8;
	[tilespmem:$0xA060] =	vst v63  }
0x10a: {  	s19 =	simm.s32 $0x5AA0;
	s24 =	sadd.s32 $0x190, s6  }
0x10b: {  	[tilespmem:s19], [sflag:$0x6] =	stream.indirect.gather [hbm4b:s4+s13], $0x8, s24, s13, $0xb8;
	[tilespmem:$0xA060] =	vst v63  }
0x10c: {  	s20 =	simm.s32 $0x5D20;
	s24 =	sadd.s32 $0x1E0, s6  }
0x10d: {  	[tilespmem:s20], [sflag:$0x7] =	stream.indirect.gather [hbm4b:s4+s13], $0x8, s24, s13, $0xb8;
	[tilespmem:$0xA060] =	vst v63  }
0x10e: {  	s21 =	simm.s32 $0x5FA0;
	s24 =	sadd.s32 $0x230, s6  }
0x10f: {  	[tilespmem:s21], [sflag:$0x8] =	stream.indirect.gather [hbm4b:s4+s13], $0x8, s24, s13, $0xb8;
	[tilespmem:$0xA060] =	vst v63  }
0x110: {  	s22 =	simm.s32 $0x6220;
	s24 =	sadd.s32 $0x280, s6  }
0x111: {  	[tilespmem:s22], [sflag:$0x9] =	stream.indirect.gather [hbm4b:s4+s13], $0x8, s24, s13, $0xb8;
	[tilespmem:$0xA060] =	vst v63  }
0x112: {  	s23 =	simm.s32 $0x64A0;
	s24 =	sadd.s32 $0x2D0, s6  }
0x113: {  	[tilespmem:s23], [sflag:$0xA] =	stream.indirect.gather [hbm4b:s4+s13], $0x8, s24, s13, $0xb8;
	[tilespmem:$0xA060] =	vst v63  }
0x114: {  	s25 =	simm.s32 $0x6720;
	s24 =	sadd.s32 $0x320, s6  }
0x115: {  	[tilespmem:s25], [sflag:$0xB] =	stream.indirect.gather [hbm4b:s4+s13], $0x8, s24, s13, $0xb8;
	[tilespmem:$0xA060] =	vst v63  }
0x116: {  	s26 =	simm.s32 $0x69A0;
	s24 =	sadd.s32 $0x370, s6  }
0x117: {  	[tilespmem:s26], [sflag:$0xC] =	stream.indirect.gather [hbm4b:s4+s13], $0x8, s24, s13, $0xb8;
	[tilespmem:$0xA060] =	vst v63  }
0x118: {  	s28 =	simm.s32 $0x6C20;
	s24 =	sadd.s32 $0x3C0, s6  }
0x119: {  	[tilespmem:s28], [sflag:$0xD] =	stream.indirect.gather [hbm4b:s4+s13], $0x8, s24, s13, $0xb8;
	[tilespmem:$0xA060] =	vst v63  }
0x11a: {  	s29 =	simm.s32 $0x6EA0;
	s24 =	sadd.s32 $0x410, s6  }
0x11b: {  	[tilespmem:s29], [sflag:$0xE] =	stream.indirect.gather [hbm4b:s4+s13], $0x8, s24, s13, $0xb8;
	[tilespmem:$0xA060] =	vst v63  }
0x11c: {  	s30 =	simm.s32 $0x7120;
	s24 =	sadd.s32 $0x460, s6  }
0x11d: {  	[tilespmem:s30], [sflag:$0xF] =	stream.indirect.gather [hbm4b:s4+s13], $0x8, s24, s13, $0xb8;
	[tilespmem:$0xA060] =	vst v63  }
0x11e: {  	s31 =	simm.s32 $0x73A0;
	s24 =	sadd.s32 $0x4B0, s6  }
0x11f: {  	[tilespmem:s31], [sflag:$0x10] =	stream.indirect.gather [hbm4b:s4+s13], $0x8, s24, s13, $0xb8;
	[tilespmem:$0xA060] =	vst v63  }
0x120: {  	s1 =	simm.s32 $0x7620;
	s24 =	sadd.s32 $0x500, s6  }
0x121: {  	[tilespmem:s1], [sflag:$0x11] =	stream.indirect.gather [hbm4b:s4+s13], $0x8, s24, s13, $0xb8;
	[tilespmem:$0xA060] =	vst v63  }
0x122: {  	s0 =	simm.s32 $0x78A0;
	s24 =	sadd.s32 $0x550, s6  }
0x123: {  	[tilespmem:s0], [sflag:$0x12] =	stream.indirect.gather [hbm4b:s4+s13], $0x8, s24, s13, $0xb8;
	[tilespmem:$0xA060] =	vst v63  }
0x124: {  	s12 =	simm.s32 $0x7B20;
	s24 =	sadd.s32 $0x5A0, s6  }
0x125: {  	[tilespmem:s12], [sflag:$0x13] =	stream.indirect.gather [hbm4b:s4+s13], $0x8, s24, s13, $0xb8;
	[tilespmem:$0xA060] =	vst v63  }
0x126: {  	s3 =	simm.s32 $0x7DA0;
	s24 =	sadd.s32 $0x5F0, s6  }
0x127: {  	[tilespmem:s3], [sflag:$0x14] =	stream.indirect.gather [hbm4b:s4+s13], $0x8, s24, s13, $0xb8;
	[tilespmem:$0xA060] =	vst v63  }
0x128: {  	s5 =	simm.s32 $0x8020;
	s24 =	sadd.s32 $0x640, s6  }
0x129: {  	[tilespmem:s5], [sflag:$0x15] =	stream.indirect.gather [hbm4b:s4+s13], $0x8, s24, s13, $0xb8;
	[tilespmem:$0xA060] =	vst v63  }
0x12a: {  	s7 =	simm.s32 $0x82A0;
	s24 =	sadd.s32 $0x690, s6  }
0x12b: {  	[tilespmem:s7], [sflag:$0x16] =	stream.indirect.gather [hbm4b:s4+s13], $0x8, s24, s13, $0xb8;
	[tilespmem:$0xA060] =	vst v63  }
0x12c: {  	s8 =	simm.s32 $0x8520;
	s24 =	sadd.s32 $0x6E0, s6  }
0x12d: {  	[tilespmem:s8], [sflag:$0x17] =	stream.indirect.gather [hbm4b:s4+s13], $0x8, s24, s13, $0xb8;
	[tilespmem:$0xA060] =	vst v63  }
0x12e: {  	s24 =	sadd.s32 $0x730, s6;
	s8 =	simm.s32 $0x87A0  }
0x12f: {  	[tilespmem:s8], [sflag:$0x18] =	stream.indirect.gather [hbm4b:s4+s13], $0x8, s24, s13, $0xb8;
	[tilespmem:$0xA060] =	vst v63  }
0x130: {  	s24 =	sadd.s32 $0x780, s6;
	s8 =	simm.s32 $0x8A20  }
0x131: {  	[tilespmem:s8], [sflag:$0x19] =	stream.indirect.gather [hbm4b:s4+s13], $0x8, s24, s13, $0xb8;
	[tilespmem:$0xA060] =	vst v63  }
0x132: {  	s8 =	simm.s32 $0x8A20;
	s24 =	simm.s32 $0x1  }
0x133: {  	_ =	swait.ge [sflag:s24], $0x280  }
0x134: {  	[sflag:s24] =	ssyncset.done $0x0  }
0x135: {  	[sflag:s24] =	ssyncadd.s32 $0xFFFFFD80;
	s24 =	sadd.s32 $0x2710, s6  }
0x136: {  	[spmem:s2] =	stream.indirect.scatter.add.f32 [tilespmem:s14], [sflag:$0x1A], $0x8, s24, s13, $0xb8;
	[tilespmem:$0xA060] =	vst v63  }
0x137: {  	_ =	swait.ge [sflag:s11], $0x280  }
0x138: {  	[sflag:s11] =	ssyncset.done $0x0  }
0x139: {  	s14 =	simm.s32 $0x2;
	[sflag:s11] =	ssyncadd.s32 $0xFFFFFD80  }
0x13a: {  	_ =	swait.ge [sflag:s14], $0x280  }
0x13b: {  	[sflag:s14] =	ssyncset.done $0x0  }
0x13c: {  	s24 =	sadd.s32 $0x2760, s6;
	[sflag:s14] =	ssyncadd.s32 $0xFFFFFD80  }
0x13d: {  	[spmem:s2] =	stream.indirect.scatter.add.f32 [tilespmem:s15], [sflag:$0x1A], $0x8, s24, s13, $0xb8;
	[tilespmem:$0xA060] =	vst v63  }
0x13e: {  	_ =	swait.ge [sflag:s11], $0x280  }
0x13f: {  	[sflag:s11] =	ssyncset.done $0x0  }
0x140: {  	s14 =	simm.s32 $0x3;
	[sflag:s11] =	ssyncadd.s32 $0xFFFFFD80  }
0x141: {  	_ =	swait.ge [sflag:s14], $0x280  }
0x142: {  	[sflag:s14] =	ssyncset.done $0x0  }
0x143: {  	s24 =	sadd.s32 $0x27B0, s6;
	[sflag:s14] =	ssyncadd.s32 $0xFFFFFD80  }
0x144: {  	[spmem:s2] =	stream.indirect.scatter.add.f32 [tilespmem:s16], [sflag:$0x1A], $0x8, s24, s13, $0xb8;
	[tilespmem:$0xA060] =	vst v63  }
0x145: {  	_ =	swait.ge [sflag:s11], $0x280  }
0x146: {  	[sflag:s11] =	ssyncset.done $0x0  }
0x147: {  	s14 =	simm.s32 $0x4;
	[sflag:s11] =	ssyncadd.s32 $0xFFFFFD80  }
0x148: {  	_ =	swait.ge [sflag:s14], $0x280  }
0x149: {  	[sflag:s14] =	ssyncset.done $0x0  }
0x14a: {  	s24 =	sadd.s32 $0x2800, s6;
	[sflag:s14] =	ssyncadd.s32 $0xFFFFFD80  }
0x14b: {  	[spmem:s2] =	stream.indirect.scatter.add.f32 [tilespmem:s17], [sflag:$0x1A], $0x8, s24, s13, $0xb8;
	[tilespmem:$0xA060] =	vst v63  }
0x14c: {  	_ =	swait.ge [sflag:s11], $0x280  }
0x14d: {  	[sflag:s11] =	ssyncset.done $0x0  }
0x14e: {  	s14 =	simm.s32 $0x5;
	[sflag:s11] =	ssyncadd.s32 $0xFFFFFD80  }
0x14f: {  	_ =	swait.ge [sflag:s14], $0x280  }
0x150: {  	[sflag:s14] =	ssyncset.done $0x0  }
0x151: {  	s24 =	sadd.s32 $0x2850, s6;
	[sflag:s14] =	ssyncadd.s32 $0xFFFFFD80  }
0x152: {  	[spmem:s2] =	stream.indirect.scatter.add.f32 [tilespmem:s18], [sflag:$0x1A], $0x8, s24, s13, $0xb8;
	[tilespmem:$0xA060] =	vst v63  }
0x153: {  	_ =	swait.ge [sflag:s11], $0x280  }
0x154: {  	[sflag:s11] =	ssyncset.done $0x0  }
0x155: {  	s14 =	simm.s32 $0x6;
	[sflag:s11] =	ssyncadd.s32 $0xFFFFFD80  }
0x156: {  	_ =	swait.ge [sflag:s14], $0x280  }
0x157: {  	[sflag:s14] =	ssyncset.done $0x0  }
0x158: {  	s24 =	sadd.s32 $0x28A0, s6;
	[sflag:s14] =	ssyncadd.s32 $0xFFFFFD80  }
0x159: {  	[spmem:s2] =	stream.indirect.scatter.add.f32 [tilespmem:s19], [sflag:$0x1A], $0x8, s24, s13, $0xb8;
	[tilespmem:$0xA060] =	vst v63  }
0x15a: {  	_ =	swait.ge [sflag:s11], $0x280  }
0x15b: {  	[sflag:s11] =	ssyncset.done $0x0  }
0x15c: {  	s14 =	simm.s32 $0x7;
	[sflag:s11] =	ssyncadd.s32 $0xFFFFFD80  }
0x15d: {  	_ =	swait.ge [sflag:s14], $0x280  }
0x15e: {  	[sflag:s14] =	ssyncset.done $0x0  }
0x15f: {  	s24 =	sadd.s32 $0x28F0, s6;
	[sflag:s14] =	ssyncadd.s32 $0xFFFFFD80  }
0x160: {  	[spmem:s2] =	stream.indirect.scatter.add.f32 [tilespmem:s20], [sflag:$0x1A], $0x8, s24, s13, $0xb8;
	[tilespmem:$0xA060] =	vst v63  }
0x161: {  	_ =	swait.ge [sflag:s11], $0x280  }
0x162: {  	[sflag:s11] =	ssyncset.done $0x0  }
0x163: {  	s14 =	simm.s32 $0x8;
	[sflag:s11] =	ssyncadd.s32 $0xFFFFFD80  }
0x164: {  	_ =	swait.ge [sflag:s14], $0x280  }
0x165: {  	[sflag:s14] =	ssyncset.done $0x0  }
0x166: {  	s24 =	sadd.s32 $0x2940, s6;
	[sflag:s14] =	ssyncadd.s32 $0xFFFFFD80  }
0x167: {  	[spmem:s2] =	stream.indirect.scatter.add.f32 [tilespmem:s21], [sflag:$0x1A], $0x8, s24, s13, $0xb8;
	[tilespmem:$0xA060] =	vst v63  }
0x168: {  	_ =	swait.ge [sflag:s11], $0x280  }
0x169: {  	[sflag:s11] =	ssyncset.done $0x0  }
0x16a: {  	s14 =	simm.s32 $0x9;
	[sflag:s11] =	ssyncadd.s32 $0xFFFFFD80  }
0x16b: {  	_ =	swait.ge [sflag:s14], $0x280  }
0x16c: {  	[sflag:s14] =	ssyncset.done $0x0  }
0x16d: {  	s24 =	sadd.s32 $0x2990, s6;
	[sflag:s14] =	ssyncadd.s32 $0xFFFFFD80  }
0x16e: {  	[spmem:s2] =	stream.indirect.scatter.add.f32 [tilespmem:s22], [sflag:$0x1A], $0x8, s24, s13, $0xb8;
	[tilespmem:$0xA060] =	vst v63  }
0x16f: {  	_ =	swait.ge [sflag:s11], $0x280  }
0x170: {  	[sflag:s11] =	ssyncset.done $0x0  }
0x171: {  	s14 =	simm.s32 $0xA;
	[sflag:s11] =	ssyncadd.s32 $0xFFFFFD80  }
0x172: {  	_ =	swait.ge [sflag:s14], $0x280  }
0x173: {  	[sflag:s14] =	ssyncset.done $0x0  }
0x174: {  	s24 =	sadd.s32 $0x29E0, s6;
	[sflag:s14] =	ssyncadd.s32 $0xFFFFFD80  }
0x175: {  	[spmem:s2] =	stream.indirect.scatter.add.f32 [tilespmem:s23], [sflag:$0x1A], $0x8, s24, s13, $0xb8;
	[tilespmem:$0xA060] =	vst v63  }
0x176: {  	_ =	swait.ge [sflag:s11], $0x280  }
0x177: {  	[sflag:s11] =	ssyncset.done $0x0  }
0x178: {  	s14 =	simm.s32 $0xB;
	[sflag:s11] =	ssyncadd.s32 $0xFFFFFD80  }
0x179: {  	_ =	swait.ge [sflag:s14], $0x280  }
0x17a: {  	[sflag:s14] =	ssyncset.done $0x0  }
0x17b: {  	s24 =	sadd.s32 $0x2A30, s6;
	[sflag:s14] =	ssyncadd.s32 $0xFFFFFD80  }
0x17c: {  	[spmem:s2] =	stream.indirect.scatter.add.f32 [tilespmem:s25], [sflag:$0x1A], $0x8, s24, s13, $0xb8;
	[tilespmem:$0xA060] =	vst v63  }
0x17d: {  	_ =	swait.ge [sflag:s11], $0x280  }
0x17e: {  	[sflag:s11] =	ssyncset.done $0x0  }
0x17f: {  	s14 =	simm.s32 $0xC;
	[sflag:s11] =	ssyncadd.s32 $0xFFFFFD80  }
0x180: {  	_ =	swait.ge [sflag:s14], $0x280  }
0x181: {  	[sflag:s14] =	ssyncset.done $0x0  }
0x182: {  	s24 =	sadd.s32 $0x2A80, s6;
	[sflag:s14] =	ssyncadd.s32 $0xFFFFFD80  }
0x183: {  	[spmem:s2] =	stream.indirect.scatter.add.f32 [tilespmem:s26], [sflag:$0x1A], $0x8, s24, s13, $0xb8;
	[tilespmem:$0xA060] =	vst v63  }
0x184: {  	_ =	swait.ge [sflag:s11], $0x280  }
0x185: {  	[sflag:s11] =	ssyncset.done $0x0  }
0x186: {  	s14 =	simm.s32 $0xD;
	[sflag:s11] =	ssyncadd.s32 $0xFFFFFD80  }
0x187: {  	_ =	swait.ge [sflag:s14], $0x280  }
0x188: {  	[sflag:s14] =	ssyncset.done $0x0  }
0x189: {  	s24 =	sadd.s32 $0x2AD0, s6;
	[sflag:s14] =	ssyncadd.s32 $0xFFFFFD80  }
0x18a: {  	[spmem:s2] =	stream.indirect.scatter.add.f32 [tilespmem:s28], [sflag:$0x1A], $0x8, s24, s13, $0xb8;
	[tilespmem:$0xA060] =	vst v63  }
0x18b: {  	_ =	swait.ge [sflag:s11], $0x280  }
0x18c: {  	[sflag:s11] =	ssyncset.done $0x0  }
0x18d: {  	s14 =	simm.s32 $0xE;
	[sflag:s11] =	ssyncadd.s32 $0xFFFFFD80  }
0x18e: {  	_ =	swait.ge [sflag:s14], $0x280  }
0x18f: {  	[sflag:s14] =	ssyncset.done $0x0  }
0x190: {  	s24 =	sadd.s32 $0x2B20, s6;
	[sflag:s14] =	ssyncadd.s32 $0xFFFFFD80  }
0x191: {  	[spmem:s2] =	stream.indirect.scatter.add.f32 [tilespmem:s29], [sflag:$0x1A], $0x8, s24, s13, $0xb8;
	[tilespmem:$0xA060] =	vst v63  }
0x192: {  	_ =	swait.ge [sflag:s11], $0x280  }
0x193: {  	[sflag:s11] =	ssyncset.done $0x0  }
0x194: {  	s14 =	simm.s32 $0xF;
	[sflag:s11] =	ssyncadd.s32 $0xFFFFFD80  }
0x195: {  	_ =	swait.ge [sflag:s14], $0x280  }
0x196: {  	[sflag:s14] =	ssyncset.done $0x0  }
0x197: {  	s24 =	sadd.s32 $0x2B70, s6;
	[sflag:s14] =	ssyncadd.s32 $0xFFFFFD80  }
0x198: {  	[spmem:s2] =	stream.indirect.scatter.add.f32 [tilespmem:s30], [sflag:$0x1A], $0x8, s24, s13, $0xb8;
	[tilespmem:$0xA060] =	vst v63  }
0x199: {  	_ =	swait.ge [sflag:s11], $0x280  }
0x19a: {  	[sflag:s11] =	ssyncset.done $0x0  }
0x19b: {  	s14 =	simm.s32 $0x10;
	[sflag:s11] =	ssyncadd.s32 $0xFFFFFD80  }
0x19c: {  	_ =	swait.ge [sflag:s14], $0x280  }
0x19d: {  	[sflag:s14] =	ssyncset.done $0x0  }
0x19e: {  	s24 =	sadd.s32 $0x2BC0, s6;
	[sflag:s14] =	ssyncadd.s32 $0xFFFFFD80  }
0x19f: {  	[spmem:s2] =	stream.indirect.scatter.add.f32 [tilespmem:s31], [sflag:$0x1A], $0x8, s24, s13, $0xb8;
	[tilespmem:$0xA060] =	vst v63  }
0x1a0: {  	_ =	swait.ge [sflag:s11], $0x280  }
0x1a1: {  	[sflag:s11] =	ssyncset.done $0x0  }
0x1a2: {  	s14 =	simm.s32 $0x11;
	[sflag:s11] =	ssyncadd.s32 $0xFFFFFD80  }
0x1a3: {  	_ =	swait.ge [sflag:s14], $0x280  }
0x1a4: {  	[sflag:s14] =	ssyncset.done $0x0  }
0x1a5: {  	s24 =	sadd.s32 $0x2C10, s6;
	[sflag:s14] =	ssyncadd.s32 $0xFFFFFD80  }
0x1a6: {  	[spmem:s2] =	stream.indirect.scatter.add.f32 [tilespmem:s1], [sflag:$0x1A], $0x8, s24, s13, $0xb8;
	[tilespmem:$0xA060] =	vst v63  }
0x1a7: {  	_ =	swait.ge [sflag:s11], $0x280  }
0x1a8: {  	[sflag:s11] =	ssyncset.done $0x0  }
0x1a9: {  	s1 =	simm.s32 $0x12;
	[sflag:s11] =	ssyncadd.s32 $0xFFFFFD80  }
0x1aa: {  	_ =	swait.ge [sflag:s1], $0x280  }
0x1ab: {  	[sflag:s1] =	ssyncset.done $0x0  }
0x1ac: {  	s24 =	sadd.s32 $0x2C60, s6;
	[sflag:s1] =	ssyncadd.s32 $0xFFFFFD80  }
0x1ad: {  	[spmem:s2] =	stream.indirect.scatter.add.f32 [tilespmem:s0], [sflag:$0x1A], $0x8, s24, s13, $0xb8;
	[tilespmem:$0xA060] =	vst v63  }
0x1ae: {  	_ =	swait.ge [sflag:s11], $0x280  }
0x1af: {  	[sflag:s11] =	ssyncset.done $0x0  }
0x1b0: {  	s0 =	simm.s32 $0x13;
	[sflag:s11] =	ssyncadd.s32 $0xFFFFFD80  }
0x1b1: {  	_ =	swait.ge [sflag:s0], $0x280  }
0x1b2: {  	[sflag:s0] =	ssyncset.done $0x0  }
0x1b3: {  	s24 =	sadd.s32 $0x2CB0, s6;
	[sflag:s0] =	ssyncadd.s32 $0xFFFFFD80  }
0x1b4: {  	[spmem:s2] =	stream.indirect.scatter.add.f32 [tilespmem:s12], [sflag:$0x1A], $0x8, s24, s13, $0xb8;
	[tilespmem:$0xA060] =	vst v63  }
0x1b5: {  	_ =	swait.ge [sflag:s11], $0x280  }
0x1b6: {  	[sflag:s11] =	ssyncset.done $0x0  }
0x1b7: {  	s0 =	simm.s32 $0x14;
	[sflag:s11] =	ssyncadd.s32 $0xFFFFFD80  }
0x1b8: {  	_ =	swait.ge [sflag:s0], $0x280  }
0x1b9: {  	[sflag:s0] =	ssyncset.done $0x0  }
0x1ba: {  	s24 =	sadd.s32 $0x2D00, s6;
	[sflag:s0] =	ssyncadd.s32 $0xFFFFFD80  }
0x1bb: {  	[spmem:s2] =	stream.indirect.scatter.add.f32 [tilespmem:s3], [sflag:$0x1A], $0x8, s24, s13, $0xb8;
	[tilespmem:$0xA060] =	vst v63  }
0x1bc: {  	_ =	swait.ge [sflag:s11], $0x280  }
0x1bd: {  	[sflag:s11] =	ssyncset.done $0x0  }
0x1be: {  	s0 =	simm.s32 $0x15;
	[sflag:s11] =	ssyncadd.s32 $0xFFFFFD80  }
0x1bf: {  	_ =	swait.ge [sflag:s0], $0x280  }
0x1c0: {  	[sflag:s0] =	ssyncset.done $0x0  }
0x1c1: {  	s24 =	sadd.s32 $0x2D50, s6;
	[sflag:s0] =	ssyncadd.s32 $0xFFFFFD80  }
0x1c2: {  	[spmem:s2] =	stream.indirect.scatter.add.f32 [tilespmem:s5], [sflag:$0x1A], $0x8, s24, s13, $0xb8;
	[tilespmem:$0xA060] =	vst v63  }
0x1c3: {  	_ =	swait.ge [sflag:s11], $0x280  }
0x1c4: {  	[sflag:s11] =	ssyncset.done $0x0  }
0x1c5: {  	s0 =	simm.s32 $0x16;
	[sflag:s11] =	ssyncadd.s32 $0xFFFFFD80  }
0x1c6: {  	_ =	swait.ge [sflag:s0], $0x280  }
0x1c7: {  	[sflag:s0] =	ssyncset.done $0x0  }
0x1c8: {  	s24 =	sadd.s32 $0x2DA0, s6;
	[sflag:s0] =	ssyncadd.s32 $0xFFFFFD80  }
0x1c9: {  	[spmem:s2] =	stream.indirect.scatter.add.f32 [tilespmem:s7], [sflag:$0x1A], $0x8, s24, s13, $0xb8;
	[tilespmem:$0xA060] =	vst v63  }
0x1ca: {  	_ =	swait.ge [sflag:s11], $0x280  }
0x1cb: {  	[sflag:s11] =	ssyncset.done $0x0  }
0x1cc: {  	s0 =	simm.s32 $0x17;
	[sflag:s11] =	ssyncadd.s32 $0xFFFFFD80  }
0x1cd: {  	_ =	swait.ge [sflag:s0], $0x280  }
0x1ce: {  	[sflag:s0] =	ssyncset.done $0x0  }
0x1cf: {  	s24 =	sadd.s32 $0x2DF0, s6;
	[sflag:s0] =	ssyncadd.s32 $0xFFFFFD80;
	s0 =	simm.s32 $0x8520  }
0x1d0: {  	[spmem:s2] =	stream.indirect.scatter.add.f32 [tilespmem:s0], [sflag:$0x1A], $0x8, s24, s13, $0xb8;
	[tilespmem:$0xA060] =	vst v63  }
0x1d1: {  	_ =	swait.ge [sflag:s11], $0x280  }
0x1d2: {  	[sflag:s11] =	ssyncset.done $0x0  }
0x1d3: {  	s0 =	simm.s32 $0x18;
	[sflag:s11] =	ssyncadd.s32 $0xFFFFFD80  }
0x1d4: {  	_ =	swait.ge [sflag:s0], $0x280  }
0x1d5: {  	[sflag:s0] =	ssyncset.done $0x0  }
0x1d6: {  	s24 =	sadd.s32 $0x2E40, s6;
	[sflag:s0] =	ssyncadd.s32 $0xFFFFFD80;
	s0 =	simm.s32 $0x87A0  }
0x1d7: {  	[spmem:s2] =	stream.indirect.scatter.add.f32 [tilespmem:s0], [sflag:$0x1A], $0x8, s24, s13, $0xb8;
	[tilespmem:$0xA060] =	vst v63  }
0x1d8: {  	_ =	swait.ge [sflag:s11], $0x280  }
0x1d9: {  	[sflag:s11] =	ssyncset.done $0x0  }
0x1da: {  	s0 =	simm.s32 $0x19;
	[sflag:s11] =	ssyncadd.s32 $0xFFFFFD80  }
0x1db: {  	_ =	swait.ge [sflag:s0], $0x280  }
.Ltmp0:
0x1dc: {  	[sflag:s0] =	ssyncset.done $0x0;
	(pc) =	sbr.rel @p0 .LBB2_2-.Ltmp0, $4  }
0x1dd: {  	s6 =	sadd.s32 $0x2E90, s6;
	[sflag:s0] =	ssyncadd.s32 $0xFFFFFD80  }
0x1de: {  	[spmem:s2] =	stream.indirect.scatter.add.f32 [tilespmem:s8], [sflag:$0x1A], $0x8, s6, s13, $0xb8;
	[tilespmem:$0xA060] =	vst v63  }
0x1df: {  	_ =	swait.ge [sflag:s11], $0x280  }
0x1e0: {  	s24 =	smov.u32 s10;
	[sflag:s11] =	ssyncset.done $0x0  }
0x1e1: {  	s6 =	sshra.s32 s9, $0x2;
	[sflag:s11] =	ssyncadd.s32 $0xFFFFFD80;
	s10 =	simm.s32 $0x4E20  }
0x1e2: {  	[tilespmem:s10], [sflag:$0x1] =	stream.indirect.gather [hbm4b:s4+s13], $0x8, s6, s13, $0xb8;
	[tilespmem:$0xA060] =	vst v63  }
0x1e3: {  	s14 =	simm.s32 $0x50A0;
	s9 =	sadd.s32 $0x50, s6  }
0x1e4: {  	[tilespmem:s14], [sflag:$0x2] =	stream.indirect.gather [hbm4b:s4+s13], $0x8, s9, s13, $0xb8;
	[tilespmem:$0xA060] =	vst v63  }
0x1e5: {  	s15 =	simm.s32 $0x5320;
	s24 =	sadd.s32 $0xA0, s6  }
0x1e6: {  	[tilespmem:s15], [sflag:$0x3] =	stream.indirect.gather [hbm4b:s4+s13], $0x8, s24, s13, $0xb8;
	[tilespmem:$0xA060] =	vst v63  }
0x1e7: {  	s16 =	simm.s32 $0x55A0;
	s25 =	sadd.s32 $0xF0, s6  }
0x1e8: {  	[tilespmem:s16], [sflag:$0x4] =	stream.indirect.gather [hbm4b:s4+s13], $0x8, s25, s13, $0xb8;
	[tilespmem:$0xA060] =	vst v63  }
0x1e9: {  	s17 =	simm.s32 $0x5820;
	s26 =	sadd.s32 $0x140, s6  }
0x1ea: {  	[tilespmem:s17], [sflag:$0x5] =	stream.indirect.gather [hbm4b:s4+s13], $0x8, s26, s13, $0xb8;
	[tilespmem:$0xA060] =	vst v63  }
0x1eb: {  	s18 =	simm.s32 $0x5AA0;
	s28 =	sadd.s32 $0x190, s6  }
0x1ec: {  	[tilespmem:s18], [sflag:$0x6] =	stream.indirect.gather [hbm4b:s4+s13], $0x8, s28, s13, $0xb8;
	[tilespmem:$0xA060] =	vst v63  }
0x1ed: {  	s19 =	simm.s32 $0x5D20;
	s29 =	sadd.s32 $0x1E0, s6  }
0x1ee: {  	[tilespmem:s19], [sflag:$0x7] =	stream.indirect.gather [hbm4b:s4+s13], $0x8, s29, s13, $0xb8;
	[tilespmem:$0xA060] =	vst v63  }
0x1ef: {  	s20 =	simm.s32 $0x5FA0;
	s30 =	sadd.s32 $0x230, s6  }
0x1f0: {  	[tilespmem:s20], [sflag:$0x8] =	stream.indirect.gather [hbm4b:s4+s13], $0x8, s30, s13, $0xb8;
	[tilespmem:$0xA060] =	vst v63  }
0x1f1: {  	s21 =	simm.s32 $0x6220;
	s31 =	sadd.s32 $0x280, s6  }
0x1f2: {  	[tilespmem:s21], [sflag:$0x9] =	stream.indirect.gather [hbm4b:s4+s13], $0x8, s31, s13, $0xb8;
	[tilespmem:$0xA060] =	vst v63  }
0x1f3: {  	s22 =	simm.s32 $0x64A0;
	s0 =	sadd.s32 $0x2D0, s6  }
0x1f4: {  	[tilespmem:s22], [sflag:$0xA] =	stream.indirect.gather [hbm4b:s4+s13], $0x8, s0, s13, $0xb8;
	[tilespmem:$0xA060] =	vst v63  }
0x1f5: {  	s23 =	simm.s32 $0x6720;
	s1 =	sadd.s32 $0x320, s6  }
0x1f6: {  	[tilespmem:s23], [sflag:$0xB] =	stream.indirect.gather [hbm4b:s4+s13], $0x8, s1, s13, $0xb8;
	[tilespmem:$0xA060] =	vst v63  }
0x1f7: {  	s3 =	sadd.s32 $0x370, s6;
	s24 =	simm.s32 $0x69A0  }
0x1f8: {  	[tilespmem:s24], [sflag:$0xC] =	stream.indirect.gather [hbm4b:s4+s13], $0x8, s3, s13, $0xb8;
	[tilespmem:$0xA060] =	vst v63  }
0x1f9: {  	s5 =	sadd.s32 $0x3C0, s6;
	s25 =	simm.s32 $0x6C20  }
0x1fa: {  	[tilespmem:s25], [sflag:$0xD] =	stream.indirect.gather [hbm4b:s4+s13], $0x8, s5, s13, $0xb8;
	[tilespmem:$0xA060] =	vst v63  }
0x1fb: {  	s7 =	sadd.s32 $0x410, s6;
	s26 =	simm.s32 $0x6EA0  }
0x1fc: {  	[tilespmem:s26], [sflag:$0xE] =	stream.indirect.gather [hbm4b:s4+s13], $0x8, s7, s13, $0xb8;
	[tilespmem:$0xA060] =	vst v63  }
0x1fd: {  	s8 =	sadd.s32 $0x460, s6;
	s28 =	simm.s32 $0x7120  }
0x1fe: {  	[tilespmem:s28], [sflag:$0xF] =	stream.indirect.gather [hbm4b:s4+s13], $0x8, s8, s13, $0xb8;
	[tilespmem:$0xA060] =	vst v63  }
0x1ff: {  	s12 =	sadd.s32 $0x4B0, s6;
	s29 =	simm.s32 $0x73A0  }
0x200: {  	[tilespmem:s29], [sflag:$0x10] =	stream.indirect.gather [hbm4b:s4+s13], $0x8, s12, s13, $0xb8;
	[tilespmem:$0xA060] =	vst v63  }
0x201: {  	s30 =	sadd.s32 $0x500, s6;
	s1 =	simm.s32 $0x7620  }
0x202: {  	[tilespmem:s1], [sflag:$0x11] =	stream.indirect.gather [hbm4b:s4+s13], $0x8, s30, s13, $0xb8;
	[tilespmem:$0xA060] =	vst v63  }
0x203: {  	s31 =	sadd.s32 $0x550, s6;
	s0 =	simm.s32 $0x78A0  }
0x204: {  	[tilespmem:s0], [sflag:$0x12] =	stream.indirect.gather [hbm4b:s4+s13], $0x8, s31, s13, $0xb8;
	[tilespmem:$0xA060] =	vst v63  }
0x205: {  	s3 =	sadd.s32 $0x5A0, s6;
	s12 =	simm.s32 $0x7B20  }
0x206: {  	[tilespmem:s12], [sflag:$0x13] =	stream.indirect.gather [hbm4b:s4+s13], $0x8, s3, s13, $0xb8;
	[tilespmem:$0xA060] =	vst v63  }
0x207: {  	s5 =	sadd.s32 $0x5F0, s6;
	s3 =	simm.s32 $0x7DA0  }
0x208: {  	[tilespmem:s3], [sflag:$0x14] =	stream.indirect.gather [hbm4b:s4+s13], $0x8, s5, s13, $0xb8;
	[tilespmem:$0xA060] =	vst v63  }
0x209: {  	s7 =	sadd.s32 $0x640, s6;
	s5 =	simm.s32 $0x8020  }
0x20a: {  	[tilespmem:s5], [sflag:$0x15] =	stream.indirect.gather [hbm4b:s4+s13], $0x8, s7, s13, $0xb8;
	[tilespmem:$0xA060] =	vst v63  }
0x20b: {  	s8 =	sadd.s32 $0x690, s6;
	s7 =	simm.s32 $0x82A0  }
0x20c: {  	[tilespmem:s7], [sflag:$0x16] =	stream.indirect.gather [hbm4b:s4+s13], $0x8, s8, s13, $0xb8;
	[tilespmem:$0xA060] =	vst v63  }
0x20d: {  	s30 =	sadd.s32 $0x6E0, s6;
	s8 =	simm.s32 $0x8520  }
0x20e: {  	[tilespmem:s8], [sflag:$0x17] =	stream.indirect.gather [hbm4b:s4+s13], $0x8, s30, s13, $0xb8;
	[tilespmem:$0xA060] =	vst v63  }
0x20f: {  	s31 =	sadd.s32 $0x730, s6;
	s30 =	simm.s32 $0x87A0  }
0x210: {  	[tilespmem:s30], [sflag:$0x18] =	stream.indirect.gather [hbm4b:s4+s13], $0x8, s31, s13, $0xb8;
	[tilespmem:$0xA060] =	vst v63  }
0x211: {  	s9 =	sadd.s32 $0x780, s6;
	s31 =	simm.s32 $0x8A20  }
0x212: {  	[tilespmem:s31], [sflag:$0x19] =	stream.indirect.gather [hbm4b:s4+s13], $0x8, s9, s13, $0xb8;
	[tilespmem:$0xA060] =	vst v63  }
0x213: {  	s9 =	simm.s32 $0x1  }
0x214: {  	_ =	swait.ge [sflag:s9], $0x280  }
0x215: {  	[sflag:s9] =	ssyncset.done $0x0  }
0x216: {  	[sflag:s9] =	ssyncadd.s32 $0xFFFFFD80;
	s9 =	sadd.s32 $0x2710, s6  }
0x217: {  	[spmem:s2] =	stream.indirect.scatter.add.f32 [tilespmem:s10], [sflag:$0x1A], $0x8, s9, s13, $0xb8;
	[tilespmem:$0xA060] =	vst v63  }
0x218: {  	_ =	swait.ge [sflag:s11], $0x280  }
0x219: {  	[sflag:s11] =	ssyncset.done $0x0  }
0x21a: {  	s10 =	simm.s32 $0x2;
	[sflag:s11] =	ssyncadd.s32 $0xFFFFFD80  }
0x21b: {  	_ =	swait.ge [sflag:s10], $0x280  }
0x21c: {  	[sflag:s10] =	ssyncset.done $0x0  }
0x21d: {  	[sflag:s10] =	ssyncadd.s32 $0xFFFFFD80;
	s10 =	sadd.s32 $0x2760, s6  }
0x21e: {  	[spmem:s2] =	stream.indirect.scatter.add.f32 [tilespmem:s14], [sflag:$0x1A], $0x8, s10, s13, $0xb8;
	[tilespmem:$0xA060] =	vst v63  }
0x21f: {  	_ =	swait.ge [sflag:s11], $0x280  }
0x220: {  	[sflag:s11] =	ssyncset.done $0x0  }
0x221: {  	s10 =	simm.s32 $0x3;
	[sflag:s11] =	ssyncadd.s32 $0xFFFFFD80  }
0x222: {  	_ =	swait.ge [sflag:s10], $0x280  }
0x223: {  	[sflag:s10] =	ssyncset.done $0x0  }
0x224: {  	s14 =	sadd.s32 $0x27B0, s6;
	[sflag:s10] =	ssyncadd.s32 $0xFFFFFD80  }
0x225: {  	[spmem:s2] =	stream.indirect.scatter.add.f32 [tilespmem:s15], [sflag:$0x1A], $0x8, s14, s13, $0xb8;
	[tilespmem:$0xA060] =	vst v63  }
0x226: {  	_ =	swait.ge [sflag:s11], $0x280  }
0x227: {  	[sflag:s11] =	ssyncset.done $0x0  }
0x228: {  	s10 =	simm.s32 $0x4;
	[sflag:s11] =	ssyncadd.s32 $0xFFFFFD80  }
0x229: {  	_ =	swait.ge [sflag:s10], $0x280  }
0x22a: {  	[sflag:s10] =	ssyncset.done $0x0  }
0x22b: {  	s14 =	sadd.s32 $0x2800, s6;
	[sflag:s10] =	ssyncadd.s32 $0xFFFFFD80  }
0x22c: {  	[spmem:s2] =	stream.indirect.scatter.add.f32 [tilespmem:s16], [sflag:$0x1A], $0x8, s14, s13, $0xb8;
	[tilespmem:$0xA060] =	vst v63  }
0x22d: {  	_ =	swait.ge [sflag:s11], $0x280  }
0x22e: {  	[sflag:s11] =	ssyncset.done $0x0  }
0x22f: {  	s15 =	simm.s32 $0x5;
	[sflag:s11] =	ssyncadd.s32 $0xFFFFFD80  }
0x230: {  	_ =	swait.ge [sflag:s15], $0x280  }
0x231: {  	[sflag:s15] =	ssyncset.done $0x0  }
0x232: {  	s16 =	sadd.s32 $0x2850, s6;
	[sflag:s15] =	ssyncadd.s32 $0xFFFFFD80  }
0x233: {  	[spmem:s2] =	stream.indirect.scatter.add.f32 [tilespmem:s17], [sflag:$0x1A], $0x8, s16, s13, $0xb8;
	[tilespmem:$0xA060] =	vst v63  }
0x234: {  	_ =	swait.ge [sflag:s11], $0x280  }
0x235: {  	[sflag:s11] =	ssyncset.done $0x0  }
0x236: {  	s10 =	simm.s32 $0x6;
	[sflag:s11] =	ssyncadd.s32 $0xFFFFFD80  }
0x237: {  	_ =	swait.ge [sflag:s10], $0x280  }
0x238: {  	[sflag:s10] =	ssyncset.done $0x0  }
0x239: {  	s14 =	sadd.s32 $0x28A0, s6;
	[sflag:s10] =	ssyncadd.s32 $0xFFFFFD80  }
0x23a: {  	[spmem:s2] =	stream.indirect.scatter.add.f32 [tilespmem:s18], [sflag:$0x1A], $0x8, s14, s13, $0xb8;
	[tilespmem:$0xA060] =	vst v63  }
0x23b: {  	_ =	swait.ge [sflag:s11], $0x280  }
0x23c: {  	[sflag:s11] =	ssyncset.done $0x0  }
0x23d: {  	s15 =	simm.s32 $0x7;
	[sflag:s11] =	ssyncadd.s32 $0xFFFFFD80  }
0x23e: {  	_ =	swait.ge [sflag:s15], $0x280  }
0x23f: {  	[sflag:s15] =	ssyncset.done $0x0  }
0x240: {  	s16 =	sadd.s32 $0x28F0, s6;
	[sflag:s15] =	ssyncadd.s32 $0xFFFFFD80  }
0x241: {  	[spmem:s2] =	stream.indirect.scatter.add.f32 [tilespmem:s19], [sflag:$0x1A], $0x8, s16, s13, $0xb8;
	[tilespmem:$0xA060] =	vst v63  }
0x242: {  	_ =	swait.ge [sflag:s11], $0x280  }
0x243: {  	[sflag:s11] =	ssyncset.done $0x0  }
0x244: {  	s17 =	simm.s32 $0x8;
	[sflag:s11] =	ssyncadd.s32 $0xFFFFFD80  }
0x245: {  	_ =	swait.ge [sflag:s17], $0x280  }
0x246: {  	[sflag:s17] =	ssyncset.done $0x0  }
0x247: {  	s18 =	sadd.s32 $0x2940, s6;
	[sflag:s17] =	ssyncadd.s32 $0xFFFFFD80  }
0x248: {  	[spmem:s2] =	stream.indirect.scatter.add.f32 [tilespmem:s20], [sflag:$0x1A], $0x8, s18, s13, $0xb8;
	[tilespmem:$0xA060] =	vst v63  }
0x249: {  	_ =	swait.ge [sflag:s11], $0x280  }
0x24a: {  	[sflag:s11] =	ssyncset.done $0x0  }
0x24b: {  	s19 =	simm.s32 $0x9;
	[sflag:s11] =	ssyncadd.s32 $0xFFFFFD80  }
0x24c: {  	_ =	swait.ge [sflag:s19], $0x280  }
0x24d: {  	[sflag:s19] =	ssyncset.done $0x0  }
0x24e: {  	s20 =	sadd.s32 $0x2990, s6;
	[sflag:s19] =	ssyncadd.s32 $0xFFFFFD80  }
0x24f: {  	[spmem:s2] =	stream.indirect.scatter.add.f32 [tilespmem:s21], [sflag:$0x1A], $0x8, s20, s13, $0xb8;
	[tilespmem:$0xA060] =	vst v63  }
0x250: {  	_ =	swait.ge [sflag:s11], $0x280  }
0x251: {  	[sflag:s11] =	ssyncset.done $0x0  }
0x252: {  	s10 =	simm.s32 $0xA;
	[sflag:s11] =	ssyncadd.s32 $0xFFFFFD80  }
0x253: {  	_ =	swait.ge [sflag:s10], $0x280  }
0x254: {  	[sflag:s10] =	ssyncset.done $0x0  }
0x255: {  	s14 =	sadd.s32 $0x29E0, s6;
	[sflag:s10] =	ssyncadd.s32 $0xFFFFFD80  }
0x256: {  	[spmem:s2] =	stream.indirect.scatter.add.f32 [tilespmem:s22], [sflag:$0x1A], $0x8, s14, s13, $0xb8;
	[tilespmem:$0xA060] =	vst v63  }
0x257: {  	_ =	swait.ge [sflag:s11], $0x280  }
0x258: {  	[sflag:s11] =	ssyncset.done $0x0  }
0x259: {  	s15 =	simm.s32 $0xB;
	[sflag:s11] =	ssyncadd.s32 $0xFFFFFD80  }
0x25a: {  	_ =	swait.ge [sflag:s15], $0x280  }
0x25b: {  	[sflag:s15] =	ssyncset.done $0x0  }
0x25c: {  	s16 =	sadd.s32 $0x2A30, s6;
	[sflag:s15] =	ssyncadd.s32 $0xFFFFFD80  }
0x25d: {  	[spmem:s2] =	stream.indirect.scatter.add.f32 [tilespmem:s23], [sflag:$0x1A], $0x8, s16, s13, $0xb8;
	[tilespmem:$0xA060] =	vst v63  }
0x25e: {  	_ =	swait.ge [sflag:s11], $0x280  }
0x25f: {  	[sflag:s11] =	ssyncset.done $0x0  }
0x260: {  	s17 =	simm.s32 $0xC;
	[sflag:s11] =	ssyncadd.s32 $0xFFFFFD80  }
0x261: {  	_ =	swait.ge [sflag:s17], $0x280  }
0x262: {  	[sflag:s17] =	ssyncset.done $0x0  }
0x263: {  	s18 =	sadd.s32 $0x2A80, s6;
	[sflag:s17] =	ssyncadd.s32 $0xFFFFFD80  }
0x264: {  	[spmem:s2] =	stream.indirect.scatter.add.f32 [tilespmem:s24], [sflag:$0x1A], $0x8, s18, s13, $0xb8;
	[tilespmem:$0xA060] =	vst v63  }
0x265: {  	_ =	swait.ge [sflag:s11], $0x280  }
0x266: {  	[sflag:s11] =	ssyncset.done $0x0  }
0x267: {  	s19 =	simm.s32 $0xD;
	[sflag:s11] =	ssyncadd.s32 $0xFFFFFD80  }
0x268: {  	_ =	swait.ge [sflag:s19], $0x280  }
0x269: {  	[sflag:s19] =	ssyncset.done $0x0  }
0x26a: {  	s20 =	sadd.s32 $0x2AD0, s6;
	[sflag:s19] =	ssyncadd.s32 $0xFFFFFD80  }
0x26b: {  	[spmem:s2] =	stream.indirect.scatter.add.f32 [tilespmem:s25], [sflag:$0x1A], $0x8, s20, s13, $0xb8;
	[tilespmem:$0xA060] =	vst v63  }
0x26c: {  	_ =	swait.ge [sflag:s11], $0x280  }
0x26d: {  	[sflag:s11] =	ssyncset.done $0x0  }
0x26e: {  	s21 =	simm.s32 $0xE;
	[sflag:s11] =	ssyncadd.s32 $0xFFFFFD80  }
0x26f: {  	_ =	swait.ge [sflag:s21], $0x280  }
0x270: {  	[sflag:s21] =	ssyncset.done $0x0  }
0x271: {  	s22 =	sadd.s32 $0x2B20, s6;
	[sflag:s21] =	ssyncadd.s32 $0xFFFFFD80  }
0x272: {  	[spmem:s2] =	stream.indirect.scatter.add.f32 [tilespmem:s26], [sflag:$0x1A], $0x8, s22, s13, $0xb8;
	[tilespmem:$0xA060] =	vst v63  }
0x273: {  	_ =	swait.ge [sflag:s11], $0x280  }
0x274: {  	[sflag:s11] =	ssyncset.done $0x0  }
0x275: {  	s23 =	simm.s32 $0xF;
	[sflag:s11] =	ssyncadd.s32 $0xFFFFFD80  }
0x276: {  	_ =	swait.ge [sflag:s23], $0x280  }
0x277: {  	[sflag:s23] =	ssyncset.done $0x0  }
0x278: {  	s24 =	sadd.s32 $0x2B70, s6;
	[sflag:s23] =	ssyncadd.s32 $0xFFFFFD80  }
0x279: {  	[spmem:s2] =	stream.indirect.scatter.add.f32 [tilespmem:s28], [sflag:$0x1A], $0x8, s24, s13, $0xb8;
	[tilespmem:$0xA060] =	vst v63  }
0x27a: {  	_ =	swait.ge [sflag:s11], $0x280  }
0x27b: {  	[sflag:s11] =	ssyncset.done $0x0  }
0x27c: {  	s25 =	simm.s32 $0x10;
	[sflag:s11] =	ssyncadd.s32 $0xFFFFFD80  }
0x27d: {  	_ =	swait.ge [sflag:s25], $0x280  }
0x27e: {  	[sflag:s25] =	ssyncset.done $0x0  }
0x27f: {  	s26 =	sadd.s32 $0x2BC0, s6;
	[sflag:s25] =	ssyncadd.s32 $0xFFFFFD80  }
0x280: {  	[spmem:s2] =	stream.indirect.scatter.add.f32 [tilespmem:s29], [sflag:$0x1A], $0x8, s26, s13, $0xb8;
	[tilespmem:$0xA060] =	vst v63  }
0x281: {  	_ =	swait.ge [sflag:s11], $0x280  }
0x282: {  	[sflag:s11] =	ssyncset.done $0x0  }
0x283: {  	s28 =	simm.s32 $0x11;
	[sflag:s11] =	ssyncadd.s32 $0xFFFFFD80  }
0x284: {  	_ =	swait.ge [sflag:s28], $0x280  }
0x285: {  	[sflag:s28] =	ssyncset.done $0x0  }
0x286: {  	s29 =	sadd.s32 $0x2C10, s6;
	[sflag:s28] =	ssyncadd.s32 $0xFFFFFD80  }
0x287: {  	[spmem:s2] =	stream.indirect.scatter.add.f32 [tilespmem:s1], [sflag:$0x1A], $0x8, s29, s13, $0xb8;
	[tilespmem:$0xA060] =	vst v63  }
0x288: {  	_ =	swait.ge [sflag:s11], $0x280  }
0x289: {  	[sflag:s11] =	ssyncset.done $0x0  }
0x28a: {  	s10 =	simm.s32 $0x12;
	[sflag:s11] =	ssyncadd.s32 $0xFFFFFD80  }
0x28b: {  	_ =	swait.ge [sflag:s10], $0x280  }
0x28c: {  	[sflag:s10] =	ssyncset.done $0x0  }
0x28d: {  	s14 =	sadd.s32 $0x2C60, s6;
	[sflag:s10] =	ssyncadd.s32 $0xFFFFFD80  }
0x28e: {  	[spmem:s2] =	stream.indirect.scatter.add.f32 [tilespmem:s0], [sflag:$0x1A], $0x8, s14, s13, $0xb8;
	[tilespmem:$0xA060] =	vst v63  }
0x28f: {  	_ =	swait.ge [sflag:s11], $0x280  }
0x290: {  	[sflag:s11] =	ssyncset.done $0x0  }
0x291: {  	s15 =	simm.s32 $0x13;
	[sflag:s11] =	ssyncadd.s32 $0xFFFFFD80  }
0x292: {  	_ =	swait.ge [sflag:s15], $0x280  }
0x293: {  	[sflag:s15] =	ssyncset.done $0x0  }
0x294: {  	s16 =	sadd.s32 $0x2CB0, s6;
	[sflag:s15] =	ssyncadd.s32 $0xFFFFFD80  }
0x295: {  	[spmem:s2] =	stream.indirect.scatter.add.f32 [tilespmem:s12], [sflag:$0x1A], $0x8, s16, s13, $0xb8;
	[tilespmem:$0xA060] =	vst v63  }
0x296: {  	_ =	swait.ge [sflag:s11], $0x280  }
0x297: {  	[sflag:s11] =	ssyncset.done $0x0  }
0x298: {  	s17 =	simm.s32 $0x14;
	[sflag:s11] =	ssyncadd.s32 $0xFFFFFD80  }
0x299: {  	_ =	swait.ge [sflag:s17], $0x280  }
0x29a: {  	[sflag:s17] =	ssyncset.done $0x0  }
0x29b: {  	s18 =	sadd.s32 $0x2D00, s6;
	[sflag:s17] =	ssyncadd.s32 $0xFFFFFD80  }
0x29c: {  	[spmem:s2] =	stream.indirect.scatter.add.f32 [tilespmem:s3], [sflag:$0x1A], $0x8, s18, s13, $0xb8;
	[tilespmem:$0xA060] =	vst v63  }
0x29d: {  	_ =	swait.ge [sflag:s11], $0x280  }
0x29e: {  	[sflag:s11] =	ssyncset.done $0x0  }
0x29f: {  	s19 =	simm.s32 $0x15;
	[sflag:s11] =	ssyncadd.s32 $0xFFFFFD80  }
0x2a0: {  	_ =	swait.ge [sflag:s19], $0x280  }
0x2a1: {  	[sflag:s19] =	ssyncset.done $0x0  }
0x2a2: {  	s20 =	sadd.s32 $0x2D50, s6;
	[sflag:s19] =	ssyncadd.s32 $0xFFFFFD80  }
0x2a3: {  	[spmem:s2] =	stream.indirect.scatter.add.f32 [tilespmem:s5], [sflag:$0x1A], $0x8, s20, s13, $0xb8;
	[tilespmem:$0xA060] =	vst v63  }
0x2a4: {  	_ =	swait.ge [sflag:s11], $0x280  }
0x2a5: {  	[sflag:s11] =	ssyncset.done $0x0  }
0x2a6: {  	s21 =	simm.s32 $0x16;
	[sflag:s11] =	ssyncadd.s32 $0xFFFFFD80  }
0x2a7: {  	_ =	swait.ge [sflag:s21], $0x280  }
0x2a8: {  	[sflag:s21] =	ssyncset.done $0x0  }
0x2a9: {  	s22 =	sadd.s32 $0x2DA0, s6;
	[sflag:s21] =	ssyncadd.s32 $0xFFFFFD80  }
0x2aa: {  	[spmem:s2] =	stream.indirect.scatter.add.f32 [tilespmem:s7], [sflag:$0x1A], $0x8, s22, s13, $0xb8;
	[tilespmem:$0xA060] =	vst v63  }
0x2ab: {  	_ =	swait.ge [sflag:s11], $0x280  }
0x2ac: {  	[sflag:s11] =	ssyncset.done $0x0  }
0x2ad: {  	s23 =	simm.s32 $0x17;
	[sflag:s11] =	ssyncadd.s32 $0xFFFFFD80  }
0x2ae: {  	_ =	swait.ge [sflag:s23], $0x280  }
0x2af: {  	[sflag:s23] =	ssyncset.done $0x0  }
0x2b0: {  	s24 =	sadd.s32 $0x2DF0, s6;
	[sflag:s23] =	ssyncadd.s32 $0xFFFFFD80  }
0x2b1: {  	[spmem:s2] =	stream.indirect.scatter.add.f32 [tilespmem:s8], [sflag:$0x1A], $0x8, s24, s13, $0xb8;
	[tilespmem:$0xA060] =	vst v63  }
0x2b2: {  	_ =	swait.ge [sflag:s11], $0x280  }
0x2b3: {  	[sflag:s11] =	ssyncset.done $0x0  }
0x2b4: {  	s25 =	simm.s32 $0x18;
	[sflag:s11] =	ssyncadd.s32 $0xFFFFFD80  }
0x2b5: {  	_ =	swait.ge [sflag:s25], $0x280  }
0x2b6: {  	[sflag:s25] =	ssyncset.done $0x0  }
0x2b7: {  	s26 =	sadd.s32 $0x2E40, s6;
	[sflag:s25] =	ssyncadd.s32 $0xFFFFFD80  }
0x2b8: {  	[spmem:s2] =	stream.indirect.scatter.add.f32 [tilespmem:s30], [sflag:$0x1A], $0x8, s26, s13, $0xb8;
	[tilespmem:$0xA060] =	vst v63  }
0x2b9: {  	_ =	swait.ge [sflag:s11], $0x280  }
0x2ba: {  	[sflag:s11] =	ssyncset.done $0x0  }
0x2bb: {  	s28 =	simm.s32 $0x19;
	[sflag:s11] =	ssyncadd.s32 $0xFFFFFD80  }
0x2bc: {  	_ =	swait.ge [sflag:s28], $0x280  }
0x2bd: {  	[sflag:s28] =	ssyncset.done $0x0  }
0x2be: {  	s6 =	sadd.s32 $0x2E90, s6;
	[sflag:s28] =	ssyncadd.s32 $0xFFFFFD80  }
0x2bf: {  	[spmem:s2] =	stream.indirect.scatter.add.f32 [tilespmem:s31], [sflag:$0x1A], $0x8, s6, s13, $0xb8;
	[tilespmem:$0xA060] =	vst v63  }
0x2c0: {  	_ =	swait.ge [sflag:s11], $0x280  }
0x2c1: {  	[sflag:s11] =	ssyncset.done $0x0  }
0x2c2: {  	[sflag:s11] =	ssyncadd.s32 $0xFFFFFD80  }
0x2c3: {  	[bflag:$0x0] =	sbarrier.arrive $0xFFFF  }
0x2c4: {  	s9 =	rddreg [dreg:$0x5]  }
0x2c5: {  	s10 =	rddreg [dreg:$0x9]  }
0x2c6: {  	s29 =	rddreg [dreg:$0xa]  }
0x2c7: {  	[hbm:s29], [sflag:s9] =	dma.local [spmem:s10], $0x278  }
0x2c8: {  	_ =	swait.ge [sflag:s11], $0x278  }
0x2c9: {  	s30 =	rddreg [dreg:$0xb]  }
0x2ca: {  	s31 =	rddreg [dreg:$0x8];
	s0 =	sadd.s32 $0x1, s30  }
0x2cb: {  	p0 =	sne.s32 s0, s31  }
.Ltmp1:
0x2cc: {  	_ = 	snop;
	(pc) =	sbr.rel @p0 .LBB2_1-.Ltmp1, $3  }
0x2cd: {  	_ =	sdelay $0x1  }
0x2ce: {  	[sflag:s11] =	ssyncset.done $0x0  }
0x2cf: {  	[sflag:s11] =	ssyncadd.s32 $0xFFFFFD88  }
0x2d0: {  	_ =	sfence.sel $0x180000  }
0x2d1: {  	[bflag:$0x0] =	sbarrier.arrive $0xFFFF  }
0x2d2: {  	_ =	strace $0x9000004A  }
0x2d3: {  	s0 =	stileid.u32;
	[bflag:$0x2] =	sbarrier.arrive $0xFFFF  }
0x2d4: {  	p0 =	sne.s32 s0, $0x0;
	s0 =	rddreg [dreg:$0x3]  }
0x2d5: {  	s0 =	sadd.s32 @!p0 $0x100000, s0  }
0x2d6: {  	[sflag:s0] =	ssyncadd.tile.s32 @!p0 $0x1;
	_ =	shalt  }
.Lfunc_end2:
_tile_overlayer_lowered:
.L_overlay_start_2:
0x2d7: {  	(tag) =	ssettag $0x2  }
0x2d8: {  	s0 =	rddreg [dreg:$0x0];
	s2 =	stileid.u32  }
0x2d9: {  	s1 =	rddreg [dreg:$0x1];
	p0 =	sne.s32 s2, $0x0  }
0x2da: {  	s3 =	rddreg [dreg:$0x2];
	[bflag:$0x3] =	sbarrier.arrive $0xFFFF;
	s2 =	simm.s32 @!p0 $0x1C1A  }
0x2db: {  	[timem:s3], [sflag:s2] =	dma.local @!p0 [hbm:s0], s1  }
0x2dc: {  	s0 =	simm.s32 @!p0 $0x1A  }
0x2dd: {  	_ =	swait.ge @!p0 [sflag:s0], s1  }
0x2de: {  	s1 =	ssub.s32 @!p0 $0x0, s1;
	[sflag:s0] =	ssyncset.done @!p0 $0x0  }
0x2df: {  	[sflag:s0] =	ssyncadd.s32 @!p0 s1  }
0x2e0: {  	[bflag:$0x3] =	sbarrier.arrive $0xFFFF  }
0x2e1: {  	_ =	shalt  }

</sc_bundles>
